<compile_context>
chip_gen: v7x
topology: tpu7x:2x2x1
jax: 0.10.2.dev20260603
libtpu: 0.0.44.dev20260713+nightly
codegen_flags: <defaults>
</compile_context>

<pallas_src>
import jax
import jax.numpy as jnp
from jax import lax
from jax.experimental import pallas as pl
from jax.experimental.pallas import tpu as pltpu
from jax.experimental.pallas import tpu_sc as plsc

_N = 1195
_NU = 805
_NI = 390
_D = 64
_E = 262144
_NC = 2
_NS = 16
_NW = _NC * _NS
_EPW = _E // _NW
_CHUNK = 128
_ZC = 8192
_S = 90112
_PAD = _NS * _S


def _sc_body(edges, out, a_sh, src_v, dst_v, idx_v, ones_v, zero_v):
    c = lax.axis_index("c")
    s = lax.axis_index("s")
    wid = s * _NC + c
    base = wid * _EPW

    zvec = jnp.zeros((16,), jnp.float32)

    def _zfill(i, carry):
        zero_v[pl.ds(i * 16, 16)] = zvec
        return carry

    lax.fori_loop(0, _ZC // 16, _zfill, 0)
    ovec = jnp.ones((16,), jnp.float32)
    for i in range(_CHUNK // 16):
        ones_v[pl.ds(i * 16, 16)] = ovec

    for i in range(_S // _ZC):
        pltpu.sync_copy(zero_v, a_sh.at[pl.ds(s * _S + i * _ZC, _ZC)])

    pltpu.sync_copy(edges.at[0, pl.ds(base, _EPW)], src_v)
    pltpu.sync_copy(edges.at[1, pl.ds(base, _EPW)], dst_v)

    def _ifill(k, carry):
        j = k // (_CHUNK // 16)
        l = k % (_CHUNK // 16)
        d = dst_v[pl.ds(k * 16, 16)]
        r = src_v[pl.ds(k * 16, 16)]
        idx_v[j, pl.ds(l * 16, 16)] = d * _N + r
        return carry

    lax.fori_loop(0, _EPW // 16, _ifill, 0)

    plsc.subcore_barrier()

    for j in range(_EPW // _CHUNK):
        pltpu.sync_copy(ones_v, a_sh.at[idx_v.at[j]], add=True)

    plsc.subcore_barrier()

    pltpu.sync_copy(a_sh.at[pl.ds(s * _S, _S)], out.at[c, pl.ds(s * _S, _S)])


_sc_build_counts = pl.kernel(
    _sc_body,
    out_type=jax.ShapeDtypeStruct((_NC, _PAD), jnp.float32),
    mesh=plsc.VectorSubcoreMesh(core_axis_name="c", subcore_axis_name="s"),
    scratch_types=[
        pltpu.VMEM_SHARED((_PAD,), jnp.float32),
        pltpu.VMEM((_EPW,), jnp.int32),
        pltpu.VMEM((_EPW,), jnp.int32),
        pltpu.VMEM((_EPW // _CHUNK, _CHUNK), jnp.int32),
        pltpu.VMEM((_CHUNK,), jnp.float32),
        pltpu.VMEM((_ZC,), jnp.float32),
    ],
)


def _tc_body(a0, a1, x, w1, b1, w2, b2, cu_out, ci_out):
    f32 = jnp.float32

    def dot(u, v, prec=lax.Precision.DEFAULT):
        return lax.dot_general(u, v, (((1,), (0,)), ((), ())),
                               precision=prec, preferred_element_type=f32)

    def dot_t(u, v):
        return lax.dot_general(u, v, (((1,), (1,)), ((), ())),
                               precision=lax.Precision.DEFAULT,
                               preferred_element_type=f32)

    def agg(u, v):
        return dot(u, v, prec=lax.Precision.HIGHEST)

    a = a0[...] + a1[...]
    cnt = jnp.sum(a, axis=1, keepdims=True)
    inv = 1.0 / jnp.maximum(cnt, 1.0)

    x2 = jnp.tanh((agg(a, dot_t(x[...], w1[...])) + cnt * b1[...]) * inv)
    x6 = jnp.tanh((agg(a, dot_t(x2, w2[...])) + cnt * b2[...]) * inv)

    c0 = x6[:_NU]
    c1 = x6[_NU:]
    cu_out[...] = c1 / jnp.maximum(
        jnp.sqrt(jnp.sum(c1 * c1, axis=1, keepdims=True)), 1e-12)
    ci_out[...] = c0 / jnp.maximum(
        jnp.sqrt(jnp.sum(c0 * c0, axis=1, keepdims=True)), 1e-12)


def _tc_final_body(e, ci, out):
    out[...] = lax.dot_general(e[...], ci[...], (((1,), (1,)), ((), ())),
                               precision=lax.Precision.DEFAULT,
                               preferred_element_type=jnp.float32)


def kernel(edge_index_SH, edge_index_SS, edge_index_HH, prescription, SH_table,
           W1, b1, W2, b2, W1h, b1h, W2h, b2h, Wm, bm, gamma, beta):
    del edge_index_SS, edge_index_HH, W1h, b1h, W2h, b2h
    edges = edge_index_SH.astype(jnp.int32)
    parts = _sc_build_counts(edges)
    a0 = parts[0, :_N * _N].reshape(_N, _N)
    a1 = parts[1, :_N * _N].reshape(_N, _N)
    cu, ci = pl.pallas_call(
        _tc_body,
        out_shape=[jax.ShapeDtypeStruct((_NI, _D), jnp.float32),
                   jax.ShapeDtypeStruct((_NU, _D), jnp.float32)],
    )(a0, a1, SH_table, W1, b1.reshape(1, _D), W2, b2.reshape(1, _D))

    e_synd = prescription @ cu
    preSum = jnp.sum(prescription, axis=1, keepdims=True)
    e = e_synd / preSum
    e = e @ Wm.T + bm
    mu = jnp.mean(e, axis=0)
    var = jnp.var(e, axis=0)
    e = (e - mu) / jnp.sqrt(var + 1e-5) * gamma + beta
    e = jax.nn.relu(e)
    return pl.pallas_call(
        _tc_final_body,
        out_shape=jax.ShapeDtypeStruct((prescription.shape[0], _NU), jnp.float32),
    )(e, ci)

# --- scband reference (transcript-rebuilt; emitter-appended) ---
"""Pipeline reference for scband-kdhr-42528766165502 (READ-ONLY COPY).

The authoritative reference and input builder live on the scoring server;
editing this copy changes nothing except your own understanding.
"""

import jax, jax.numpy as jnp
import numpy as np

N_SH = 1195
N_U = 805
N_I = 390
D = 64
B = 1024
E_SH = 262144
E_SS = 65536
E_HH = 32768


def _gcn_sh(x, edge_index, W, b):
    # GCNConv_SH: message = Linear(x_j), aggr='mean', then tanh
    src = edge_index[0]
    dst = edge_index[1]
    msg = x[src] @ W.T + b
    agg = jax.ops.segment_sum(msg, dst, num_segments=N_SH)
    cnt = jax.ops.segment_sum(jnp.ones((msg.shape[0],), dtype=x.dtype), dst, num_segments=N_SH)
    out = agg / jnp.maximum(cnt, 1.0)[:, None]
    return jnp.tanh(out)


def _l2norm(x, axis=1):
    n = jnp.linalg.norm(x, axis=axis, keepdims=True)
    return x / jnp.clip(n, 1e-12)


def setup_inputs(seed: int = 0):
    key = jax.random.key(seed)
    ks = jax.random.split(key, 16)
    s = 0.05
    return {
        "edge_index_SH": jax.random.randint(ks[0], (2, E_SH), 0, N_SH),
        "edge_index_SS": jax.random.randint(ks[1], (2, E_SS), 0, N_U),
        "edge_index_HH": jax.random.randint(ks[2], (2, E_HH), 0, N_I),
        "prescription": jax.random.uniform(ks[3], (B, N_I), dtype=jnp.float32),
        "SH_table": jax.random.normal(ks[4], (N_SH, D), dtype=jnp.float32) * s,
        "W1": jax.random.normal(ks[5], (D, D), dtype=jnp.float32) * s,
        "b1": jnp.zeros((D,), dtype=jnp.float32),
        "W2": jax.random.normal(ks[6], (D, D), dtype=jnp.float32) * s,
        "b2": jnp.zeros((D,), dtype=jnp.float32),
        "W1h": jax.random.normal(ks[7], (D, D), dtype=jnp.float32) * s,
        "b1h": jnp.zeros((D,), dtype=jnp.float32),
        "W2h": jax.random.normal(ks[8], (D, D), dtype=jnp.float32) * s,
        "b2h": jnp.zeros((D,), dtype=jnp.float32),
        "Wm": jax.random.normal(ks[9], (D, D), dtype=jnp.float32) * s,
        "bm": jnp.zeros((D,), dtype=jnp.float32),
        "gamma": jnp.ones((D,), dtype=jnp.float32),
        "beta": jnp.zeros((D,), dtype=jnp.float32),
    }


def reference(edge_index_SH, edge_index_SS, edge_index_HH, prescription, SH_table,
              W1, b1, W2, b2, W1h, b1h, W2h, b2h, Wm, bm, gamma, beta):
    # embedding lookup with l = arange(1195) -> full table
    x_SH1 = SH_table
    x_SH2 = _gcn_sh(x_SH1, edge_index_SH, W1, b1)
    x_SH6 = _gcn_sh(x_SH2, edge_index_SH, W2, b2)
    x_SH11 = SH_table
    x_SH22 = _gcn_sh(x_SH11, edge_index_SH, W1h, b1h)
    x_SH66 = _gcn_sh(x_SH22, edge_index_SH, W2h, b2h)
    # splits
    p0, p1 = x_SH11[:N_U], x_SH11[N_U:]
    c0, c1 = x_SH6[:N_U], x_SH6[N_U:]
    # Same2Loss-style normalized current embeddings (c_u: herbs/390, c_i: symptoms/805)
    c_u = _l2norm(c1, axis=1)
    c_i = _l2norm(c0, axis=1)
    es = c_u.reshape(N_I, -1)
    e_synd = prescription @ es
    preSum = jnp.sum(prescription, axis=1, keepdims=True)
    e = e_synd / preSum
    # mlp
    e = e @ Wm.T + bm
    # BatchNorm1d (training-mode batch stats)
    mu = jnp.mean(e, axis=0)
    var = jnp.var(e, axis=0)
    e = (e - mu) / jnp.sqrt(var + 1e-5) * gamma + beta
    e = jax.nn.relu(e)
    eh = c_i.reshape(N_U, -1)
    pre = e @ eh.T
    return pre


if False:  # reference __main__ guard neutralized (emitter)
    out = reference(**setup_inputs())
    print(out.shape)

if __name__ == "__main__":
    import jax
    _d = setup_inputs()
    print(jax.jit(kernel)(*tuple(_d.values())))

</pallas_src>

<mosaic_0001>
#map = affine_map<(d0, d1) -> (0, 0)>
module attributes {stable_mosaic.version = 14 : i64} {
  func.func @_sc_body(%arg0: i32, %arg1: i32, %arg2: memref<2x262144xi32, #tpu.memory_space<hbm>>, %arg3: memref<2x1441792xf32, #tpu.memory_space<hbm>>, %arg4: memref<1441792xf32, #tpu.memory_space<vmem_shared>>, %arg5: memref<8192xi32, #tpu.memory_space<vmem>>, %arg6: memref<8192xi32, #tpu.memory_space<vmem>>, %arg7: memref<64x128xi32, #tpu.memory_space<vmem>>, %arg8: memref<128xf32, #tpu.memory_space<vmem>>, %arg9: memref<8192xf32, #tpu.memory_space<vmem>>) attributes {dimension_semantics = [#tpu.dimension_semantics<core_parallel>, #tpu.dimension_semantics<subcore_parallel>], iteration_bounds = array<i64: 2, 16>, scalar_prefetch = 0 : i64, scratch_operands = 6 : i64, tpu.core_type = #tpu.core_type<sc_vector_subcore>, window_params = [{transform_indices = #map}, {transform_indices = #map}]} {
    %mul3A = arith.constant 2 : i32
    %mul3A_0 = arith.muli %arg1, %mul3A : i32
    %add3A = arith.addi %mul3A_0, %arg0 : i32
    %mul3A_1 = arith.constant 8192 : i32
    %mul3A_2 = arith.muli %add3A, %mul3A_1 : i32
    %broadcast_in_dim3A = arith.constant 0.000000e+00 : f32
    %broadcast_in_dim3A_3 = vector.broadcast %broadcast_in_dim3A : f32 to vector<16xf32>
    %scan3A = arith.constant 0 : i32
    %scan3A_4 = arith.constant 0 : i32
    %scan3A_5 = arith.constant 512 : i32
    %scan3A_6 = arith.addi %scan3A_4, %scan3A_5 : i32
    %scan3A_7 = arith.constant 1 : i32
    scf.for %scan3A_162 = %scan3A_4 to %scan3A_6 step %scan3A_7  : i32 {
      %mul3A_163 = arith.constant 16 : i32
      %mul3A_164 = arith.muli %scan3A_162, %mul3A_163 : i32
      %swap3A_165 = arith.index_cast %mul3A_164 : i32 to index
      %swap3A_166 = tpu.vector_load %arg9[%swap3A_165] {strides = array<i32>} : memref<8192xf32, #tpu.memory_space<vmem>>, vector<16xf32>,
      %swap3A_167 = vector.shape_cast %swap3A_166 : vector<16xf32> to vector<16xf32>
      %swap3A_168 = vector.shape_cast %broadcast_in_dim3A_3 : vector<16xf32> to vector<16xf32>
      tpu.vector_store %arg9[%swap3A_165], %swap3A_168 {strides = array<i32>} : memref<8192xf32, #tpu.memory_space<vmem>>, vector<16xf32>,
    }
    %scan3A_8 = arith.constant 512 : i32
    %broadcast_in_dim3A_9 = arith.constant 1.000000e+00 : f32
    %broadcast_in_dim3A_10 = vector.broadcast %broadcast_in_dim3A_9 : f32 to vector<16xf32>
    %swap3A = arith.constant 0 : index
    %swap3A_11 = tpu.vector_load %arg8[%swap3A] {strides = array<i32>} : memref<128xf32, #tpu.memory_space<vmem>>, vector<16xf32>,
    %swap3A_12 = vector.shape_cast %swap3A_11 : vector<16xf32> to vector<16xf32>
    %swap3A_13 = vector.shape_cast %broadcast_in_dim3A_10 : vector<16xf32> to vector<16xf32>
    tpu.vector_store %arg8[%swap3A], %swap3A_13 {strides = array<i32>} : memref<128xf32, #tpu.memory_space<vmem>>, vector<16xf32>,
    %swap3A_14 = arith.constant 16 : index
    %swap3A_15 = tpu.vector_load %arg8[%swap3A_14] {strides = array<i32>} : memref<128xf32, #tpu.memory_space<vmem>>, vector<16xf32>,
    %swap3A_16 = vector.shape_cast %swap3A_15 : vector<16xf32> to vector<16xf32>
    %swap3A_17 = vector.shape_cast %broadcast_in_dim3A_10 : vector<16xf32> to vector<16xf32>
    tpu.vector_store %arg8[%swap3A_14], %swap3A_17 {strides = array<i32>} : memref<128xf32, #tpu.memory_space<vmem>>, vector<16xf32>,
    %swap3A_18 = arith.constant 32 : index
    %swap3A_19 = tpu.vector_load %arg8[%swap3A_18] {strides = array<i32>} : memref<128xf32, #tpu.memory_space<vmem>>, vector<16xf32>,
    %swap3A_20 = vector.shape_cast %swap3A_19 : vector<16xf32> to vector<16xf32>
    %swap3A_21 = vector.shape_cast %broadcast_in_dim3A_10 : vector<16xf32> to vector<16xf32>
    tpu.vector_store %arg8[%swap3A_18], %swap3A_21 {strides = array<i32>} : memref<128xf32, #tpu.memory_space<vmem>>, vector<16xf32>,
    %swap3A_22 = arith.constant 48 : index
    %swap3A_23 = tpu.vector_load %arg8[%swap3A_22] {strides = array<i32>} : memref<128xf32, #tpu.memory_space<vmem>>, vector<16xf32>,
    %swap3A_24 = vector.shape_cast %swap3A_23 : vector<16xf32> to vector<16xf32>
    %swap3A_25 = vector.shape_cast %broadcast_in_dim3A_10 : vector<16xf32> to vector<16xf32>
    tpu.vector_store %arg8[%swap3A_22], %swap3A_25 {strides = array<i32>} : memref<128xf32, #tpu.memory_space<vmem>>, vector<16xf32>,
    %swap3A_26 = arith.constant 64 : index
    %swap3A_27 = tpu.vector_load %arg8[%swap3A_26] {strides = array<i32>} : memref<128xf32, #tpu.memory_space<vmem>>, vector<16xf32>,
    %swap3A_28 = vector.shape_cast %swap3A_27 : vector<16xf32> to vector<16xf32>
    %swap3A_29 = vector.shape_cast %broadcast_in_dim3A_10 : vector<16xf32> to vector<16xf32>
    tpu.vector_store %arg8[%swap3A_26], %swap3A_29 {strides = array<i32>} : memref<128xf32, #tpu.memory_space<vmem>>, vector<16xf32>,
    %swap3A_30 = arith.constant 80 : index
    %swap3A_31 = tpu.vector_load %arg8[%swap3A_30] {strides = array<i32>} : memref<128xf32, #tpu.memory_space<vmem>>, vector<16xf32>,
    %swap3A_32 = vector.shape_cast %swap3A_31 : vector<16xf32> to vector<16xf32>
    %swap3A_33 = vector.shape_cast %broadcast_in_dim3A_10 : vector<16xf32> to vector<16xf32>
    tpu.vector_store %arg8[%swap3A_30], %swap3A_33 {strides = array<i32>} : memref<128xf32, #tpu.memory_space<vmem>>, vector<16xf32>,
    %swap3A_34 = arith.constant 96 : index
    %swap3A_35 = tpu.vector_load %arg8[%swap3A_34] {strides = array<i32>} : memref<128xf32, #tpu.memory_space<vmem>>, vector<16xf32>,
    %swap3A_36 = vector.shape_cast %swap3A_35 : vector<16xf32> to vector<16xf32>
    %swap3A_37 = vector.shape_cast %broadcast_in_dim3A_10 : vector<16xf32> to vector<16xf32>
    tpu.vector_store %arg8[%swap3A_34], %swap3A_37 {strides = array<i32>} : memref<128xf32, #tpu.memory_space<vmem>>, vector<16xf32>,
    %swap3A_38 = arith.constant 112 : index
    %swap3A_39 = tpu.vector_load %arg8[%swap3A_38] {strides = array<i32>} : memref<128xf32, #tpu.memory_space<vmem>>, vector<16xf32>,
    %swap3A_40 = vector.shape_cast %swap3A_39 : vector<16xf32> to vector<16xf32>
    %swap3A_41 = vector.shape_cast %broadcast_in_dim3A_10 : vector<16xf32> to vector<16xf32>
    tpu.vector_store %arg8[%swap3A_38], %swap3A_41 {strides = array<i32>} : memref<128xf32, #tpu.memory_space<vmem>>, vector<16xf32>,
    %mul3A_42 = arith.constant 90112 : i32
    %mul3A_43 = arith.muli %arg1, %mul3A_42 : i32
    %add3A_44 = arith.constant 0 : i32
    %add3A_45 = arith.addi %mul3A_43, %add3A_44 : i32
    "tpu.region"() ({
      %run_scoped3A_162 = tpu.sem_alloc : memref<!tpu.dma_semaphore, #tpu.memory_space<semaphore_mem>>
      %dma_start3A = tpu.memref_slice %arg4[%add3A_45] : memref<1441792xf32, #tpu.memory_space<vmem_shared>> -> memref<8192xf32, #tpu.memory_space<vmem_shared>>
      %dma_start3A_163 = tpu.memref_slice %arg4[%add3A_45] : memref<1441792xf32, #tpu.memory_space<vmem_shared>> -> memref<8192xf32, #tpu.memory_space<vmem_shared>>
      tpu.enqueue_dma source(%arg9 : memref<8192xf32, #tpu.memory_space<vmem>>) target(%dma_start3A_163 : memref<8192xf32, #tpu.memory_space<vmem_shared>>) target_semaphore(%run_scoped3A_162 : memref<!tpu.dma_semaphore, #tpu.memory_space<semaphore_mem>>)
      %dma_wait3A = tpu.memref_slice %arg4[%add3A_45] : memref<1441792xf32, #tpu.memory_space<vmem_shared>> -> memref<8192xf32, #tpu.memory_space<vmem_shared>>
      %dma_wait3A_164 = tpu.memref_slice %arg4[%add3A_45] : memref<1441792xf32, #tpu.memory_space<vmem_shared>> -> memref<8192xf32, #tpu.memory_space<vmem_shared>>
      tpu.wait_dma2 semaphore(%run_scoped3A_162 : memref<!tpu.dma_semaphore, #tpu.memory_space<semaphore_mem>>) src(%arg9 : memref<8192xf32, #tpu.memory_space<vmem>>) dst(%dma_wait3A_164 : memref<8192xf32, #tpu.memory_space<vmem_shared>>)
      tpu.yield
    }) : () -> ()
    %mul3A_46 = arith.constant 90112 : i32
    %mul3A_47 = arith.muli %arg1, %mul3A_46 : i32
    %add3A_48 = arith.constant 8192 : i32
    %add3A_49 = arith.addi %mul3A_47, %add3A_48 : i32
    "tpu.region"() ({
      %run_scoped3A_162 = tpu.sem_alloc : memref<!tpu.dma_semaphore, #tpu.memory_space<semaphore_mem>>
      %dma_start3A = tpu.memref_slice %arg4[%add3A_49] : memref<1441792xf32, #tpu.memory_space<vmem_shared>> -> memref<8192xf32, #tpu.memory_space<vmem_shared>>
      %dma_start3A_163 = tpu.memref_slice %arg4[%add3A_49] : memref<1441792xf32, #tpu.memory_space<vmem_shared>> -> memref<8192xf32, #tpu.memory_space<vmem_shared>>
      tpu.enqueue_dma source(%arg9 : memref<8192xf32, #tpu.memory_space<vmem>>) target(%dma_start3A_163 : memref<8192xf32, #tpu.memory_space<vmem_shared>>) target_semaphore(%run_scoped3A_162 : memref<!tpu.dma_semaphore, #tpu.memory_space<semaphore_mem>>)
      %dma_wait3A = tpu.memref_slice %arg4[%add3A_49] : memref<1441792xf32, #tpu.memory_space<vmem_shared>> -> memref<8192xf32, #tpu.memory_space<vmem_shared>>
      %dma_wait3A_164 = tpu.memref_slice %arg4[%add3A_49] : memref<1441792xf32, #tpu.memory_space<vmem_shared>> -> memref<8192xf32, #tpu.memory_space<vmem_shared>>
      tpu.wait_dma2 semaphore(%run_scoped3A_162 : memref<!tpu.dma_semaphore, #tpu.memory_space<semaphore_mem>>) src(%arg9 : memref<8192xf32, #tpu.memory_space<vmem>>) dst(%dma_wait3A_164 : memref<8192xf32, #tpu.memory_space<vmem_shared>>)
      tpu.yield
    }) : () -> ()
    %mul3A_50 = arith.constant 90112 : i32
    %mul3A_51 = arith.muli %arg1, %mul3A_50 : i32
    %add3A_52 = arith.constant 16384 : i32
    %add3A_53 = arith.addi %mul3A_51, %add3A_52 : i32
    "tpu.region"() ({
      %run_scoped3A_162 = tpu.sem_alloc : memref<!tpu.dma_semaphore, #tpu.memory_space<semaphore_mem>>
      %dma_start3A = tpu.memref_slice %arg4[%add3A_53] : memref<1441792xf32, #tpu.memory_space<vmem_shared>> -> memref<8192xf32, #tpu.memory_space<vmem_shared>>
      %dma_start3A_163 = tpu.memref_slice %arg4[%add3A_53] : memref<1441792xf32, #tpu.memory_space<vmem_shared>> -> memref<8192xf32, #tpu.memory_space<vmem_shared>>
      tpu.enqueue_dma source(%arg9 : memref<8192xf32, #tpu.memory_space<vmem>>) target(%dma_start3A_163 : memref<8192xf32, #tpu.memory_space<vmem_shared>>) target_semaphore(%run_scoped3A_162 : memref<!tpu.dma_semaphore, #tpu.memory_space<semaphore_mem>>)
      %dma_wait3A = tpu.memref_slice %arg4[%add3A_53] : memref<1441792xf32, #tpu.memory_space<vmem_shared>> -> memref<8192xf32, #tpu.memory_space<vmem_shared>>
      %dma_wait3A_164 = tpu.memref_slice %arg4[%add3A_53] : memref<1441792xf32, #tpu.memory_space<vmem_shared>> -> memref<8192xf32, #tpu.memory_space<vmem_shared>>
      tpu.wait_dma2 semaphore(%run_scoped3A_162 : memref<!tpu.dma_semaphore, #tpu.memory_space<semaphore_mem>>) src(%arg9 : memref<8192xf32, #tpu.memory_space<vmem>>) dst(%dma_wait3A_164 : memref<8192xf32, #tpu.memory_space<vmem_shared>>)
      tpu.yield
    }) : () -> ()
    %mul3A_54 = arith.constant 90112 : i32
    %mul3A_55 = arith.muli %arg1, %mul3A_54 : i32
    %add3A_56 = arith.constant 24576 : i32
    %add3A_57 = arith.addi %mul3A_55, %add3A_56 : i32
    "tpu.region"() ({
      %run_scoped3A_162 = tpu.sem_alloc : memref<!tpu.dma_semaphore, #tpu.memory_space<semaphore_mem>>
      %dma_start3A = tpu.memref_slice %arg4[%add3A_57] : memref<1441792xf32, #tpu.memory_space<vmem_shared>> -> memref<8192xf32, #tpu.memory_space<vmem_shared>>
      %dma_start3A_163 = tpu.memref_slice %arg4[%add3A_57] : memref<1441792xf32, #tpu.memory_space<vmem_shared>> -> memref<8192xf32, #tpu.memory_space<vmem_shared>>
      tpu.enqueue_dma source(%arg9 : memref<8192xf32, #tpu.memory_space<vmem>>) target(%dma_start3A_163 : memref<8192xf32, #tpu.memory_space<vmem_shared>>) target_semaphore(%run_scoped3A_162 : memref<!tpu.dma_semaphore, #tpu.memory_space<semaphore_mem>>)
      %dma_wait3A = tpu.memref_slice %arg4[%add3A_57] : memref<1441792xf32, #tpu.memory_space<vmem_shared>> -> memref<8192xf32, #tpu.memory_space<vmem_shared>>
      %dma_wait3A_164 = tpu.memref_slice %arg4[%add3A_57] : memref<1441792xf32, #tpu.memory_space<vmem_shared>> -> memref<8192xf32, #tpu.memory_space<vmem_shared>>
      tpu.wait_dma2 semaphore(%run_scoped3A_162 : memref<!tpu.dma_semaphore, #tpu.memory_space<semaphore_mem>>) src(%arg9 : memref<8192xf32, #tpu.memory_space<vmem>>) dst(%dma_wait3A_164 : memref<8192xf32, #tpu.memory_space<vmem_shared>>)
      tpu.yield
    }) : () -> ()
    %mul3A_58 = arith.constant 90112 : i32
    %mul3A_59 = arith.muli %arg1, %mul3A_58 : i32
    %add3A_60 = arith.constant 32768 : i32
    %add3A_61 = arith.addi %mul3A_59, %add3A_60 : i32
    "tpu.region"() ({
      %run_scoped3A_162 = tpu.sem_alloc : memref<!tpu.dma_semaphore, #tpu.memory_space<semaphore_mem>>
      %dma_start3A = tpu.memref_slice %arg4[%add3A_61] : memref<1441792xf32, #tpu.memory_space<vmem_shared>> -> memref<8192xf32, #tpu.memory_space<vmem_shared>>
      %dma_start3A_163 = tpu.memref_slice %arg4[%add3A_61] : memref<1441792xf32, #tpu.memory_space<vmem_shared>> -> memref<8192xf32, #tpu.memory_space<vmem_shared>>
      tpu.enqueue_dma source(%arg9 : memref<8192xf32, #tpu.memory_space<vmem>>) target(%dma_start3A_163 : memref<8192xf32, #tpu.memory_space<vmem_shared>>) target_semaphore(%run_scoped3A_162 : memref<!tpu.dma_semaphore, #tpu.memory_space<semaphore_mem>>)
      %dma_wait3A = tpu.memref_slice %arg4[%add3A_61] : memref<1441792xf32, #tpu.memory_space<vmem_shared>> -> memref<8192xf32, #tpu.memory_space<vmem_shared>>
      %dma_wait3A_164 = tpu.memref_slice %arg4[%add3A_61] : memref<1441792xf32, #tpu.memory_space<vmem_shared>> -> memref<8192xf32, #tpu.memory_space<vmem_shared>>
      tpu.wait_dma2 semaphore(%run_scoped3A_162 : memref<!tpu.dma_semaphore, #tpu.memory_space<semaphore_mem>>) src(%arg9 : memref<8192xf32, #tpu.memory_space<vmem>>) dst(%dma_wait3A_164 : memref<8192xf32, #tpu.memory_space<vmem_shared>>)
      tpu.yield
    }) : () -> ()
    %mul3A_62 = arith.constant 90112 : i32
    %mul3A_63 = arith.muli %arg1, %mul3A_62 : i32
    %add3A_64 = arith.constant 40960 : i32
    %add3A_65 = arith.addi %mul3A_63, %add3A_64 : i32
    "tpu.region"() ({
      %run_scoped3A_162 = tpu.sem_alloc : memref<!tpu.dma_semaphore, #tpu.memory_space<semaphore_mem>>
      %dma_start3A = tpu.memref_slice %arg4[%add3A_65] : memref<1441792xf32, #tpu.memory_space<vmem_shared>> -> memref<8192xf32, #tpu.memory_space<vmem_shared>>
      %dma_start3A_163 = tpu.memref_slice %arg4[%add3A_65] : memref<1441792xf32, #tpu.memory_space<vmem_shared>> -> memref<8192xf32, #tpu.memory_space<vmem_shared>>
      tpu.enqueue_dma source(%arg9 : memref<8192xf32, #tpu.memory_space<vmem>>) target(%dma_start3A_163 : memref<8192xf32, #tpu.memory_space<vmem_shared>>) target_semaphore(%run_scoped3A_162 : memref<!tpu.dma_semaphore, #tpu.memory_space<semaphore_mem>>)
      %dma_wait3A = tpu.memref_slice %arg4[%add3A_65] : memref<1441792xf32, #tpu.memory_space<vmem_shared>> -> memref<8192xf32, #tpu.memory_space<vmem_shared>>
      %dma_wait3A_164 = tpu.memref_slice %arg4[%add3A_65] : memref<1441792xf32, #tpu.memory_space<vmem_shared>> -> memref<8192xf32, #tpu.memory_space<vmem_shared>>
      tpu.wait_dma2 semaphore(%run_scoped3A_162 : memref<!tpu.dma_semaphore, #tpu.memory_space<semaphore_mem>>) src(%arg9 : memref<8192xf32, #tpu.memory_space<vmem>>) dst(%dma_wait3A_164 : memref<8192xf32, #tpu.memory_space<vmem_shared>>)
      tpu.yield
    }) : () -> ()
    %mul3A_66 = arith.constant 90112 : i32
    %mul3A_67 = arith.muli %arg1, %mul3A_66 : i32
    %add3A_68 = arith.constant 49152 : i32
    %add3A_69 = arith.addi %mul3A_67, %add3A_68 : i32
    "tpu.region"() ({
      %run_scoped3A_162 = tpu.sem_alloc : memref<!tpu.dma_semaphore, #tpu.memory_space<semaphore_mem>>
      %dma_start3A = tpu.memref_slice %arg4[%add3A_69] : memref<1441792xf32, #tpu.memory_space<vmem_shared>> -> memref<8192xf32, #tpu.memory_space<vmem_shared>>
      %dma_start3A_163 = tpu.memref_slice %arg4[%add3A_69] : memref<1441792xf32, #tpu.memory_space<vmem_shared>> -> memref<8192xf32, #tpu.memory_space<vmem_shared>>
      tpu.enqueue_dma source(%arg9 : memref<8192xf32, #tpu.memory_space<vmem>>) target(%dma_start3A_163 : memref<8192xf32, #tpu.memory_space<vmem_shared>>) target_semaphore(%run_scoped3A_162 : memref<!tpu.dma_semaphore, #tpu.memory_space<semaphore_mem>>)
      %dma_wait3A = tpu.memref_slice %arg4[%add3A_69] : memref<1441792xf32, #tpu.memory_space<vmem_shared>> -> memref<8192xf32, #tpu.memory_space<vmem_shared>>
      %dma_wait3A_164 = tpu.memref_slice %arg4[%add3A_69] : memref<1441792xf32, #tpu.memory_space<vmem_shared>> -> memref<8192xf32, #tpu.memory_space<vmem_shared>>
      tpu.wait_dma2 semaphore(%run_scoped3A_162 : memref<!tpu.dma_semaphore, #tpu.memory_space<semaphore_mem>>) src(%arg9 : memref<8192xf32, #tpu.memory_space<vmem>>) dst(%dma_wait3A_164 : memref<8192xf32, #tpu.memory_space<vmem_shared>>)
      tpu.yield
    }) : () -> ()
    %mul3A_70 = arith.constant 90112 : i32
    %mul3A_71 = arith.muli %arg1, %mul3A_70 : i32
    %add3A_72 = arith.constant 57344 : i32
    %add3A_73 = arith.addi %mul3A_71, %add3A_72 : i32
    "tpu.region"() ({
      %run_scoped3A_162 = tpu.sem_alloc : memref<!tpu.dma_semaphore, #tpu.memory_space<semaphore_mem>>
      %dma_start3A = tpu.memref_slice %arg4[%add3A_73] : memref<1441792xf32, #tpu.memory_space<vmem_shared>> -> memref<8192xf32, #tpu.memory_space<vmem_shared>>
      %dma_start3A_163 = tpu.memref_slice %arg4[%add3A_73] : memref<1441792xf32, #tpu.memory_space<vmem_shared>> -> memref<8192xf32, #tpu.memory_space<vmem_shared>>
      tpu.enqueue_dma source(%arg9 : memref<8192xf32, #tpu.memory_space<vmem>>) target(%dma_start3A_163 : memref<8192xf32, #tpu.memory_space<vmem_shared>>) target_semaphore(%run_scoped3A_162 : memref<!tpu.dma_semaphore, #tpu.memory_space<semaphore_mem>>)
      %dma_wait3A = tpu.memref_slice %arg4[%add3A_73] : memref<1441792xf32, #tpu.memory_space<vmem_shared>> -> memref<8192xf32, #tpu.memory_space<vmem_shared>>
      %dma_wait3A_164 = tpu.memref_slice %arg4[%add3A_73] : memref<1441792xf32, #tpu.memory_space<vmem_shared>> -> memref<8192xf32, #tpu.memory_space<vmem_shared>>
      tpu.wait_dma2 semaphore(%run_scoped3A_162 : memref<!tpu.dma_semaphore, #tpu.memory_space<semaphore_mem>>) src(%arg9 : memref<8192xf32, #tpu.memory_space<vmem>>) dst(%dma_wait3A_164 : memref<8192xf32, #tpu.memory_space<vmem_shared>>)
      tpu.yield
    }) : () -> ()
    %mul3A_74 = arith.constant 90112 : i32
    %mul3A_75 = arith.muli %arg1, %mul3A_74 : i32
    %add3A_76 = arith.constant 65536 : i32
    %add3A_77 = arith.addi %mul3A_75, %add3A_76 : i32
    "tpu.region"() ({
      %run_scoped3A_162 = tpu.sem_alloc : memref<!tpu.dma_semaphore, #tpu.memory_space<semaphore_mem>>
      %dma_start3A = tpu.memref_slice %arg4[%add3A_77] : memref<1441792xf32, #tpu.memory_space<vmem_shared>> -> memref<8192xf32, #tpu.memory_space<vmem_shared>>
      %dma_start3A_163 = tpu.memref_slice %arg4[%add3A_77] : memref<1441792xf32, #tpu.memory_space<vmem_shared>> -> memref<8192xf32, #tpu.memory_space<vmem_shared>>
      tpu.enqueue_dma source(%arg9 : memref<8192xf32, #tpu.memory_space<vmem>>) target(%dma_start3A_163 : memref<8192xf32, #tpu.memory_space<vmem_shared>>) target_semaphore(%run_scoped3A_162 : memref<!tpu.dma_semaphore, #tpu.memory_space<semaphore_mem>>)
      %dma_wait3A = tpu.memref_slice %arg4[%add3A_77] : memref<1441792xf32, #tpu.memory_space<vmem_shared>> -> memref<8192xf32, #tpu.memory_space<vmem_shared>>
      %dma_wait3A_164 = tpu.memref_slice %arg4[%add3A_77] : memref<1441792xf32, #tpu.memory_space<vmem_shared>> -> memref<8192xf32, #tpu.memory_space<vmem_shared>>
      tpu.wait_dma2 semaphore(%run_scoped3A_162 : memref<!tpu.dma_semaphore, #tpu.memory_space<semaphore_mem>>) src(%arg9 : memref<8192xf32, #tpu.memory_space<vmem>>) dst(%dma_wait3A_164 : memref<8192xf32, #tpu.memory_space<vmem_shared>>)
      tpu.yield
    }) : () -> ()
    %mul3A_78 = arith.constant 90112 : i32
    %mul3A_79 = arith.muli %arg1, %mul3A_78 : i32
    %add3A_80 = arith.constant 73728 : i32
    %add3A_81 = arith.addi %mul3A_79, %add3A_80 : i32
    "tpu.region"() ({
      %run_scoped3A_162 = tpu.sem_alloc : memref<!tpu.dma_semaphore, #tpu.memory_space<semaphore_mem>>
      %dma_start3A = tpu.memref_slice %arg4[%add3A_81] : memref<1441792xf32, #tpu.memory_space<vmem_shared>> -> memref<8192xf32, #tpu.memory_space<vmem_shared>>
      %dma_start3A_163 = tpu.memref_slice %arg4[%add3A_81] : memref<1441792xf32, #tpu.memory_space<vmem_shared>> -> memref<8192xf32, #tpu.memory_space<vmem_shared>>
      tpu.enqueue_dma source(%arg9 : memref<8192xf32, #tpu.memory_space<vmem>>) target(%dma_start3A_163 : memref<8192xf32, #tpu.memory_space<vmem_shared>>) target_semaphore(%run_scoped3A_162 : memref<!tpu.dma_semaphore, #tpu.memory_space<semaphore_mem>>)
      %dma_wait3A = tpu.memref_slice %arg4[%add3A_81] : memref<1441792xf32, #tpu.memory_space<vmem_shared>> -> memref<8192xf32, #tpu.memory_space<vmem_shared>>
      %dma_wait3A_164 = tpu.memref_slice %arg4[%add3A_81] : memref<1441792xf32, #tpu.memory_space<vmem_shared>> -> memref<8192xf32, #tpu.memory_space<vmem_shared>>
      tpu.wait_dma2 semaphore(%run_scoped3A_162 : memref<!tpu.dma_semaphore, #tpu.memory_space<semaphore_mem>>) src(%arg9 : memref<8192xf32, #tpu.memory_space<vmem>>) dst(%dma_wait3A_164 : memref<8192xf32, #tpu.memory_space<vmem_shared>>)
      tpu.yield
    }) : () -> ()
    %mul3A_82 = arith.constant 90112 : i32
    %mul3A_83 = arith.muli %arg1, %mul3A_82 : i32
    %add3A_84 = arith.constant 81920 : i32
    %add3A_85 = arith.addi %mul3A_83, %add3A_84 : i32
    "tpu.region"() ({
      %run_scoped3A_162 = tpu.sem_alloc : memref<!tpu.dma_semaphore, #tpu.memory_space<semaphore_mem>>
      %dma_start3A = tpu.memref_slice %arg4[%add3A_85] : memref<1441792xf32, #tpu.memory_space<vmem_shared>> -> memref<8192xf32, #tpu.memory_space<vmem_shared>>
      %dma_start3A_163 = tpu.memref_slice %arg4[%add3A_85] : memref<1441792xf32, #tpu.memory_space<vmem_shared>> -> memref<8192xf32, #tpu.memory_space<vmem_shared>>
      tpu.enqueue_dma source(%arg9 : memref<8192xf32, #tpu.memory_space<vmem>>) target(%dma_start3A_163 : memref<8192xf32, #tpu.memory_space<vmem_shared>>) target_semaphore(%run_scoped3A_162 : memref<!tpu.dma_semaphore, #tpu.memory_space<semaphore_mem>>)
      %dma_wait3A = tpu.memref_slice %arg4[%add3A_85] : memref<1441792xf32, #tpu.memory_space<vmem_shared>> -> memref<8192xf32, #tpu.memory_space<vmem_shared>>
      %dma_wait3A_164 = tpu.memref_slice %arg4[%add3A_85] : memref<1441792xf32, #tpu.memory_space<vmem_shared>> -> memref<8192xf32, #tpu.memory_space<vmem_shared>>
      tpu.wait_dma2 semaphore(%run_scoped3A_162 : memref<!tpu.dma_semaphore, #tpu.memory_space<semaphore_mem>>) src(%arg9 : memref<8192xf32, #tpu.memory_space<vmem>>) dst(%dma_wait3A_164 : memref<8192xf32, #tpu.memory_space<vmem_shared>>)
      tpu.yield
    }) : () -> ()
    %run_scoped3A = arith.constant 0 : i32
    "tpu.region"() ({
      %run_scoped3A_162 = tpu.sem_alloc : memref<!tpu.dma_semaphore, #tpu.memory_space<semaphore_mem>>
      %dma_start3A = tpu.memref_slice %arg2[%run_scoped3A, %mul3A_2] : memref<2x262144xi32, #tpu.memory_space<hbm>> -> memref<1x8192xi32, #tpu.memory_space<hbm>>
      %dma_start3A_163 = tpu.memref_squeeze %dma_start3A : memref<1x8192xi32, #tpu.memory_space<hbm>> -> memref<8192xi32, #tpu.memory_space<hbm>>
      %dma_start3A_164 = tpu.memref_slice %arg2[%run_scoped3A, %mul3A_2] : memref<2x262144xi32, #tpu.memory_space<hbm>> -> memref<1x8192xi32, #tpu.memory_space<hbm>>
      %dma_start3A_165 = tpu.memref_squeeze %dma_start3A_164 : memref<1x8192xi32, #tpu.memory_space<hbm>> -> memref<8192xi32, #tpu.memory_space<hbm>>
      tpu.enqueue_dma source(%dma_start3A_165 : memref<8192xi32, #tpu.memory_space<hbm>>) target(%arg5 : memref<8192xi32, #tpu.memory_space<vmem>>) target_semaphore(%run_scoped3A_162 : memref<!tpu.dma_semaphore, #tpu.memory_space<semaphore_mem>>)
      %dma_wait3A = tpu.memref_slice %arg2[%run_scoped3A, %mul3A_2] : memref<2x262144xi32, #tpu.memory_space<hbm>> -> memref<1x8192xi32, #tpu.memory_space<hbm>>
      %dma_wait3A_166 = tpu.memref_squeeze %dma_wait3A : memref<1x8192xi32, #tpu.memory_space<hbm>> -> memref<8192xi32, #tpu.memory_space<hbm>>
      %dma_wait3A_167 = tpu.memref_slice %arg2[%run_scoped3A, %mul3A_2] : memref<2x262144xi32, #tpu.memory_space<hbm>> -> memref<1x8192xi32, #tpu.memory_space<hbm>>
      %dma_wait3A_168 = tpu.memref_squeeze %dma_wait3A_167 : memref<1x8192xi32, #tpu.memory_space<hbm>> -> memref<8192xi32, #tpu.memory_space<hbm>>
      tpu.wait_dma2 semaphore(%run_scoped3A_162 : memref<!tpu.dma_semaphore, #tpu.memory_space<semaphore_mem>>) src(%dma_wait3A_168 : memref<8192xi32, #tpu.memory_space<hbm>>) dst(%arg5 : memref<8192xi32, #tpu.memory_space<vmem>>)
      tpu.yield
    }) : () -> ()
    %run_scoped3A_86 = arith.constant 1 : i32
    "tpu.region"() ({
      %run_scoped3A_162 = tpu.sem_alloc : memref<!tpu.dma_semaphore, #tpu.memory_space<semaphore_mem>>
      %dma_start3A = tpu.memref_slice %arg2[%run_scoped3A_86, %mul3A_2] : memref<2x262144xi32, #tpu.memory_space<hbm>> -> memref<1x8192xi32, #tpu.memory_space<hbm>>
      %dma_start3A_163 = tpu.memref_squeeze %dma_start3A : memref<1x8192xi32, #tpu.memory_space<hbm>> -> memref<8192xi32, #tpu.memory_space<hbm>>
      %dma_start3A_164 = tpu.memref_slice %arg2[%run_scoped3A_86, %mul3A_2] : memref<2x262144xi32, #tpu.memory_space<hbm>> -> memref<1x8192xi32, #tpu.memory_space<hbm>>
      %dma_start3A_165 = tpu.memref_squeeze %dma_start3A_164 : memref<1x8192xi32, #tpu.memory_space<hbm>> -> memref<8192xi32, #tpu.memory_space<hbm>>
      tpu.enqueue_dma source(%dma_start3A_165 : memref<8192xi32, #tpu.memory_space<hbm>>) target(%arg6 : memref<8192xi32, #tpu.memory_space<vmem>>) target_semaphore(%run_scoped3A_162 : memref<!tpu.dma_semaphore, #tpu.memory_space<semaphore_mem>>)
      %dma_wait3A = tpu.memref_slice %arg2[%run_scoped3A_86, %mul3A_2] : memref<2x262144xi32, #tpu.memory_space<hbm>> -> memref<1x8192xi32, #tpu.memory_space<hbm>>
      %dma_wait3A_166 = tpu.memref_squeeze %dma_wait3A : memref<1x8192xi32, #tpu.memory_space<hbm>> -> memref<8192xi32, #tpu.memory_space<hbm>>
      %dma_wait3A_167 = tpu.memref_slice %arg2[%run_scoped3A_86, %mul3A_2] : memref<2x262144xi32, #tpu.memory_space<hbm>> -> memref<1x8192xi32, #tpu.memory_space<hbm>>
      %dma_wait3A_168 = tpu.memref_squeeze %dma_wait3A_167 : memref<1x8192xi32, #tpu.memory_space<hbm>> -> memref<8192xi32, #tpu.memory_space<hbm>>
      tpu.wait_dma2 semaphore(%run_scoped3A_162 : memref<!tpu.dma_semaphore, #tpu.memory_space<semaphore_mem>>) src(%dma_wait3A_168 : memref<8192xi32, #tpu.memory_space<hbm>>) dst(%arg6 : memref<8192xi32, #tpu.memory_space<vmem>>)
      tpu.yield
    }) : () -> ()
    %scan3A_87 = arith.constant 0 : i32
    %scan3A_88 = arith.constant 0 : i32
    %scan3A_89 = arith.constant 512 : i32
    %scan3A_90 = arith.addi %scan3A_88, %scan3A_89 : i32
    %scan3A_91 = arith.constant 1 : i32
    scf.for %scan3A_162 = %scan3A_88 to %scan3A_90 step %scan3A_91  : i32 {
      %jit3A = arith.constant 8 : i32
      %div3A = arith.divsi %scan3A_162, %jit3A : i32
      %sign3A = arith.constant 0 : i32
      %sign3A_163 = arith.cmpi sgt, %scan3A_162, %sign3A : i32
      %sign3A_164 = arith.extui %sign3A_163 : i1 to i32
      %sign3A_165 = arith.constant 0 : i32
      %sign3A_166 = arith.cmpi slt, %scan3A_162, %sign3A_165 : i32
      %sign3A_167 = arith.extui %sign3A_166 : i1 to i32
      %sign3A_168 = arith.subi %sign3A_164, %sign3A_167 : i32
      %sign3A_169 = arith.constant 0 : i32
      %sign3A_170 = arith.cmpi sgt, %jit3A, %sign3A_169 : i32
      %sign3A_171 = arith.extui %sign3A_170 : i1 to i32
      %sign3A_172 = arith.constant 0 : i32
      %sign3A_173 = arith.cmpi slt, %jit3A, %sign3A_172 : i32
      %sign3A_174 = arith.extui %sign3A_173 : i1 to i32
      %sign3A_175 = arith.subi %sign3A_171, %sign3A_174 : i32
      %ne3A = arith.cmpi ne, %sign3A_168, %sign3A_175 : i32
      %rem3A = arith.remsi %scan3A_162, %jit3A : i32
      %ne3A_176 = arith.constant 0 : i32
      %ne3A_177 = arith.cmpi ne, %rem3A, %ne3A_176 : i32
      %and3A = arith.andi %ne3A, %ne3A_177 : i1
      %sub3A = arith.constant 1 : i32
      %sub3A_178 = arith.subi %div3A, %sub3A : i32
      %select_n3A = arith.select %and3A, %sub3A_178, %div3A : i32
      %jit3A_179 = arith.constant 8 : i32
      %eq3A = arith.constant 0 : i32
      %eq3A_180 = arith.cmpi eq, %jit3A_179, %eq3A : i32
      %jit3A_181 = arith.constant 1 : i32
      %select_n3A_182 = arith.select %eq3A_180, %jit3A_181, %jit3A_179 : i32
      %rem3A_183 = arith.remsi %scan3A_162, %select_n3A_182 : i32
      %ne3A_184 = arith.constant 0 : i32
      %ne3A_185 = arith.cmpi ne, %rem3A_183, %ne3A_184 : i32
      %lt3A = arith.constant 0 : i32
      %lt3A_186 = arith.cmpi slt, %rem3A_183, %lt3A : i32
      %lt3A_187 = arith.constant 0 : i32
      %lt3A_188 = arith.cmpi slt, %select_n3A_182, %lt3A_187 : i32
      %ne3A_189 = arith.xori %lt3A_186, %lt3A_188 : i1
      %and3A_190 = arith.andi %ne3A_189, %ne3A_185 : i1
      %add3A_191 = arith.addi %rem3A_183, %select_n3A_182 : i32
      %select_n3A_192 = arith.select %and3A_190, %add3A_191, %rem3A_183 : i32
      %mul3A_193 = arith.constant 16 : i32
      %mul3A_194 = arith.muli %scan3A_162, %mul3A_193 : i32
      %get3A = arith.index_cast %mul3A_194 : i32 to index
      %get3A_195 = tpu.vector_load %arg6[%get3A] {strides = array<i32>} : memref<8192xi32, #tpu.memory_space<vmem>>, vector<16xi32>,
      %get3A_196 = vector.shape_cast %get3A_195 : vector<16xi32> to vector<16xi32>
      %mul3A_197 = arith.constant 16 : i32
      %mul3A_198 = arith.muli %scan3A_162, %mul3A_197 : i32
      %get3A_199 = arith.index_cast %mul3A_198 : i32 to index
      %get3A_200 = tpu.vector_load %arg5[%get3A_199] {strides = array<i32>} : memref<8192xi32, #tpu.memory_space<vmem>>, vector<16xi32>,
      %get3A_201 = vector.shape_cast %get3A_200 : vector<16xi32> to vector<16xi32>
      %mul3A_202 = arith.constant 1195 : i32
      %mul3A_203 = vector.broadcast %mul3A_202 : i32 to vector<16xi32>
      %mul3A_204 = arith.muli %get3A_196, %mul3A_203 : vector<16xi32>
      %add3A_205 = arith.addi %mul3A_204, %get3A_201 : vector<16xi32>
      %mul3A_206 = arith.constant 16 : i32
      %mul3A_207 = arith.muli %select_n3A_192, %mul3A_206 : i32
      %swap3A_208 = arith.index_cast %select_n3A : i32 to index
      %swap3A_209 = arith.index_cast %mul3A_207 : i32 to index
      %swap3A_210 = tpu.vector_load %arg7[%swap3A_208, %swap3A_209] {strides = array<i32>} : memref<64x128xi32, #tpu.memory_space<vmem>>, vector<1x16xi32>,
      %swap3A_211 = vector.shape_cast %swap3A_210 : vector<1x16xi32> to vector<16xi32>
      %swap3A_212 = vector.shape_cast %add3A_205 : vector<16xi32> to vector<1x16xi32>
      tpu.vector_store %arg7[%swap3A_208, %swap3A_209], %swap3A_212 {strides = array<i32>} : memref<64x128xi32, #tpu.memory_space<vmem>>, vector<1x16xi32>,
    }
    %scan3A_92 = arith.constant 512 : i32
    %barrier3A = arith.constant 0 : index
    tpu.barrier barrier_id(%barrier3A)
    %run_scoped3A_93 = arith.constant 0 : i32
    "tpu.region"() ({
      %run_scoped3A_162 = tpu.sem_alloc : memref<!tpu.dma_semaphore, #tpu.memory_space<semaphore_mem>>
      %dma_start3A = arith.constant 0 : i32
      %dma_start3A_163 = tpu.memref_slice %arg7[%run_scoped3A_93, %dma_start3A] : memref<64x128xi32, #tpu.memory_space<vmem>> -> memref<1x128xi32, #tpu.memory_space<vmem>>
      %dma_start3A_164 = tpu.memref_squeeze %dma_start3A_163 : memref<1x128xi32, #tpu.memory_space<vmem>> -> memref<128xi32, #tpu.memory_space<vmem>>
      %dma_start3A_165 = arith.constant 0 : i32
      %dma_start3A_166 = tpu.memref_slice %arg4[%dma_start3A_165] : memref<1441792xf32, #tpu.memory_space<vmem_shared>> -> memref<1441792xf32, #tpu.memory_space<vmem_shared>>
      tpu.enqueue_indirect_dma source(%arg8 : memref<128xf32, #tpu.memory_space<vmem>>) target(%dma_start3A_166 : memref<1441792xf32, #tpu.memory_space<vmem_shared>>) offsets(%dma_start3A_164 : memref<128xi32, #tpu.memory_space<vmem>>) semaphore(%run_scoped3A_162 : memref<!tpu.dma_semaphore, #tpu.memory_space<semaphore_mem>>) {add = true}
      %dma_wait3A = arith.constant 0 : i32
      %dma_wait3A_167 = tpu.memref_slice %arg7[%run_scoped3A_93, %dma_wait3A] : memref<64x128xi32, #tpu.memory_space<vmem>> -> memref<1x128xi32, #tpu.memory_space<vmem>>
      %dma_wait3A_168 = tpu.memref_squeeze %dma_wait3A_167 : memref<1x128xi32, #tpu.memory_space<vmem>> -> memref<128xi32, #tpu.memory_space<vmem>>
      %dma_wait3A_169 = arith.constant 0 : i32
      %dma_wait3A_170 = tpu.memref_slice %arg4[%dma_wait3A_169] : memref<1441792xf32, #tpu.memory_space<vmem_shared>> -> memref<1441792xf32, #tpu.memory_space<vmem_shared>>
      tpu.wait_indirect_dma semaphore(%run_scoped3A_162 : memref<!tpu.dma_semaphore, #tpu.memory_space<semaphore_mem>>) src(%arg8 : memref<128xf32, #tpu.memory_space<vmem>>) dst(%dma_wait3A_170 : memref<1441792xf32, #tpu.memory_space<vmem_shared>>)
      tpu.yield
    }) : () -> ()
    %run_scoped3A_94 = arith.constant 1 : i32
    "tpu.region"() ({
      %run_scoped3A_162 = tpu.sem_alloc : memref<!tpu.dma_semaphore, #tpu.memory_space<semaphore_mem>>
      %dma_start3A = arith.constant 0 : i32
      %dma_start3A_163 = tpu.memref_slice %arg7[%run_scoped3A_94, %dma_start3A] : memref<64x128xi32, #tpu.memory_space<vmem>> -> memref<1x128xi32, #tpu.memory_space<vmem>>
      %dma_start3A_164 = tpu.memref_squeeze %dma_start3A_163 : memref<1x128xi32, #tpu.memory_space<vmem>> -> memref<128xi32, #tpu.memory_space<vmem>>
      %dma_start3A_165 = arith.constant 0 : i32
      %dma_start3A_166 = tpu.memref_slice %arg4[%dma_start3A_165] : memref<1441792xf32, #tpu.memory_space<vmem_shared>> -> memref<1441792xf32, #tpu.memory_space<vmem_shared>>
      tpu.enqueue_indirect_dma source(%arg8 : memref<128xf32, #tpu.memory_space<vmem>>) target(%dma_start3A_166 : memref<1441792xf32, #tpu.memory_space<vmem_shared>>) offsets(%dma_start3A_164 : memref<128xi32, #tpu.memory_space<vmem>>) semaphore(%run_scoped3A_162 : memref<!tpu.dma_semaphore, #tpu.memory_space<semaphore_mem>>) {add = true}
      %dma_wait3A = arith.constant 0 : i32
      %dma_wait3A_167 = tpu.memref_slice %arg7[%run_scoped3A_94, %dma_wait3A] : memref<64x128xi32, #tpu.memory_space<vmem>> -> memref<1x128xi32, #tpu.memory_space<vmem>>
      %dma_wait3A_168 = tpu.memref_squeeze %dma_wait3A_167 : memref<1x128xi32, #tpu.memory_space<vmem>> -> memref<128xi32, #tpu.memory_space<vmem>>
      %dma_wait3A_169 = arith.constant 0 : i32
      %dma_wait3A_170 = tpu.memref_slice %arg4[%dma_wait3A_169] : memref<1441792xf32, #tpu.memory_space<vmem_shared>> -> memref<1441792xf32, #tpu.memory_space<vmem_shared>>
      tpu.wait_indirect_dma semaphore(%run_scoped3A_162 : memref<!tpu.dma_semaphore, #tpu.memory_space<semaphore_mem>>) src(%arg8 : memref<128xf32, #tpu.memory_space<vmem>>) dst(%dma_wait3A_170 : memref<1441792xf32, #tpu.memory_space<vmem_shared>>)
      tpu.yield
    }) : () -> ()
    %run_scoped3A_95 = arith.constant 2 : i32
    "tpu.region"() ({
      %run_scoped3A_162 = tpu.sem_alloc : memref<!tpu.dma_semaphore, #tpu.memory_space<semaphore_mem>>
      %dma_start3A = arith.constant 0 : i32
      %dma_start3A_163 = tpu.memref_slice %arg7[%run_scoped3A_95, %dma_start3A] : memref<64x128xi32, #tpu.memory_space<vmem>> -> memref<1x128xi32, #tpu.memory_space<vmem>>
      %dma_start3A_164 = tpu.memref_squeeze %dma_start3A_163 : memref<1x128xi32, #tpu.memory_space<vmem>> -> memref<128xi32, #tpu.memory_space<vmem>>
      %dma_start3A_165 = arith.constant 0 : i32
      %dma_start3A_166 = tpu.memref_slice %arg4[%dma_start3A_165] : memref<1441792xf32, #tpu.memory_space<vmem_shared>> -> memref<1441792xf32, #tpu.memory_space<vmem_shared>>
      tpu.enqueue_indirect_dma source(%arg8 : memref<128xf32, #tpu.memory_space<vmem>>) target(%dma_start3A_166 : memref<1441792xf32, #tpu.memory_space<vmem_shared>>) offsets(%dma_start3A_164 : memref<128xi32, #tpu.memory_space<vmem>>) semaphore(%run_scoped3A_162 : memref<!tpu.dma_semaphore, #tpu.memory_space<semaphore_mem>>) {add = true}
      %dma_wait3A = arith.constant 0 : i32
      %dma_wait3A_167 = tpu.memref_slice %arg7[%run_scoped3A_95, %dma_wait3A] : memref<64x128xi32, #tpu.memory_space<vmem>> -> memref<1x128xi32, #tpu.memory_space<vmem>>
      %dma_wait3A_168 = tpu.memref_squeeze %dma_wait3A_167 : memref<1x128xi32, #tpu.memory_space<vmem>> -> memref<128xi32, #tpu.memory_space<vmem>>
      %dma_wait3A_169 = arith.constant 0 : i32
      %dma_wait3A_170 = tpu.memref_slice %arg4[%dma_wait3A_169] : memref<1441792xf32, #tpu.memory_space<vmem_shared>> -> memref<1441792xf32, #tpu.memory_space<vmem_shared>>
      tpu.wait_indirect_dma semaphore(%run_scoped3A_162 : memref<!tpu.dma_semaphore, #tpu.memory_space<semaphore_mem>>) src(%arg8 : memref<128xf32, #tpu.memory_space<vmem>>) dst(%dma_wait3A_170 : memref<1441792xf32, #tpu.memory_space<vmem_shared>>)
      tpu.yield
    }) : () -> ()
    %run_scoped3A_96 = arith.constant 3 : i32
    "tpu.region"() ({
      %run_scoped3A_162 = tpu.sem_alloc : memref<!tpu.dma_semaphore, #tpu.memory_space<semaphore_mem>>
      %dma_start3A = arith.constant 0 : i32
      %dma_start3A_163 = tpu.memref_slice %arg7[%run_scoped3A_96, %dma_start3A] : memref<64x128xi32, #tpu.memory_space<vmem>> -> memref<1x128xi32, #tpu.memory_space<vmem>>
      %dma_start3A_164 = tpu.memref_squeeze %dma_start3A_163 : memref<1x128xi32, #tpu.memory_space<vmem>> -> memref<128xi32, #tpu.memory_space<vmem>>
      %dma_start3A_165 = arith.constant 0 : i32
      %dma_start3A_166 = tpu.memref_slice %arg4[%dma_start3A_165] : memref<1441792xf32, #tpu.memory_space<vmem_shared>> -> memref<1441792xf32, #tpu.memory_space<vmem_shared>>
      tpu.enqueue_indirect_dma source(%arg8 : memref<128xf32, #tpu.memory_space<vmem>>) target(%dma_start3A_166 : memref<1441792xf32, #tpu.memory_space<vmem_shared>>) offsets(%dma_start3A_164 : memref<128xi32, #tpu.memory_space<vmem>>) semaphore(%run_scoped3A_162 : memref<!tpu.dma_semaphore, #tpu.memory_space<semaphore_mem>>) {add = true}
      %dma_wait3A = arith.constant 0 : i32
      %dma_wait3A_167 = tpu.memref_slice %arg7[%run_scoped3A_96, %dma_wait3A] : memref<64x128xi32, #tpu.memory_space<vmem>> -> memref<1x128xi32, #tpu.memory_space<vmem>>
      %dma_wait3A_168 = tpu.memref_squeeze %dma_wait3A_167 : memref<1x128xi32, #tpu.memory_space<vmem>> -> memref<128xi32, #tpu.memory_space<vmem>>
      %dma_wait3A_169 = arith.constant 0 : i32
      %dma_wait3A_170 = tpu.memref_slice %arg4[%dma_wait3A_169] : memref<1441792xf32, #tpu.memory_space<vmem_shared>> -> memref<1441792xf32, #tpu.memory_space<vmem_shared>>
      tpu.wait_indirect_dma semaphore(%run_scoped3A_162 : memref<!tpu.dma_semaphore, #tpu.memory_space<semaphore_mem>>) src(%arg8 : memref<128xf32, #tpu.memory_space<vmem>>) dst(%dma_wait3A_170 : memref<1441792xf32, #tpu.memory_space<vmem_shared>>)
      tpu.yield
    }) : () -> ()
    %run_scoped3A_97 = arith.constant 4 : i32
    "tpu.region"() ({
      %run_scoped3A_162 = tpu.sem_alloc : memref<!tpu.dma_semaphore, #tpu.memory_space<semaphore_mem>>
      %dma_start3A = arith.constant 0 : i32
      %dma_start3A_163 = tpu.memref_slice %arg7[%run_scoped3A_97, %dma_start3A] : memref<64x128xi32, #tpu.memory_space<vmem>> -> memref<1x128xi32, #tpu.memory_space<vmem>>
      %dma_start3A_164 = tpu.memref_squeeze %dma_start3A_163 : memref<1x128xi32, #tpu.memory_space<vmem>> -> memref<128xi32, #tpu.memory_space<vmem>>
      %dma_start3A_165 = arith.constant 0 : i32
      %dma_start3A_166 = tpu.memref_slice %arg4[%dma_start3A_165] : memref<1441792xf32, #tpu.memory_space<vmem_shared>> -> memref<1441792xf32, #tpu.memory_space<vmem_shared>>
      tpu.enqueue_indirect_dma source(%arg8 : memref<128xf32, #tpu.memory_space<vmem>>) target(%dma_start3A_166 : memref<1441792xf32, #tpu.memory_space<vmem_shared>>) offsets(%dma_start3A_164 : memref<128xi32, #tpu.memory_space<vmem>>) semaphore(%run_scoped3A_162 : memref<!tpu.dma_semaphore, #tpu.memory_space<semaphore_mem>>) {add = true}
      %dma_wait3A = arith.constant 0 : i32
      %dma_wait3A_167 = tpu.memref_slice %arg7[%run_scoped3A_97, %dma_wait3A] : memref<64x128xi32, #tpu.memory_space<vmem>> -> memref<1x128xi32, #tpu.memory_space<vmem>>
      %dma_wait3A_168 = tpu.memref_squeeze %dma_wait3A_167 : memref<1x128xi32, #tpu.memory_space<vmem>> -> memref<128xi32, #tpu.memory_space<vmem>>
      %dma_wait3A_169 = arith.constant 0 : i32
      %dma_wait3A_170 = tpu.memref_slice %arg4[%dma_wait3A_169] : memref<1441792xf32, #tpu.memory_space<vmem_shared>> -> memref<1441792xf32, #tpu.memory_space<vmem_shared>>
      tpu.wait_indirect_dma semaphore(%run_scoped3A_162 : memref<!tpu.dma_semaphore, #tpu.memory_space<semaphore_mem>>) src(%arg8 : memref<128xf32, #tpu.memory_space<vmem>>) dst(%dma_wait3A_170 : memref<1441792xf32, #tpu.memory_space<vmem_shared>>)
      tpu.yield
    }) : () -> ()
    %run_scoped3A_98 = arith.constant 5 : i32
    "tpu.region"() ({
      %run_scoped3A_162 = tpu.sem_alloc : memref<!tpu.dma_semaphore, #tpu.memory_space<semaphore_mem>>
      %dma_start3A = arith.constant 0 : i32
      %dma_start3A_163 = tpu.memref_slice %arg7[%run_scoped3A_98, %dma_start3A] : memref<64x128xi32, #tpu.memory_space<vmem>> -> memref<1x128xi32, #tpu.memory_space<vmem>>
      %dma_start3A_164 = tpu.memref_squeeze %dma_start3A_163 : memref<1x128xi32, #tpu.memory_space<vmem>> -> memref<128xi32, #tpu.memory_space<vmem>>
      %dma_start3A_165 = arith.constant 0 : i32
      %dma_start3A_166 = tpu.memref_slice %arg4[%dma_start3A_165] : memref<1441792xf32, #tpu.memory_space<vmem_shared>> -> memref<1441792xf32, #tpu.memory_space<vmem_shared>>
      tpu.enqueue_indirect_dma source(%arg8 : memref<128xf32, #tpu.memory_space<vmem>>) target(%dma_start3A_166 : memref<1441792xf32, #tpu.memory_space<vmem_shared>>) offsets(%dma_start3A_164 : memref<128xi32, #tpu.memory_space<vmem>>) semaphore(%run_scoped3A_162 : memref<!tpu.dma_semaphore, #tpu.memory_space<semaphore_mem>>) {add = true}
      %dma_wait3A = arith.constant 0 : i32
      %dma_wait3A_167 = tpu.memref_slice %arg7[%run_scoped3A_98, %dma_wait3A] : memref<64x128xi32, #tpu.memory_space<vmem>> -> memref<1x128xi32, #tpu.memory_space<vmem>>
      %dma_wait3A_168 = tpu.memref_squeeze %dma_wait3A_167 : memref<1x128xi32, #tpu.memory_space<vmem>> -> memref<128xi32, #tpu.memory_space<vmem>>
      %dma_wait3A_169 = arith.constant 0 : i32
      %dma_wait3A_170 = tpu.memref_slice %arg4[%dma_wait3A_169] : memref<1441792xf32, #tpu.memory_space<vmem_shared>> -> memref<1441792xf32, #tpu.memory_space<vmem_shared>>
      tpu.wait_indirect_dma semaphore(%run_scoped3A_162 : memref<!tpu.dma_semaphore, #tpu.memory_space<semaphore_mem>>) src(%arg8 : memref<128xf32, #tpu.memory_space<vmem>>) dst(%dma_wait3A_170 : memref<1441792xf32, #tpu.memory_space<vmem_shared>>)
      tpu.yield
    }) : () -> ()
    %run_scoped3A_99 = arith.constant 6 : i32
    "tpu.region"() ({
      %run_scoped3A_162 = tpu.sem_alloc : memref<!tpu.dma_semaphore, #tpu.memory_space<semaphore_mem>>
      %dma_start3A = arith.constant 0 : i32
      %dma_start3A_163 = tpu.memref_slice %arg7[%run_scoped3A_99, %dma_start3A] : memref<64x128xi32, #tpu.memory_space<vmem>> -> memref<1x128xi32, #tpu.memory_space<vmem>>
      %dma_start3A_164 = tpu.memref_squeeze %dma_start3A_163 : memref<1x128xi32, #tpu.memory_space<vmem>> -> memref<128xi32, #tpu.memory_space<vmem>>
      %dma_start3A_165 = arith.constant 0 : i32
      %dma_start3A_166 = tpu.memref_slice %arg4[%dma_start3A_165] : memref<1441792xf32, #tpu.memory_space<vmem_shared>> -> memref<1441792xf32, #tpu.memory_space<vmem_shared>>
      tpu.enqueue_indirect_dma source(%arg8 : memref<128xf32, #tpu.memory_space<vmem>>) target(%dma_start3A_166 : memref<1441792xf32, #tpu.memory_space<vmem_shared>>) offsets(%dma_start3A_164 : memref<128xi32, #tpu.memory_space<vmem>>) semaphore(%run_scoped3A_162 : memref<!tpu.dma_semaphore, #tpu.memory_space<semaphore_mem>>) {add = true}
      %dma_wait3A = arith.constant 0 : i32
      %dma_wait3A_167 = tpu.memref_slice %arg7[%run_scoped3A_99, %dma_wait3A] : memref<64x128xi32, #tpu.memory_space<vmem>> -> memref<1x128xi32, #tpu.memory_space<vmem>>
      %dma_wait3A_168 = tpu.memref_squeeze %dma_wait3A_167 : memref<1x128xi32, #tpu.memory_space<vmem>> -> memref<128xi32, #tpu.memory_space<vmem>>
      %dma_wait3A_169 = arith.constant 0 : i32
      %dma_wait3A_170 = tpu.memref_slice %arg4[%dma_wait3A_169] : memref<1441792xf32, #tpu.memory_space<vmem_shared>> -> memref<1441792xf32, #tpu.memory_space<vmem_shared>>
      tpu.wait_indirect_dma semaphore(%run_scoped3A_162 : memref<!tpu.dma_semaphore, #tpu.memory_space<semaphore_mem>>) src(%arg8 : memref<128xf32, #tpu.memory_space<vmem>>) dst(%dma_wait3A_170 : memref<1441792xf32, #tpu.memory_space<vmem_shared>>)
      tpu.yield
    }) : () -> ()
    %run_scoped3A_100 = arith.constant 7 : i32
    "tpu.region"() ({
      %run_scoped3A_162 = tpu.sem_alloc : memref<!tpu.dma_semaphore, #tpu.memory_space<semaphore_mem>>
      %dma_start3A = arith.constant 0 : i32
      %dma_start3A_163 = tpu.memref_slice %arg7[%run_scoped3A_100, %dma_start3A] : memref<64x128xi32, #tpu.memory_space<vmem>> -> memref<1x128xi32, #tpu.memory_space<vmem>>
      %dma_start3A_164 = tpu.memref_squeeze %dma_start3A_163 : memref<1x128xi32, #tpu.memory_space<vmem>> -> memref<128xi32, #tpu.memory_space<vmem>>
      %dma_start3A_165 = arith.constant 0 : i32
      %dma_start3A_166 = tpu.memref_slice %arg4[%dma_start3A_165] : memref<1441792xf32, #tpu.memory_space<vmem_shared>> -> memref<1441792xf32, #tpu.memory_space<vmem_shared>>
      tpu.enqueue_indirect_dma source(%arg8 : memref<128xf32, #tpu.memory_space<vmem>>) target(%dma_start3A_166 : memref<1441792xf32, #tpu.memory_space<vmem_shared>>) offsets(%dma_start3A_164 : memref<128xi32, #tpu.memory_space<vmem>>) semaphore(%run_scoped3A_162 : memref<!tpu.dma_semaphore, #tpu.memory_space<semaphore_mem>>) {add = true}
      %dma_wait3A = arith.constant 0 : i32
      %dma_wait3A_167 = tpu.memref_slice %arg7[%run_scoped3A_100, %dma_wait3A] : memref<64x128xi32, #tpu.memory_space<vmem>> -> memref<1x128xi32, #tpu.memory_space<vmem>>
      %dma_wait3A_168 = tpu.memref_squeeze %dma_wait3A_167 : memref<1x128xi32, #tpu.memory_space<vmem>> -> memref<128xi32, #tpu.memory_space<vmem>>
      %dma_wait3A_169 = arith.constant 0 : i32
      %dma_wait3A_170 = tpu.memref_slice %arg4[%dma_wait3A_169] : memref<1441792xf32, #tpu.memory_space<vmem_shared>> -> memref<1441792xf32, #tpu.memory_space<vmem_shared>>
      tpu.wait_indirect_dma semaphore(%run_scoped3A_162 : memref<!tpu.dma_semaphore, #tpu.memory_space<semaphore_mem>>) src(%arg8 : memref<128xf32, #tpu.memory_space<vmem>>) dst(%dma_wait3A_170 : memref<1441792xf32, #tpu.memory_space<vmem_shared>>)
      tpu.yield
    }) : () -> ()
    %run_scoped3A_101 = arith.constant 8 : i32
    "tpu.region"() ({
      %run_scoped3A_162 = tpu.sem_alloc : memref<!tpu.dma_semaphore, #tpu.memory_space<semaphore_mem>>
      %dma_start3A = arith.constant 0 : i32
      %dma_start3A_163 = tpu.memref_slice %arg7[%run_scoped3A_101, %dma_start3A] : memref<64x128xi32, #tpu.memory_space<vmem>> -> memref<1x128xi32, #tpu.memory_space<vmem>>
      %dma_start3A_164 = tpu.memref_squeeze %dma_start3A_163 : memref<1x128xi32, #tpu.memory_space<vmem>> -> memref<128xi32, #tpu.memory_space<vmem>>
      %dma_start3A_165 = arith.constant 0 : i32
      %dma_start3A_166 = tpu.memref_slice %arg4[%dma_start3A_165] : memref<1441792xf32, #tpu.memory_space<vmem_shared>> -> memref<1441792xf32, #tpu.memory_space<vmem_shared>>
      tpu.enqueue_indirect_dma source(%arg8 : memref<128xf32, #tpu.memory_space<vmem>>) target(%dma_start3A_166 : memref<1441792xf32, #tpu.memory_space<vmem_shared>>) offsets(%dma_start3A_164 : memref<128xi32, #tpu.memory_space<vmem>>) semaphore(%run_scoped3A_162 : memref<!tpu.dma_semaphore, #tpu.memory_space<semaphore_mem>>) {add = true}
      %dma_wait3A = arith.constant 0 : i32
      %dma_wait3A_167 = tpu.memref_slice %arg7[%run_scoped3A_101, %dma_wait3A] : memref<64x128xi32, #tpu.memory_space<vmem>> -> memref<1x128xi32, #tpu.memory_space<vmem>>
      %dma_wait3A_168 = tpu.memref_squeeze %dma_wait3A_167 : memref<1x128xi32, #tpu.memory_space<vmem>> -> memref<128xi32, #tpu.memory_space<vmem>>
      %dma_wait3A_169 = arith.constant 0 : i32
      %dma_wait3A_170 = tpu.memref_slice %arg4[%dma_wait3A_169] : memref<1441792xf32, #tpu.memory_space<vmem_shared>> -> memref<1441792xf32, #tpu.memory_space<vmem_shared>>
      tpu.wait_indirect_dma semaphore(%run_scoped3A_162 : memref<!tpu.dma_semaphore, #tpu.memory_space<semaphore_mem>>) src(%arg8 : memref<128xf32, #tpu.memory_space<vmem>>) dst(%dma_wait3A_170 : memref<1441792xf32, #tpu.memory_space<vmem_shared>>)
      tpu.yield
    }) : () -> ()
    %run_scoped3A_102 = arith.constant 9 : i32
    "tpu.region"() ({
      %run_scoped3A_162 = tpu.sem_alloc : memref<!tpu.dma_semaphore, #tpu.memory_space<semaphore_mem>>
      %dma_start3A = arith.constant 0 : i32
      %dma_start3A_163 = tpu.memref_slice %arg7[%run_scoped3A_102, %dma_start3A] : memref<64x128xi32, #tpu.memory_space<vmem>> -> memref<1x128xi32, #tpu.memory_space<vmem>>
      %dma_start3A_164 = tpu.memref_squeeze %dma_start3A_163 : memref<1x128xi32, #tpu.memory_space<vmem>> -> memref<128xi32, #tpu.memory_space<vmem>>
      %dma_start3A_165 = arith.constant 0 : i32
      %dma_start3A_166 = tpu.memref_slice %arg4[%dma_start3A_165] : memref<1441792xf32, #tpu.memory_space<vmem_shared>> -> memref<1441792xf32, #tpu.memory_space<vmem_shared>>
      tpu.enqueue_indirect_dma source(%arg8 : memref<128xf32, #tpu.memory_space<vmem>>) target(%dma_start3A_166 : memref<1441792xf32, #tpu.memory_space<vmem_shared>>) offsets(%dma_start3A_164 : memref<128xi32, #tpu.memory_space<vmem>>) semaphore(%run_scoped3A_162 : memref<!tpu.dma_semaphore, #tpu.memory_space<semaphore_mem>>) {add = true}
      %dma_wait3A = arith.constant 0 : i32
      %dma_wait3A_167 = tpu.memref_slice %arg7[%run_scoped3A_102, %dma_wait3A] : memref<64x128xi32, #tpu.memory_space<vmem>> -> memref<1x128xi32, #tpu.memory_space<vmem>>
      %dma_wait3A_168 = tpu.memref_squeeze %dma_wait3A_167 : memref<1x128xi32, #tpu.memory_space<vmem>> -> memref<128xi32, #tpu.memory_space<vmem>>
      %dma_wait3A_169 = arith.constant 0 : i32
      %dma_wait3A_170 = tpu.memref_slice %arg4[%dma_wait3A_169] : memref<1441792xf32, #tpu.memory_space<vmem_shared>> -> memref<1441792xf32, #tpu.memory_space<vmem_shared>>
      tpu.wait_indirect_dma semaphore(%run_scoped3A_162 : memref<!tpu.dma_semaphore, #tpu.memory_space<semaphore_mem>>) src(%arg8 : memref<128xf32, #tpu.memory_space<vmem>>) dst(%dma_wait3A_170 : memref<1441792xf32, #tpu.memory_space<vmem_shared>>)
      tpu.yield
    }) : () -> ()
    %run_scoped3A_103 = arith.constant 10 : i32
    "tpu.region"() ({
      %run_scoped3A_162 = tpu.sem_alloc : memref<!tpu.dma_semaphore, #tpu.memory_space<semaphore_mem>>
      %dma_start3A = arith.constant 0 : i32
      %dma_start3A_163 = tpu.memref_slice %arg7[%run_scoped3A_103, %dma_start3A] : memref<64x128xi32, #tpu.memory_space<vmem>> -> memref<1x128xi32, #tpu.memory_space<vmem>>
      %dma_start3A_164 = tpu.memref_squeeze %dma_start3A_163 : memref<1x128xi32, #tpu.memory_space<vmem>> -> memref<128xi32, #tpu.memory_space<vmem>>
      %dma_start3A_165 = arith.constant 0 : i32
      %dma_start3A_166 = tpu.memref_slice %arg4[%dma_start3A_165] : memref<1441792xf32, #tpu.memory_space<vmem_shared>> -> memref<1441792xf32, #tpu.memory_space<vmem_shared>>
      tpu.enqueue_indirect_dma source(%arg8 : memref<128xf32, #tpu.memory_space<vmem>>) target(%dma_start3A_166 : memref<1441792xf32, #tpu.memory_space<vmem_shared>>) offsets(%dma_start3A_164 : memref<128xi32, #tpu.memory_space<vmem>>) semaphore(%run_scoped3A_162 : memref<!tpu.dma_semaphore, #tpu.memory_space<semaphore_mem>>) {add = true}
      %dma_wait3A = arith.constant 0 : i32
      %dma_wait3A_167 = tpu.memref_slice %arg7[%run_scoped3A_103, %dma_wait3A] : memref<64x128xi32, #tpu.memory_space<vmem>> -> memref<1x128xi32, #tpu.memory_space<vmem>>
      %dma_wait3A_168 = tpu.memref_squeeze %dma_wait3A_167 : memref<1x128xi32, #tpu.memory_space<vmem>> -> memref<128xi32, #tpu.memory_space<vmem>>
      %dma_wait3A_169 = arith.constant 0 : i32
      %dma_wait3A_170 = tpu.memref_slice %arg4[%dma_wait3A_169] : memref<1441792xf32, #tpu.memory_space<vmem_shared>> -> memref<1441792xf32, #tpu.memory_space<vmem_shared>>
      tpu.wait_indirect_dma semaphore(%run_scoped3A_162 : memref<!tpu.dma_semaphore, #tpu.memory_space<semaphore_mem>>) src(%arg8 : memref<128xf32, #tpu.memory_space<vmem>>) dst(%dma_wait3A_170 : memref<1441792xf32, #tpu.memory_space<vmem_shared>>)
      tpu.yield
    }) : () -> ()
    %run_scoped3A_104 = arith.constant 11 : i32
    "tpu.region"() ({
      %run_scoped3A_162 = tpu.sem_alloc : memref<!tpu.dma_semaphore, #tpu.memory_space<semaphore_mem>>
      %dma_start3A = arith.constant 0 : i32
      %dma_start3A_163 = tpu.memref_slice %arg7[%run_scoped3A_104, %dma_start3A] : memref<64x128xi32, #tpu.memory_space<vmem>> -> memref<1x128xi32, #tpu.memory_space<vmem>>
      %dma_start3A_164 = tpu.memref_squeeze %dma_start3A_163 : memref<1x128xi32, #tpu.memory_space<vmem>> -> memref<128xi32, #tpu.memory_space<vmem>>
      %dma_start3A_165 = arith.constant 0 : i32
      %dma_start3A_166 = tpu.memref_slice %arg4[%dma_start3A_165] : memref<1441792xf32, #tpu.memory_space<vmem_shared>> -> memref<1441792xf32, #tpu.memory_space<vmem_shared>>
      tpu.enqueue_indirect_dma source(%arg8 : memref<128xf32, #tpu.memory_space<vmem>>) target(%dma_start3A_166 : memref<1441792xf32, #tpu.memory_space<vmem_shared>>) offsets(%dma_start3A_164 : memref<128xi32, #tpu.memory_space<vmem>>) semaphore(%run_scoped3A_162 : memref<!tpu.dma_semaphore, #tpu.memory_space<semaphore_mem>>) {add = true}
      %dma_wait3A = arith.constant 0 : i32
      %dma_wait3A_167 = tpu.memref_slice %arg7[%run_scoped3A_104, %dma_wait3A] : memref<64x128xi32, #tpu.memory_space<vmem>> -> memref<1x128xi32, #tpu.memory_space<vmem>>
      %dma_wait3A_168 = tpu.memref_squeeze %dma_wait3A_167 : memref<1x128xi32, #tpu.memory_space<vmem>> -> memref<128xi32, #tpu.memory_space<vmem>>
      %dma_wait3A_169 = arith.constant 0 : i32
      %dma_wait3A_170 = tpu.memref_slice %arg4[%dma_wait3A_169] : memref<1441792xf32, #tpu.memory_space<vmem_shared>> -> memref<1441792xf32, #tpu.memory_space<vmem_shared>>
      tpu.wait_indirect_dma semaphore(%run_scoped3A_162 : memref<!tpu.dma_semaphore, #tpu.memory_space<semaphore_mem>>) src(%arg8 : memref<128xf32, #tpu.memory_space<vmem>>) dst(%dma_wait3A_170 : memref<1441792xf32, #tpu.memory_space<vmem_shared>>)
      tpu.yield
    }) : () -> ()
    %run_scoped3A_105 = arith.constant 12 : i32
    "tpu.region"() ({
      %run_scoped3A_162 = tpu.sem_alloc : memref<!tpu.dma_semaphore, #tpu.memory_space<semaphore_mem>>
      %dma_start3A = arith.constant 0 : i32
      %dma_start3A_163 = tpu.memref_slice %arg7[%run_scoped3A_105, %dma_start3A] : memref<64x128xi32, #tpu.memory_space<vmem>> -> memref<1x128xi32, #tpu.memory_space<vmem>>
      %dma_start3A_164 = tpu.memref_squeeze %dma_start3A_163 : memref<1x128xi32, #tpu.memory_space<vmem>> -> memref<128xi32, #tpu.memory_space<vmem>>
      %dma_start3A_165 = arith.constant 0 : i32
      %dma_start3A_166 = tpu.memref_slice %arg4[%dma_start3A_165] : memref<1441792xf32, #tpu.memory_space<vmem_shared>> -> memref<1441792xf32, #tpu.memory_space<vmem_shared>>
      tpu.enqueue_indirect_dma source(%arg8 : memref<128xf32, #tpu.memory_space<vmem>>) target(%dma_start3A_166 : memref<1441792xf32, #tpu.memory_space<vmem_shared>>) offsets(%dma_start3A_164 : memref<128xi32, #tpu.memory_space<vmem>>) semaphore(%run_scoped3A_162 : memref<!tpu.dma_semaphore, #tpu.memory_space<semaphore_mem>>) {add = true}
      %dma_wait3A = arith.constant 0 : i32
      %dma_wait3A_167 = tpu.memref_slice %arg7[%run_scoped3A_105, %dma_wait3A] : memref<64x128xi32, #tpu.memory_space<vmem>> -> memref<1x128xi32, #tpu.memory_space<vmem>>
      %dma_wait3A_168 = tpu.memref_squeeze %dma_wait3A_167 : memref<1x128xi32, #tpu.memory_space<vmem>> -> memref<128xi32, #tpu.memory_space<vmem>>
      %dma_wait3A_169 = arith.constant 0 : i32
      %dma_wait3A_170 = tpu.memref_slice %arg4[%dma_wait3A_169] : memref<1441792xf32, #tpu.memory_space<vmem_shared>> -> memref<1441792xf32, #tpu.memory_space<vmem_shared>>
      tpu.wait_indirect_dma semaphore(%run_scoped3A_162 : memref<!tpu.dma_semaphore, #tpu.memory_space<semaphore_mem>>) src(%arg8 : memref<128xf32, #tpu.memory_space<vmem>>) dst(%dma_wait3A_170 : memref<1441792xf32, #tpu.memory_space<vmem_shared>>)
      tpu.yield
    }) : () -> ()
    %run_scoped3A_106 = arith.constant 13 : i32
    "tpu.region"() ({
      %run_scoped3A_162 = tpu.sem_alloc : memref<!tpu.dma_semaphore, #tpu.memory_space<semaphore_mem>>
      %dma_start3A = arith.constant 0 : i32
      %dma_start3A_163 = tpu.memref_slice %arg7[%run_scoped3A_106, %dma_start3A] : memref<64x128xi32, #tpu.memory_space<vmem>> -> memref<1x128xi32, #tpu.memory_space<vmem>>
      %dma_start3A_164 = tpu.memref_squeeze %dma_start3A_163 : memref<1x128xi32, #tpu.memory_space<vmem>> -> memref<128xi32, #tpu.memory_space<vmem>>
      %dma_start3A_165 = arith.constant 0 : i32
      %dma_start3A_166 = tpu.memref_slice %arg4[%dma_start3A_165] : memref<1441792xf32, #tpu.memory_space<vmem_shared>> -> memref<1441792xf32, #tpu.memory_space<vmem_shared>>
      tpu.enqueue_indirect_dma source(%arg8 : memref<128xf32, #tpu.memory_space<vmem>>) target(%dma_start3A_166 : memref<1441792xf32, #tpu.memory_space<vmem_shared>>) offsets(%dma_start3A_164 : memref<128xi32, #tpu.memory_space<vmem>>) semaphore(%run_scoped3A_162 : memref<!tpu.dma_semaphore, #tpu.memory_space<semaphore_mem>>) {add = true}
      %dma_wait3A = arith.constant 0 : i32
      %dma_wait3A_167 = tpu.memref_slice %arg7[%run_scoped3A_106, %dma_wait3A] : memref<64x128xi32, #tpu.memory_space<vmem>> -> memref<1x128xi32, #tpu.memory_space<vmem>>
      %dma_wait3A_168 = tpu.memref_squeeze %dma_wait3A_167 : memref<1x128xi32, #tpu.memory_space<vmem>> -> memref<128xi32, #tpu.memory_space<vmem>>
      %dma_wait3A_169 = arith.constant 0 : i32
      %dma_wait3A_170 = tpu.memref_slice %arg4[%dma_wait3A_169] : memref<1441792xf32, #tpu.memory_space<vmem_shared>> -> memref<1441792xf32, #tpu.memory_space<vmem_shared>>
      tpu.wait_indirect_dma semaphore(%run_scoped3A_162 : memref<!tpu.dma_semaphore, #tpu.memory_space<semaphore_mem>>) src(%arg8 : memref<128xf32, #tpu.memory_space<vmem>>) dst(%dma_wait3A_170 : memref<1441792xf32, #tpu.memory_space<vmem_shared>>)
      tpu.yield
    }) : () -> ()
    %run_scoped3A_107 = arith.constant 14 : i32
    "tpu.region"() ({
      %run_scoped3A_162 = tpu.sem_alloc : memref<!tpu.dma_semaphore, #tpu.memory_space<semaphore_mem>>
      %dma_start3A = arith.constant 0 : i32
      %dma_start3A_163 = tpu.memref_slice %arg7[%run_scoped3A_107, %dma_start3A] : memref<64x128xi32, #tpu.memory_space<vmem>> -> memref<1x128xi32, #tpu.memory_space<vmem>>
      %dma_start3A_164 = tpu.memref_squeeze %dma_start3A_163 : memref<1x128xi32, #tpu.memory_space<vmem>> -> memref<128xi32, #tpu.memory_space<vmem>>
      %dma_start3A_165 = arith.constant 0 : i32
      %dma_start3A_166 = tpu.memref_slice %arg4[%dma_start3A_165] : memref<1441792xf32, #tpu.memory_space<vmem_shared>> -> memref<1441792xf32, #tpu.memory_space<vmem_shared>>
      tpu.enqueue_indirect_dma source(%arg8 : memref<128xf32, #tpu.memory_space<vmem>>) target(%dma_start3A_166 : memref<1441792xf32, #tpu.memory_space<vmem_shared>>) offsets(%dma_start3A_164 : memref<128xi32, #tpu.memory_space<vmem>>) semaphore(%run_scoped3A_162 : memref<!tpu.dma_semaphore, #tpu.memory_space<semaphore_mem>>) {add = true}
      %dma_wait3A = arith.constant 0 : i32
      %dma_wait3A_167 = tpu.memref_slice %arg7[%run_scoped3A_107, %dma_wait3A] : memref<64x128xi32, #tpu.memory_space<vmem>> -> memref<1x128xi32, #tpu.memory_space<vmem>>
      %dma_wait3A_168 = tpu.memref_squeeze %dma_wait3A_167 : memref<1x128xi32, #tpu.memory_space<vmem>> -> memref<128xi32, #tpu.memory_space<vmem>>
      %dma_wait3A_169 = arith.constant 0 : i32
      %dma_wait3A_170 = tpu.memref_slice %arg4[%dma_wait3A_169] : memref<1441792xf32, #tpu.memory_space<vmem_shared>> -> memref<1441792xf32, #tpu.memory_space<vmem_shared>>
      tpu.wait_indirect_dma semaphore(%run_scoped3A_162 : memref<!tpu.dma_semaphore, #tpu.memory_space<semaphore_mem>>) src(%arg8 : memref<128xf32, #tpu.memory_space<vmem>>) dst(%dma_wait3A_170 : memref<1441792xf32, #tpu.memory_space<vmem_shared>>)
      tpu.yield
    }) : () -> ()
    %run_scoped3A_108 = arith.constant 15 : i32
    "tpu.region"() ({
      %run_scoped3A_162 = tpu.sem_alloc : memref<!tpu.dma_semaphore, #tpu.memory_space<semaphore_mem>>
      %dma_start3A = arith.constant 0 : i32
      %dma_start3A_163 = tpu.memref_slice %arg7[%run_scoped3A_108, %dma_start3A] : memref<64x128xi32, #tpu.memory_space<vmem>> -> memref<1x128xi32, #tpu.memory_space<vmem>>
      %dma_start3A_164 = tpu.memref_squeeze %dma_start3A_163 : memref<1x128xi32, #tpu.memory_space<vmem>> -> memref<128xi32, #tpu.memory_space<vmem>>
      %dma_start3A_165 = arith.constant 0 : i32
      %dma_start3A_166 = tpu.memref_slice %arg4[%dma_start3A_165] : memref<1441792xf32, #tpu.memory_space<vmem_shared>> -> memref<1441792xf32, #tpu.memory_space<vmem_shared>>
      tpu.enqueue_indirect_dma source(%arg8 : memref<128xf32, #tpu.memory_space<vmem>>) target(%dma_start3A_166 : memref<1441792xf32, #tpu.memory_space<vmem_shared>>) offsets(%dma_start3A_164 : memref<128xi32, #tpu.memory_space<vmem>>) semaphore(%run_scoped3A_162 : memref<!tpu.dma_semaphore, #tpu.memory_space<semaphore_mem>>) {add = true}
      %dma_wait3A = arith.constant 0 : i32
      %dma_wait3A_167 = tpu.memref_slice %arg7[%run_scoped3A_108, %dma_wait3A] : memref<64x128xi32, #tpu.memory_space<vmem>> -> memref<1x128xi32, #tpu.memory_space<vmem>>
      %dma_wait3A_168 = tpu.memref_squeeze %dma_wait3A_167 : memref<1x128xi32, #tpu.memory_space<vmem>> -> memref<128xi32, #tpu.memory_space<vmem>>
      %dma_wait3A_169 = arith.constant 0 : i32
      %dma_wait3A_170 = tpu.memref_slice %arg4[%dma_wait3A_169] : memref<1441792xf32, #tpu.memory_space<vmem_shared>> -> memref<1441792xf32, #tpu.memory_space<vmem_shared>>
      tpu.wait_indirect_dma semaphore(%run_scoped3A_162 : memref<!tpu.dma_semaphore, #tpu.memory_space<semaphore_mem>>) src(%arg8 : memref<128xf32, #tpu.memory_space<vmem>>) dst(%dma_wait3A_170 : memref<1441792xf32, #tpu.memory_space<vmem_shared>>)
      tpu.yield
    }) : () -> ()
    %run_scoped3A_109 = arith.constant 16 : i32
    "tpu.region"() ({
      %run_scoped3A_162 = tpu.sem_alloc : memref<!tpu.dma_semaphore, #tpu.memory_space<semaphore_mem>>
      %dma_start3A = arith.constant 0 : i32
      %dma_start3A_163 = tpu.memref_slice %arg7[%run_scoped3A_109, %dma_start3A] : memref<64x128xi32, #tpu.memory_space<vmem>> -> memref<1x128xi32, #tpu.memory_space<vmem>>
      %dma_start3A_164 = tpu.memref_squeeze %dma_start3A_163 : memref<1x128xi32, #tpu.memory_space<vmem>> -> memref<128xi32, #tpu.memory_space<vmem>>
      %dma_start3A_165 = arith.constant 0 : i32
      %dma_start3A_166 = tpu.memref_slice %arg4[%dma_start3A_165] : memref<1441792xf32, #tpu.memory_space<vmem_shared>> -> memref<1441792xf32, #tpu.memory_space<vmem_shared>>
      tpu.enqueue_indirect_dma source(%arg8 : memref<128xf32, #tpu.memory_space<vmem>>) target(%dma_start3A_166 : memref<1441792xf32, #tpu.memory_space<vmem_shared>>) offsets(%dma_start3A_164 : memref<128xi32, #tpu.memory_space<vmem>>) semaphore(%run_scoped3A_162 : memref<!tpu.dma_semaphore, #tpu.memory_space<semaphore_mem>>) {add = true}
      %dma_wait3A = arith.constant 0 : i32
      %dma_wait3A_167 = tpu.memref_slice %arg7[%run_scoped3A_109, %dma_wait3A] : memref<64x128xi32, #tpu.memory_space<vmem>> -> memref<1x128xi32, #tpu.memory_space<vmem>>
      %dma_wait3A_168 = tpu.memref_squeeze %dma_wait3A_167 : memref<1x128xi32, #tpu.memory_space<vmem>> -> memref<128xi32, #tpu.memory_space<vmem>>
      %dma_wait3A_169 = arith.constant 0 : i32
      %dma_wait3A_170 = tpu.memref_slice %arg4[%dma_wait3A_169] : memref<1441792xf32, #tpu.memory_space<vmem_shared>> -> memref<1441792xf32, #tpu.memory_space<vmem_shared>>
      tpu.wait_indirect_dma semaphore(%run_scoped3A_162 : memref<!tpu.dma_semaphore, #tpu.memory_space<semaphore_mem>>) src(%arg8 : memref<128xf32, #tpu.memory_space<vmem>>) dst(%dma_wait3A_170 : memref<1441792xf32, #tpu.memory_space<vmem_shared>>)
      tpu.yield
    }) : () -> ()
    %run_scoped3A_110 = arith.constant 17 : i32
    "tpu.region"() ({
      %run_scoped3A_162 = tpu.sem_alloc : memref<!tpu.dma_semaphore, #tpu.memory_space<semaphore_mem>>
      %dma_start3A = arith.constant 0 : i32
      %dma_start3A_163 = tpu.memref_slice %arg7[%run_scoped3A_110, %dma_start3A] : memref<64x128xi32, #tpu.memory_space<vmem>> -> memref<1x128xi32, #tpu.memory_space<vmem>>
      %dma_start3A_164 = tpu.memref_squeeze %dma_start3A_163 : memref<1x128xi32, #tpu.memory_space<vmem>> -> memref<128xi32, #tpu.memory_space<vmem>>
      %dma_start3A_165 = arith.constant 0 : i32
      %dma_start3A_166 = tpu.memref_slice %arg4[%dma_start3A_165] : memref<1441792xf32, #tpu.memory_space<vmem_shared>> -> memref<1441792xf32, #tpu.memory_space<vmem_shared>>
      tpu.enqueue_indirect_dma source(%arg8 : memref<128xf32, #tpu.memory_space<vmem>>) target(%dma_start3A_166 : memref<1441792xf32, #tpu.memory_space<vmem_shared>>) offsets(%dma_start3A_164 : memref<128xi32, #tpu.memory_space<vmem>>) semaphore(%run_scoped3A_162 : memref<!tpu.dma_semaphore, #tpu.memory_space<semaphore_mem>>) {add = true}
      %dma_wait3A = arith.constant 0 : i32
      %dma_wait3A_167 = tpu.memref_slice %arg7[%run_scoped3A_110, %dma_wait3A] : memref<64x128xi32, #tpu.memory_space<vmem>> -> memref<1x128xi32, #tpu.memory_space<vmem>>
      %dma_wait3A_168 = tpu.memref_squeeze %dma_wait3A_167 : memref<1x128xi32, #tpu.memory_space<vmem>> -> memref<128xi32, #tpu.memory_space<vmem>>
      %dma_wait3A_169 = arith.constant 0 : i32
      %dma_wait3A_170 = tpu.memref_slice %arg4[%dma_wait3A_169] : memref<1441792xf32, #tpu.memory_space<vmem_shared>> -> memref<1441792xf32, #tpu.memory_space<vmem_shared>>
      tpu.wait_indirect_dma semaphore(%run_scoped3A_162 : memref<!tpu.dma_semaphore, #tpu.memory_space<semaphore_mem>>) src(%arg8 : memref<128xf32, #tpu.memory_space<vmem>>) dst(%dma_wait3A_170 : memref<1441792xf32, #tpu.memory_space<vmem_shared>>)
      tpu.yield
    }) : () -> ()
    %run_scoped3A_111 = arith.constant 18 : i32
    "tpu.region"() ({
      %run_scoped3A_162 = tpu.sem_alloc : memref<!tpu.dma_semaphore, #tpu.memory_space<semaphore_mem>>
      %dma_start3A = arith.constant 0 : i32
      %dma_start3A_163 = tpu.memref_slice %arg7[%run_scoped3A_111, %dma_start3A] : memref<64x128xi32, #tpu.memory_space<vmem>> -> memref<1x128xi32, #tpu.memory_space<vmem>>
      %dma_start3A_164 = tpu.memref_squeeze %dma_start3A_163 : memref<1x128xi32, #tpu.memory_space<vmem>> -> memref<128xi32, #tpu.memory_space<vmem>>
      %dma_start3A_165 = arith.constant 0 : i32
      %dma_start3A_166 = tpu.memref_slice %arg4[%dma_start3A_165] : memref<1441792xf32, #tpu.memory_space<vmem_shared>> -> memref<1441792xf32, #tpu.memory_space<vmem_shared>>
      tpu.enqueue_indirect_dma source(%arg8 : memref<128xf32, #tpu.memory_space<vmem>>) target(%dma_start3A_166 : memref<1441792xf32, #tpu.memory_space<vmem_shared>>) offsets(%dma_start3A_164 : memref<128xi32, #tpu.memory_space<vmem>>) semaphore(%run_scoped3A_162 : memref<!tpu.dma_semaphore, #tpu.memory_space<semaphore_mem>>) {add = true}
      %dma_wait3A = arith.constant 0 : i32
      %dma_wait3A_167 = tpu.memref_slice %arg7[%run_scoped3A_111, %dma_wait3A] : memref<64x128xi32, #tpu.memory_space<vmem>> -> memref<1x128xi32, #tpu.memory_space<vmem>>
      %dma_wait3A_168 = tpu.memref_squeeze %dma_wait3A_167 : memref<1x128xi32, #tpu.memory_space<vmem>> -> memref<128xi32, #tpu.memory_space<vmem>>
      %dma_wait3A_169 = arith.constant 0 : i32
      %dma_wait3A_170 = tpu.memref_slice %arg4[%dma_wait3A_169] : memref<1441792xf32, #tpu.memory_space<vmem_shared>> -> memref<1441792xf32, #tpu.memory_space<vmem_shared>>
      tpu.wait_indirect_dma semaphore(%run_scoped3A_162 : memref<!tpu.dma_semaphore, #tpu.memory_space<semaphore_mem>>) src(%arg8 : memref<128xf32, #tpu.memory_space<vmem>>) dst(%dma_wait3A_170 : memref<1441792xf32, #tpu.memory_space<vmem_shared>>)
      tpu.yield
    }) : () -> ()
    %run_scoped3A_112 = arith.constant 19 : i32
    "tpu.region"() ({
      %run_scoped3A_162 = tpu.sem_alloc : memref<!tpu.dma_semaphore, #tpu.memory_space<semaphore_mem>>
      %dma_start3A = arith.constant 0 : i32
      %dma_start3A_163 = tpu.memref_slice %arg7[%run_scoped3A_112, %dma_start3A] : memref<64x128xi32, #tpu.memory_space<vmem>> -> memref<1x128xi32, #tpu.memory_space<vmem>>
      %dma_start3A_164 = tpu.memref_squeeze %dma_start3A_163 : memref<1x128xi32, #tpu.memory_space<vmem>> -> memref<128xi32, #tpu.memory_space<vmem>>
      %dma_start3A_165 = arith.constant 0 : i32
      %dma_start3A_166 = tpu.memref_slice %arg4[%dma_start3A_165] : memref<1441792xf32, #tpu.memory_space<vmem_shared>> -> memref<1441792xf32, #tpu.memory_space<vmem_shared>>
      tpu.enqueue_indirect_dma source(%arg8 : memref<128xf32, #tpu.memory_space<vmem>>) target(%dma_start3A_166 : memref<1441792xf32, #tpu.memory_space<vmem_shared>>) offsets(%dma_start3A_164 : memref<128xi32, #tpu.memory_space<vmem>>) semaphore(%run_scoped3A_162 : memref<!tpu.dma_semaphore, #tpu.memory_space<semaphore_mem>>) {add = true}
      %dma_wait3A = arith.constant 0 : i32
      %dma_wait3A_167 = tpu.memref_slice %arg7[%run_scoped3A_112, %dma_wait3A] : memref<64x128xi32, #tpu.memory_space<vmem>> -> memref<1x128xi32, #tpu.memory_space<vmem>>
      %dma_wait3A_168 = tpu.memref_squeeze %dma_wait3A_167 : memref<1x128xi32, #tpu.memory_space<vmem>> -> memref<128xi32, #tpu.memory_space<vmem>>
      %dma_wait3A_169 = arith.constant 0 : i32
      %dma_wait3A_170 = tpu.memref_slice %arg4[%dma_wait3A_169] : memref<1441792xf32, #tpu.memory_space<vmem_shared>> -> memref<1441792xf32, #tpu.memory_space<vmem_shared>>
      tpu.wait_indirect_dma semaphore(%run_scoped3A_162 : memref<!tpu.dma_semaphore, #tpu.memory_space<semaphore_mem>>) src(%arg8 : memref<128xf32, #tpu.memory_space<vmem>>) dst(%dma_wait3A_170 : memref<1441792xf32, #tpu.memory_space<vmem_shared>>)
      tpu.yield
    }) : () -> ()
    %run_scoped3A_113 = arith.constant 20 : i32
    "tpu.region"() ({
      %run_scoped3A_162 = tpu.sem_alloc : memref<!tpu.dma_semaphore, #tpu.memory_space<semaphore_mem>>
      %dma_start3A = arith.constant 0 : i32
      %dma_start3A_163 = tpu.memref_slice %arg7[%run_scoped3A_113, %dma_start3A] : memref<64x128xi32, #tpu.memory_space<vmem>> -> memref<1x128xi32, #tpu.memory_space<vmem>>
      %dma_start3A_164 = tpu.memref_squeeze %dma_start3A_163 : memref<1x128xi32, #tpu.memory_space<vmem>> -> memref<128xi32, #tpu.memory_space<vmem>>
      %dma_start3A_165 = arith.constant 0 : i32
      %dma_start3A_166 = tpu.memref_slice %arg4[%dma_start3A_165] : memref<1441792xf32, #tpu.memory_space<vmem_shared>> -> memref<1441792xf32, #tpu.memory_space<vmem_shared>>
      tpu.enqueue_indirect_dma source(%arg8 : memref<128xf32, #tpu.memory_space<vmem>>) target(%dma_start3A_166 : memref<1441792xf32, #tpu.memory_space<vmem_shared>>) offsets(%dma_start3A_164 : memref<128xi32, #tpu.memory_space<vmem>>) semaphore(%run_scoped3A_162 : memref<!tpu.dma_semaphore, #tpu.memory_space<semaphore_mem>>) {add = true}
      %dma_wait3A = arith.constant 0 : i32
      %dma_wait3A_167 = tpu.memref_slice %arg7[%run_scoped3A_113, %dma_wait3A] : memref<64x128xi32, #tpu.memory_space<vmem>> -> memref<1x128xi32, #tpu.memory_space<vmem>>
      %dma_wait3A_168 = tpu.memref_squeeze %dma_wait3A_167 : memref<1x128xi32, #tpu.memory_space<vmem>> -> memref<128xi32, #tpu.memory_space<vmem>>
      %dma_wait3A_169 = arith.constant 0 : i32
      %dma_wait3A_170 = tpu.memref_slice %arg4[%dma_wait3A_169] : memref<1441792xf32, #tpu.memory_space<vmem_shared>> -> memref<1441792xf32, #tpu.memory_space<vmem_shared>>
      tpu.wait_indirect_dma semaphore(%run_scoped3A_162 : memref<!tpu.dma_semaphore, #tpu.memory_space<semaphore_mem>>) src(%arg8 : memref<128xf32, #tpu.memory_space<vmem>>) dst(%dma_wait3A_170 : memref<1441792xf32, #tpu.memory_space<vmem_shared>>)
      tpu.yield
    }) : () -> ()
    %run_scoped3A_114 = arith.constant 21 : i32
    "tpu.region"() ({
      %run_scoped3A_162 = tpu.sem_alloc : memref<!tpu.dma_semaphore, #tpu.memory_space<semaphore_mem>>
      %dma_start3A = arith.constant 0 : i32
      %dma_start3A_163 = tpu.memref_slice %arg7[%run_scoped3A_114, %dma_start3A] : memref<64x128xi32, #tpu.memory_space<vmem>> -> memref<1x128xi32, #tpu.memory_space<vmem>>
      %dma_start3A_164 = tpu.memref_squeeze %dma_start3A_163 : memref<1x128xi32, #tpu.memory_space<vmem>> -> memref<128xi32, #tpu.memory_space<vmem>>
      %dma_start3A_165 = arith.constant 0 : i32
      %dma_start3A_166 = tpu.memref_slice %arg4[%dma_start3A_165] : memref<1441792xf32, #tpu.memory_space<vmem_shared>> -> memref<1441792xf32, #tpu.memory_space<vmem_shared>>
      tpu.enqueue_indirect_dma source(%arg8 : memref<128xf32, #tpu.memory_space<vmem>>) target(%dma_start3A_166 : memref<1441792xf32, #tpu.memory_space<vmem_shared>>) offsets(%dma_start3A_164 : memref<128xi32, #tpu.memory_space<vmem>>) semaphore(%run_scoped3A_162 : memref<!tpu.dma_semaphore, #tpu.memory_space<semaphore_mem>>) {add = true}
      %dma_wait3A = arith.constant 0 : i32
      %dma_wait3A_167 = tpu.memref_slice %arg7[%run_scoped3A_114, %dma_wait3A] : memref<64x128xi32, #tpu.memory_space<vmem>> -> memref<1x128xi32, #tpu.memory_space<vmem>>
      %dma_wait3A_168 = tpu.memref_squeeze %dma_wait3A_167 : memref<1x128xi32, #tpu.memory_space<vmem>> -> memref<128xi32, #tpu.memory_space<vmem>>
      %dma_wait3A_169 = arith.constant 0 : i32
      %dma_wait3A_170 = tpu.memref_slice %arg4[%dma_wait3A_169] : memref<1441792xf32, #tpu.memory_space<vmem_shared>> -> memref<1441792xf32, #tpu.memory_space<vmem_shared>>
      tpu.wait_indirect_dma semaphore(%run_scoped3A_162 : memref<!tpu.dma_semaphore, #tpu.memory_space<semaphore_mem>>) src(%arg8 : memref<128xf32, #tpu.memory_space<vmem>>) dst(%dma_wait3A_170 : memref<1441792xf32, #tpu.memory_space<vmem_shared>>)
      tpu.yield
    }) : () -> ()
    %run_scoped3A_115 = arith.constant 22 : i32
    "tpu.region"() ({
      %run_scoped3A_162 = tpu.sem_alloc : memref<!tpu.dma_semaphore, #tpu.memory_space<semaphore_mem>>
      %dma_start3A = arith.constant 0 : i32
      %dma_start3A_163 = tpu.memref_slice %arg7[%run_scoped3A_115, %dma_start3A] : memref<64x128xi32, #tpu.memory_space<vmem>> -> memref<1x128xi32, #tpu.memory_space<vmem>>
      %dma_start3A_164 = tpu.memref_squeeze %dma_start3A_163 : memref<1x128xi32, #tpu.memory_space<vmem>> -> memref<128xi32, #tpu.memory_space<vmem>>
      %dma_start3A_165 = arith.constant 0 : i32
      %dma_start3A_166 = tpu.memref_slice %arg4[%dma_start3A_165] : memref<1441792xf32, #tpu.memory_space<vmem_shared>> -> memref<1441792xf32, #tpu.memory_space<vmem_shared>>
      tpu.enqueue_indirect_dma source(%arg8 : memref<128xf32, #tpu.memory_space<vmem>>) target(%dma_start3A_166 : memref<1441792xf32, #tpu.memory_space<vmem_shared>>) offsets(%dma_start3A_164 : memref<128xi32, #tpu.memory_space<vmem>>) semaphore(%run_scoped3A_162 : memref<!tpu.dma_semaphore, #tpu.memory_space<semaphore_mem>>) {add = true}
      %dma_wait3A = arith.constant 0 : i32
      %dma_wait3A_167 = tpu.memref_slice %arg7[%run_scoped3A_115, %dma_wait3A] : memref<64x128xi32, #tpu.memory_space<vmem>> -> memref<1x128xi32, #tpu.memory_space<vmem>>
      %dma_wait3A_168 = tpu.memref_squeeze %dma_wait3A_167 : memref<1x128xi32, #tpu.memory_space<vmem>> -> memref<128xi32, #tpu.memory_space<vmem>>
      %dma_wait3A_169 = arith.constant 0 : i32
      %dma_wait3A_170 = tpu.memref_slice %arg4[%dma_wait3A_169] : memref<1441792xf32, #tpu.memory_space<vmem_shared>> -> memref<1441792xf32, #tpu.memory_space<vmem_shared>>
      tpu.wait_indirect_dma semaphore(%run_scoped3A_162 : memref<!tpu.dma_semaphore, #tpu.memory_space<semaphore_mem>>) src(%arg8 : memref<128xf32, #tpu.memory_space<vmem>>) dst(%dma_wait3A_170 : memref<1441792xf32, #tpu.memory_space<vmem_shared>>)
      tpu.yield
    }) : () -> ()
    %run_scoped3A_116 = arith.constant 23 : i32
    "tpu.region"() ({
      %run_scoped3A_162 = tpu.sem_alloc : memref<!tpu.dma_semaphore, #tpu.memory_space<semaphore_mem>>
      %dma_start3A = arith.constant 0 : i32
      %dma_start3A_163 = tpu.memref_slice %arg7[%run_scoped3A_116, %dma_start3A] : memref<64x128xi32, #tpu.memory_space<vmem>> -> memref<1x128xi32, #tpu.memory_space<vmem>>
      %dma_start3A_164 = tpu.memref_squeeze %dma_start3A_163 : memref<1x128xi32, #tpu.memory_space<vmem>> -> memref<128xi32, #tpu.memory_space<vmem>>
      %dma_start3A_165 = arith.constant 0 : i32
      %dma_start3A_166 = tpu.memref_slice %arg4[%dma_start3A_165] : memref<1441792xf32, #tpu.memory_space<vmem_shared>> -> memref<1441792xf32, #tpu.memory_space<vmem_shared>>
      tpu.enqueue_indirect_dma source(%arg8 : memref<128xf32, #tpu.memory_space<vmem>>) target(%dma_start3A_166 : memref<1441792xf32, #tpu.memory_space<vmem_shared>>) offsets(%dma_start3A_164 : memref<128xi32, #tpu.memory_space<vmem>>) semaphore(%run_scoped3A_162 : memref<!tpu.dma_semaphore, #tpu.memory_space<semaphore_mem>>) {add = true}
      %dma_wait3A = arith.constant 0 : i32
      %dma_wait3A_167 = tpu.memref_slice %arg7[%run_scoped3A_116, %dma_wait3A] : memref<64x128xi32, #tpu.memory_space<vmem>> -> memref<1x128xi32, #tpu.memory_space<vmem>>
      %dma_wait3A_168 = tpu.memref_squeeze %dma_wait3A_167 : memref<1x128xi32, #tpu.memory_space<vmem>> -> memref<128xi32, #tpu.memory_space<vmem>>
      %dma_wait3A_169 = arith.constant 0 : i32
      %dma_wait3A_170 = tpu.memref_slice %arg4[%dma_wait3A_169] : memref<1441792xf32, #tpu.memory_space<vmem_shared>> -> memref<1441792xf32, #tpu.memory_space<vmem_shared>>
      tpu.wait_indirect_dma semaphore(%run_scoped3A_162 : memref<!tpu.dma_semaphore, #tpu.memory_space<semaphore_mem>>) src(%arg8 : memref<128xf32, #tpu.memory_space<vmem>>) dst(%dma_wait3A_170 : memref<1441792xf32, #tpu.memory_space<vmem_shared>>)
      tpu.yield
    }) : () -> ()
    %run_scoped3A_117 = arith.constant 24 : i32
    "tpu.region"() ({
      %run_scoped3A_162 = tpu.sem_alloc : memref<!tpu.dma_semaphore, #tpu.memory_space<semaphore_mem>>
      %dma_start3A = arith.constant 0 : i32
      %dma_start3A_163 = tpu.memref_slice %arg7[%run_scoped3A_117, %dma_start3A] : memref<64x128xi32, #tpu.memory_space<vmem>> -> memref<1x128xi32, #tpu.memory_space<vmem>>
      %dma_start3A_164 = tpu.memref_squeeze %dma_start3A_163 : memref<1x128xi32, #tpu.memory_space<vmem>> -> memref<128xi32, #tpu.memory_space<vmem>>
      %dma_start3A_165 = arith.constant 0 : i32
      %dma_start3A_166 = tpu.memref_slice %arg4[%dma_start3A_165] : memref<1441792xf32, #tpu.memory_space<vmem_shared>> -> memref<1441792xf32, #tpu.memory_space<vmem_shared>>
      tpu.enqueue_indirect_dma source(%arg8 : memref<128xf32, #tpu.memory_space<vmem>>) target(%dma_start3A_166 : memref<1441792xf32, #tpu.memory_space<vmem_shared>>) offsets(%dma_start3A_164 : memref<128xi32, #tpu.memory_space<vmem>>) semaphore(%run_scoped3A_162 : memref<!tpu.dma_semaphore, #tpu.memory_space<semaphore_mem>>) {add = true}
      %dma_wait3A = arith.constant 0 : i32
      %dma_wait3A_167 = tpu.memref_slice %arg7[%run_scoped3A_117, %dma_wait3A] : memref<64x128xi32, #tpu.memory_space<vmem>> -> memref<1x128xi32, #tpu.memory_space<vmem>>
      %dma_wait3A_168 = tpu.memref_squeeze %dma_wait3A_167 : memref<1x128xi32, #tpu.memory_space<vmem>> -> memref<128xi32, #tpu.memory_space<vmem>>
      %dma_wait3A_169 = arith.constant 0 : i32
      %dma_wait3A_170 = tpu.memref_slice %arg4[%dma_wait3A_169] : memref<1441792xf32, #tpu.memory_space<vmem_shared>> -> memref<1441792xf32, #tpu.memory_space<vmem_shared>>
      tpu.wait_indirect_dma semaphore(%run_scoped3A_162 : memref<!tpu.dma_semaphore, #tpu.memory_space<semaphore_mem>>) src(%arg8 : memref<128xf32, #tpu.memory_space<vmem>>) dst(%dma_wait3A_170 : memref<1441792xf32, #tpu.memory_space<vmem_shared>>)
      tpu.yield
    }) : () -> ()
    %run_scoped3A_118 = arith.constant 25 : i32
    "tpu.region"() ({
      %run_scoped3A_162 = tpu.sem_alloc : memref<!tpu.dma_semaphore, #tpu.memory_space<semaphore_mem>>
      %dma_start3A = arith.constant 0 : i32
      %dma_start3A_163 = tpu.memref_slice %arg7[%run_scoped3A_118, %dma_start3A] : memref<64x128xi32, #tpu.memory_space<vmem>> -> memref<1x128xi32, #tpu.memory_space<vmem>>
      %dma_start3A_164 = tpu.memref_squeeze %dma_start3A_163 : memref<1x128xi32, #tpu.memory_space<vmem>> -> memref<128xi32, #tpu.memory_space<vmem>>
      %dma_start3A_165 = arith.constant 0 : i32
      %dma_start3A_166 = tpu.memref_slice %arg4[%dma_start3A_165] : memref<1441792xf32, #tpu.memory_space<vmem_shared>> -> memref<1441792xf32, #tpu.memory_space<vmem_shared>>
      tpu.enqueue_indirect_dma source(%arg8 : memref<128xf32, #tpu.memory_space<vmem>>) target(%dma_start3A_166 : memref<1441792xf32, #tpu.memory_space<vmem_shared>>) offsets(%dma_start3A_164 : memref<128xi32, #tpu.memory_space<vmem>>) semaphore(%run_scoped3A_162 : memref<!tpu.dma_semaphore, #tpu.memory_space<semaphore_mem>>) {add = true}
      %dma_wait3A = arith.constant 0 : i32
      %dma_wait3A_167 = tpu.memref_slice %arg7[%run_scoped3A_118, %dma_wait3A] : memref<64x128xi32, #tpu.memory_space<vmem>> -> memref<1x128xi32, #tpu.memory_space<vmem>>
      %dma_wait3A_168 = tpu.memref_squeeze %dma_wait3A_167 : memref<1x128xi32, #tpu.memory_space<vmem>> -> memref<128xi32, #tpu.memory_space<vmem>>
      %dma_wait3A_169 = arith.constant 0 : i32
      %dma_wait3A_170 = tpu.memref_slice %arg4[%dma_wait3A_169] : memref<1441792xf32, #tpu.memory_space<vmem_shared>> -> memref<1441792xf32, #tpu.memory_space<vmem_shared>>
      tpu.wait_indirect_dma semaphore(%run_scoped3A_162 : memref<!tpu.dma_semaphore, #tpu.memory_space<semaphore_mem>>) src(%arg8 : memref<128xf32, #tpu.memory_space<vmem>>) dst(%dma_wait3A_170 : memref<1441792xf32, #tpu.memory_space<vmem_shared>>)
      tpu.yield
    }) : () -> ()
    %run_scoped3A_119 = arith.constant 26 : i32
    "tpu.region"() ({
      %run_scoped3A_162 = tpu.sem_alloc : memref<!tpu.dma_semaphore, #tpu.memory_space<semaphore_mem>>
      %dma_start3A = arith.constant 0 : i32
      %dma_start3A_163 = tpu.memref_slice %arg7[%run_scoped3A_119, %dma_start3A] : memref<64x128xi32, #tpu.memory_space<vmem>> -> memref<1x128xi32, #tpu.memory_space<vmem>>
      %dma_start3A_164 = tpu.memref_squeeze %dma_start3A_163 : memref<1x128xi32, #tpu.memory_space<vmem>> -> memref<128xi32, #tpu.memory_space<vmem>>
      %dma_start3A_165 = arith.constant 0 : i32
      %dma_start3A_166 = tpu.memref_slice %arg4[%dma_start3A_165] : memref<1441792xf32, #tpu.memory_space<vmem_shared>> -> memref<1441792xf32, #tpu.memory_space<vmem_shared>>
      tpu.enqueue_indirect_dma source(%arg8 : memref<128xf32, #tpu.memory_space<vmem>>) target(%dma_start3A_166 : memref<1441792xf32, #tpu.memory_space<vmem_shared>>) offsets(%dma_start3A_164 : memref<128xi32, #tpu.memory_space<vmem>>) semaphore(%run_scoped3A_162 : memref<!tpu.dma_semaphore, #tpu.memory_space<semaphore_mem>>) {add = true}
      %dma_wait3A = arith.constant 0 : i32
      %dma_wait3A_167 = tpu.memref_slice %arg7[%run_scoped3A_119, %dma_wait3A] : memref<64x128xi32, #tpu.memory_space<vmem>> -> memref<1x128xi32, #tpu.memory_space<vmem>>
      %dma_wait3A_168 = tpu.memref_squeeze %dma_wait3A_167 : memref<1x128xi32, #tpu.memory_space<vmem>> -> memref<128xi32, #tpu.memory_space<vmem>>
      %dma_wait3A_169 = arith.constant 0 : i32
      %dma_wait3A_170 = tpu.memref_slice %arg4[%dma_wait3A_169] : memref<1441792xf32, #tpu.memory_space<vmem_shared>> -> memref<1441792xf32, #tpu.memory_space<vmem_shared>>
      tpu.wait_indirect_dma semaphore(%run_scoped3A_162 : memref<!tpu.dma_semaphore, #tpu.memory_space<semaphore_mem>>) src(%arg8 : memref<128xf32, #tpu.memory_space<vmem>>) dst(%dma_wait3A_170 : memref<1441792xf32, #tpu.memory_space<vmem_shared>>)
      tpu.yield
    }) : () -> ()
    %run_scoped3A_120 = arith.constant 27 : i32
    "tpu.region"() ({
      %run_scoped3A_162 = tpu.sem_alloc : memref<!tpu.dma_semaphore, #tpu.memory_space<semaphore_mem>>
      %dma_start3A = arith.constant 0 : i32
      %dma_start3A_163 = tpu.memref_slice %arg7[%run_scoped3A_120, %dma_start3A] : memref<64x128xi32, #tpu.memory_space<vmem>> -> memref<1x128xi32, #tpu.memory_space<vmem>>
      %dma_start3A_164 = tpu.memref_squeeze %dma_start3A_163 : memref<1x128xi32, #tpu.memory_space<vmem>> -> memref<128xi32, #tpu.memory_space<vmem>>
      %dma_start3A_165 = arith.constant 0 : i32
      %dma_start3A_166 = tpu.memref_slice %arg4[%dma_start3A_165] : memref<1441792xf32, #tpu.memory_space<vmem_shared>> -> memref<1441792xf32, #tpu.memory_space<vmem_shared>>
      tpu.enqueue_indirect_dma source(%arg8 : memref<128xf32, #tpu.memory_space<vmem>>) target(%dma_start3A_166 : memref<1441792xf32, #tpu.memory_space<vmem_shared>>) offsets(%dma_start3A_164 : memref<128xi32, #tpu.memory_space<vmem>>) semaphore(%run_scoped3A_162 : memref<!tpu.dma_semaphore, #tpu.memory_space<semaphore_mem>>) {add = true}
      %dma_wait3A = arith.constant 0 : i32
      %dma_wait3A_167 = tpu.memref_slice %arg7[%run_scoped3A_120, %dma_wait3A] : memref<64x128xi32, #tpu.memory_space<vmem>> -> memref<1x128xi32, #tpu.memory_space<vmem>>
      %dma_wait3A_168 = tpu.memref_squeeze %dma_wait3A_167 : memref<1x128xi32, #tpu.memory_space<vmem>> -> memref<128xi32, #tpu.memory_space<vmem>>
      %dma_wait3A_169 = arith.constant 0 : i32
      %dma_wait3A_170 = tpu.memref_slice %arg4[%dma_wait3A_169] : memref<1441792xf32, #tpu.memory_space<vmem_shared>> -> memref<1441792xf32, #tpu.memory_space<vmem_shared>>
      tpu.wait_indirect_dma semaphore(%run_scoped3A_162 : memref<!tpu.dma_semaphore, #tpu.memory_space<semaphore_mem>>) src(%arg8 : memref<128xf32, #tpu.memory_space<vmem>>) dst(%dma_wait3A_170 : memref<1441792xf32, #tpu.memory_space<vmem_shared>>)
      tpu.yield
    }) : () -> ()
    %run_scoped3A_121 = arith.constant 28 : i32
    "tpu.region"() ({
      %run_scoped3A_162 = tpu.sem_alloc : memref<!tpu.dma_semaphore, #tpu.memory_space<semaphore_mem>>
      %dma_start3A = arith.constant 0 : i32
      %dma_start3A_163 = tpu.memref_slice %arg7[%run_scoped3A_121, %dma_start3A] : memref<64x128xi32, #tpu.memory_space<vmem>> -> memref<1x128xi32, #tpu.memory_space<vmem>>
      %dma_start3A_164 = tpu.memref_squeeze %dma_start3A_163 : memref<1x128xi32, #tpu.memory_space<vmem>> -> memref<128xi32, #tpu.memory_space<vmem>>
      %dma_start3A_165 = arith.constant 0 : i32
      %dma_start3A_166 = tpu.memref_slice %arg4[%dma_start3A_165] : memref<1441792xf32, #tpu.memory_space<vmem_shared>> -> memref<1441792xf32, #tpu.memory_space<vmem_shared>>
      tpu.enqueue_indirect_dma source(%arg8 : memref<128xf32, #tpu.memory_space<vmem>>) target(%dma_start3A_166 : memref<1441792xf32, #tpu.memory_space<vmem_shared>>) offsets(%dma_start3A_164 : memref<128xi32, #tpu.memory_space<vmem>>) semaphore(%run_scoped3A_162 : memref<!tpu.dma_semaphore, #tpu.memory_space<semaphore_mem>>) {add = true}
      %dma_wait3A = arith.constant 0 : i32
      %dma_wait3A_167 = tpu.memref_slice %arg7[%run_scoped3A_121, %dma_wait3A] : memref<64x128xi32, #tpu.memory_space<vmem>> -> memref<1x128xi32, #tpu.memory_space<vmem>>
      %dma_wait3A_168 = tpu.memref_squeeze %dma_wait3A_167 : memref<1x128xi32, #tpu.memory_space<vmem>> -> memref<128xi32, #tpu.memory_space<vmem>>
      %dma_wait3A_169 = arith.constant 0 : i32
      %dma_wait3A_170 = tpu.memref_slice %arg4[%dma_wait3A_169] : memref<1441792xf32, #tpu.memory_space<vmem_shared>> -> memref<1441792xf32, #tpu.memory_space<vmem_shared>>
      tpu.wait_indirect_dma semaphore(%run_scoped3A_162 : memref<!tpu.dma_semaphore, #tpu.memory_space<semaphore_mem>>) src(%arg8 : memref<128xf32, #tpu.memory_space<vmem>>) dst(%dma_wait3A_170 : memref<1441792xf32, #tpu.memory_space<vmem_shared>>)
      tpu.yield
    }) : () -> ()
    %run_scoped3A_122 = arith.constant 29 : i32
    "tpu.region"() ({
      %run_scoped3A_162 = tpu.sem_alloc : memref<!tpu.dma_semaphore, #tpu.memory_space<semaphore_mem>>
      %dma_start3A = arith.constant 0 : i32
      %dma_start3A_163 = tpu.memref_slice %arg7[%run_scoped3A_122, %dma_start3A] : memref<64x128xi32, #tpu.memory_space<vmem>> -> memref<1x128xi32, #tpu.memory_space<vmem>>
      %dma_start3A_164 = tpu.memref_squeeze %dma_start3A_163 : memref<1x128xi32, #tpu.memory_space<vmem>> -> memref<128xi32, #tpu.memory_space<vmem>>
      %dma_start3A_165 = arith.constant 0 : i32
      %dma_start3A_166 = tpu.memref_slice %arg4[%dma_start3A_165] : memref<1441792xf32, #tpu.memory_space<vmem_shared>> -> memref<1441792xf32, #tpu.memory_space<vmem_shared>>
      tpu.enqueue_indirect_dma source(%arg8 : memref<128xf32, #tpu.memory_space<vmem>>) target(%dma_start3A_166 : memref<1441792xf32, #tpu.memory_space<vmem_shared>>) offsets(%dma_start3A_164 : memref<128xi32, #tpu.memory_space<vmem>>) semaphore(%run_scoped3A_162 : memref<!tpu.dma_semaphore, #tpu.memory_space<semaphore_mem>>) {add = true}
      %dma_wait3A = arith.constant 0 : i32
      %dma_wait3A_167 = tpu.memref_slice %arg7[%run_scoped3A_122, %dma_wait3A] : memref<64x128xi32, #tpu.memory_space<vmem>> -> memref<1x128xi32, #tpu.memory_space<vmem>>
      %dma_wait3A_168 = tpu.memref_squeeze %dma_wait3A_167 : memref<1x128xi32, #tpu.memory_space<vmem>> -> memref<128xi32, #tpu.memory_space<vmem>>
      %dma_wait3A_169 = arith.constant 0 : i32
      %dma_wait3A_170 = tpu.memref_slice %arg4[%dma_wait3A_169] : memref<1441792xf32, #tpu.memory_space<vmem_shared>> -> memref<1441792xf32, #tpu.memory_space<vmem_shared>>
      tpu.wait_indirect_dma semaphore(%run_scoped3A_162 : memref<!tpu.dma_semaphore, #tpu.memory_space<semaphore_mem>>) src(%arg8 : memref<128xf32, #tpu.memory_space<vmem>>) dst(%dma_wait3A_170 : memref<1441792xf32, #tpu.memory_space<vmem_shared>>)
      tpu.yield
    }) : () -> ()
    %run_scoped3A_123 = arith.constant 30 : i32
    "tpu.region"() ({
      %run_scoped3A_162 = tpu.sem_alloc : memref<!tpu.dma_semaphore, #tpu.memory_space<semaphore_mem>>
      %dma_start3A = arith.constant 0 : i32
      %dma_start3A_163 = tpu.memref_slice %arg7[%run_scoped3A_123, %dma_start3A] : memref<64x128xi32, #tpu.memory_space<vmem>> -> memref<1x128xi32, #tpu.memory_space<vmem>>
      %dma_start3A_164 = tpu.memref_squeeze %dma_start3A_163 : memref<1x128xi32, #tpu.memory_space<vmem>> -> memref<128xi32, #tpu.memory_space<vmem>>
      %dma_start3A_165 = arith.constant 0 : i32
      %dma_start3A_166 = tpu.memref_slice %arg4[%dma_start3A_165] : memref<1441792xf32, #tpu.memory_space<vmem_shared>> -> memref<1441792xf32, #tpu.memory_space<vmem_shared>>
      tpu.enqueue_indirect_dma source(%arg8 : memref<128xf32, #tpu.memory_space<vmem>>) target(%dma_start3A_166 : memref<1441792xf32, #tpu.memory_space<vmem_shared>>) offsets(%dma_start3A_164 : memref<128xi32, #tpu.memory_space<vmem>>) semaphore(%run_scoped3A_162 : memref<!tpu.dma_semaphore, #tpu.memory_space<semaphore_mem>>) {add = true}
      %dma_wait3A = arith.constant 0 : i32
      %dma_wait3A_167 = tpu.memref_slice %arg7[%run_scoped3A_123, %dma_wait3A] : memref<64x128xi32, #tpu.memory_space<vmem>> -> memref<1x128xi32, #tpu.memory_space<vmem>>
      %dma_wait3A_168 = tpu.memref_squeeze %dma_wait3A_167 : memref<1x128xi32, #tpu.memory_space<vmem>> -> memref<128xi32, #tpu.memory_space<vmem>>
      %dma_wait3A_169 = arith.constant 0 : i32
      %dma_wait3A_170 = tpu.memref_slice %arg4[%dma_wait3A_169] : memref<1441792xf32, #tpu.memory_space<vmem_shared>> -> memref<1441792xf32, #tpu.memory_space<vmem_shared>>
      tpu.wait_indirect_dma semaphore(%run_scoped3A_162 : memref<!tpu.dma_semaphore, #tpu.memory_space<semaphore_mem>>) src(%arg8 : memref<128xf32, #tpu.memory_space<vmem>>) dst(%dma_wait3A_170 : memref<1441792xf32, #tpu.memory_space<vmem_shared>>)
      tpu.yield
    }) : () -> ()
    %run_scoped3A_124 = arith.constant 31 : i32
    "tpu.region"() ({
      %run_scoped3A_162 = tpu.sem_alloc : memref<!tpu.dma_semaphore, #tpu.memory_space<semaphore_mem>>
      %dma_start3A = arith.constant 0 : i32
      %dma_start3A_163 = tpu.memref_slice %arg7[%run_scoped3A_124, %dma_start3A] : memref<64x128xi32, #tpu.memory_space<vmem>> -> memref<1x128xi32, #tpu.memory_space<vmem>>
      %dma_start3A_164 = tpu.memref_squeeze %dma_start3A_163 : memref<1x128xi32, #tpu.memory_space<vmem>> -> memref<128xi32, #tpu.memory_space<vmem>>
      %dma_start3A_165 = arith.constant 0 : i32
      %dma_start3A_166 = tpu.memref_slice %arg4[%dma_start3A_165] : memref<1441792xf32, #tpu.memory_space<vmem_shared>> -> memref<1441792xf32, #tpu.memory_space<vmem_shared>>
      tpu.enqueue_indirect_dma source(%arg8 : memref<128xf32, #tpu.memory_space<vmem>>) target(%dma_start3A_166 : memref<1441792xf32, #tpu.memory_space<vmem_shared>>) offsets(%dma_start3A_164 : memref<128xi32, #tpu.memory_space<vmem>>) semaphore(%run_scoped3A_162 : memref<!tpu.dma_semaphore, #tpu.memory_space<semaphore_mem>>) {add = true}
      %dma_wait3A = arith.constant 0 : i32
      %dma_wait3A_167 = tpu.memref_slice %arg7[%run_scoped3A_124, %dma_wait3A] : memref<64x128xi32, #tpu.memory_space<vmem>> -> memref<1x128xi32, #tpu.memory_space<vmem>>
      %dma_wait3A_168 = tpu.memref_squeeze %dma_wait3A_167 : memref<1x128xi32, #tpu.memory_space<vmem>> -> memref<128xi32, #tpu.memory_space<vmem>>
      %dma_wait3A_169 = arith.constant 0 : i32
      %dma_wait3A_170 = tpu.memref_slice %arg4[%dma_wait3A_169] : memref<1441792xf32, #tpu.memory_space<vmem_shared>> -> memref<1441792xf32, #tpu.memory_space<vmem_shared>>
      tpu.wait_indirect_dma semaphore(%run_scoped3A_162 : memref<!tpu.dma_semaphore, #tpu.memory_space<semaphore_mem>>) src(%arg8 : memref<128xf32, #tpu.memory_space<vmem>>) dst(%dma_wait3A_170 : memref<1441792xf32, #tpu.memory_space<vmem_shared>>)
      tpu.yield
    }) : () -> ()
    %run_scoped3A_125 = arith.constant 32 : i32
    "tpu.region"() ({
      %run_scoped3A_162 = tpu.sem_alloc : memref<!tpu.dma_semaphore, #tpu.memory_space<semaphore_mem>>
      %dma_start3A = arith.constant 0 : i32
      %dma_start3A_163 = tpu.memref_slice %arg7[%run_scoped3A_125, %dma_start3A] : memref<64x128xi32, #tpu.memory_space<vmem>> -> memref<1x128xi32, #tpu.memory_space<vmem>>
      %dma_start3A_164 = tpu.memref_squeeze %dma_start3A_163 : memref<1x128xi32, #tpu.memory_space<vmem>> -> memref<128xi32, #tpu.memory_space<vmem>>
      %dma_start3A_165 = arith.constant 0 : i32
      %dma_start3A_166 = tpu.memref_slice %arg4[%dma_start3A_165] : memref<1441792xf32, #tpu.memory_space<vmem_shared>> -> memref<1441792xf32, #tpu.memory_space<vmem_shared>>
      tpu.enqueue_indirect_dma source(%arg8 : memref<128xf32, #tpu.memory_space<vmem>>) target(%dma_start3A_166 : memref<1441792xf32, #tpu.memory_space<vmem_shared>>) offsets(%dma_start3A_164 : memref<128xi32, #tpu.memory_space<vmem>>) semaphore(%run_scoped3A_162 : memref<!tpu.dma_semaphore, #tpu.memory_space<semaphore_mem>>) {add = true}
      %dma_wait3A = arith.constant 0 : i32
      %dma_wait3A_167 = tpu.memref_slice %arg7[%run_scoped3A_125, %dma_wait3A] : memref<64x128xi32, #tpu.memory_space<vmem>> -> memref<1x128xi32, #tpu.memory_space<vmem>>
      %dma_wait3A_168 = tpu.memref_squeeze %dma_wait3A_167 : memref<1x128xi32, #tpu.memory_space<vmem>> -> memref<128xi32, #tpu.memory_space<vmem>>
      %dma_wait3A_169 = arith.constant 0 : i32
      %dma_wait3A_170 = tpu.memref_slice %arg4[%dma_wait3A_169] : memref<1441792xf32, #tpu.memory_space<vmem_shared>> -> memref<1441792xf32, #tpu.memory_space<vmem_shared>>
      tpu.wait_indirect_dma semaphore(%run_scoped3A_162 : memref<!tpu.dma_semaphore, #tpu.memory_space<semaphore_mem>>) src(%arg8 : memref<128xf32, #tpu.memory_space<vmem>>) dst(%dma_wait3A_170 : memref<1441792xf32, #tpu.memory_space<vmem_shared>>)
      tpu.yield
    }) : () -> ()
    %run_scoped3A_126 = arith.constant 33 : i32
    "tpu.region"() ({
      %run_scoped3A_162 = tpu.sem_alloc : memref<!tpu.dma_semaphore, #tpu.memory_space<semaphore_mem>>
      %dma_start3A = arith.constant 0 : i32
      %dma_start3A_163 = tpu.memref_slice %arg7[%run_scoped3A_126, %dma_start3A] : memref<64x128xi32, #tpu.memory_space<vmem>> -> memref<1x128xi32, #tpu.memory_space<vmem>>
      %dma_start3A_164 = tpu.memref_squeeze %dma_start3A_163 : memref<1x128xi32, #tpu.memory_space<vmem>> -> memref<128xi32, #tpu.memory_space<vmem>>
      %dma_start3A_165 = arith.constant 0 : i32
      %dma_start3A_166 = tpu.memref_slice %arg4[%dma_start3A_165] : memref<1441792xf32, #tpu.memory_space<vmem_shared>> -> memref<1441792xf32, #tpu.memory_space<vmem_shared>>
      tpu.enqueue_indirect_dma source(%arg8 : memref<128xf32, #tpu.memory_space<vmem>>) target(%dma_start3A_166 : memref<1441792xf32, #tpu.memory_space<vmem_shared>>) offsets(%dma_start3A_164 : memref<128xi32, #tpu.memory_space<vmem>>) semaphore(%run_scoped3A_162 : memref<!tpu.dma_semaphore, #tpu.memory_space<semaphore_mem>>) {add = true}
      %dma_wait3A = arith.constant 0 : i32
      %dma_wait3A_167 = tpu.memref_slice %arg7[%run_scoped3A_126, %dma_wait3A] : memref<64x128xi32, #tpu.memory_space<vmem>> -> memref<1x128xi32, #tpu.memory_space<vmem>>
      %dma_wait3A_168 = tpu.memref_squeeze %dma_wait3A_167 : memref<1x128xi32, #tpu.memory_space<vmem>> -> memref<128xi32, #tpu.memory_space<vmem>>
      %dma_wait3A_169 = arith.constant 0 : i32
      %dma_wait3A_170 = tpu.memref_slice %arg4[%dma_wait3A_169] : memref<1441792xf32, #tpu.memory_space<vmem_shared>> -> memref<1441792xf32, #tpu.memory_space<vmem_shared>>
      tpu.wait_indirect_dma semaphore(%run_scoped3A_162 : memref<!tpu.dma_semaphore, #tpu.memory_space<semaphore_mem>>) src(%arg8 : memref<128xf32, #tpu.memory_space<vmem>>) dst(%dma_wait3A_170 : memref<1441792xf32, #tpu.memory_space<vmem_shared>>)
      tpu.yield
    }) : () -> ()
    %run_scoped3A_127 = arith.constant 34 : i32
    "tpu.region"() ({
      %run_scoped3A_162 = tpu.sem_alloc : memref<!tpu.dma_semaphore, #tpu.memory_space<semaphore_mem>>
      %dma_start3A = arith.constant 0 : i32
      %dma_start3A_163 = tpu.memref_slice %arg7[%run_scoped3A_127, %dma_start3A] : memref<64x128xi32, #tpu.memory_space<vmem>> -> memref<1x128xi32, #tpu.memory_space<vmem>>
      %dma_start3A_164 = tpu.memref_squeeze %dma_start3A_163 : memref<1x128xi32, #tpu.memory_space<vmem>> -> memref<128xi32, #tpu.memory_space<vmem>>
      %dma_start3A_165 = arith.constant 0 : i32
      %dma_start3A_166 = tpu.memref_slice %arg4[%dma_start3A_165] : memref<1441792xf32, #tpu.memory_space<vmem_shared>> -> memref<1441792xf32, #tpu.memory_space<vmem_shared>>
      tpu.enqueue_indirect_dma source(%arg8 : memref<128xf32, #tpu.memory_space<vmem>>) target(%dma_start3A_166 : memref<1441792xf32, #tpu.memory_space<vmem_shared>>) offsets(%dma_start3A_164 : memref<128xi32, #tpu.memory_space<vmem>>) semaphore(%run_scoped3A_162 : memref<!tpu.dma_semaphore, #tpu.memory_space<semaphore_mem>>) {add = true}
      %dma_wait3A = arith.constant 0 : i32
      %dma_wait3A_167 = tpu.memref_slice %arg7[%run_scoped3A_127, %dma_wait3A] : memref<64x128xi32, #tpu.memory_space<vmem>> -> memref<1x128xi32, #tpu.memory_space<vmem>>
      %dma_wait3A_168 = tpu.memref_squeeze %dma_wait3A_167 : memref<1x128xi32, #tpu.memory_space<vmem>> -> memref<128xi32, #tpu.memory_space<vmem>>
      %dma_wait3A_169 = arith.constant 0 : i32
      %dma_wait3A_170 = tpu.memref_slice %arg4[%dma_wait3A_169] : memref<1441792xf32, #tpu.memory_space<vmem_shared>> -> memref<1441792xf32, #tpu.memory_space<vmem_shared>>
      tpu.wait_indirect_dma semaphore(%run_scoped3A_162 : memref<!tpu.dma_semaphore, #tpu.memory_space<semaphore_mem>>) src(%arg8 : memref<128xf32, #tpu.memory_space<vmem>>) dst(%dma_wait3A_170 : memref<1441792xf32, #tpu.memory_space<vmem_shared>>)
      tpu.yield
    }) : () -> ()
    %run_scoped3A_128 = arith.constant 35 : i32
    "tpu.region"() ({
      %run_scoped3A_162 = tpu.sem_alloc : memref<!tpu.dma_semaphore, #tpu.memory_space<semaphore_mem>>
      %dma_start3A = arith.constant 0 : i32
      %dma_start3A_163 = tpu.memref_slice %arg7[%run_scoped3A_128, %dma_start3A] : memref<64x128xi32, #tpu.memory_space<vmem>> -> memref<1x128xi32, #tpu.memory_space<vmem>>
      %dma_start3A_164 = tpu.memref_squeeze %dma_start3A_163 : memref<1x128xi32, #tpu.memory_space<vmem>> -> memref<128xi32, #tpu.memory_space<vmem>>
      %dma_start3A_165 = arith.constant 0 : i32
      %dma_start3A_166 = tpu.memref_slice %arg4[%dma_start3A_165] : memref<1441792xf32, #tpu.memory_space<vmem_shared>> -> memref<1441792xf32, #tpu.memory_space<vmem_shared>>
      tpu.enqueue_indirect_dma source(%arg8 : memref<128xf32, #tpu.memory_space<vmem>>) target(%dma_start3A_166 : memref<1441792xf32, #tpu.memory_space<vmem_shared>>) offsets(%dma_start3A_164 : memref<128xi32, #tpu.memory_space<vmem>>) semaphore(%run_scoped3A_162 : memref<!tpu.dma_semaphore, #tpu.memory_space<semaphore_mem>>) {add = true}
      %dma_wait3A = arith.constant 0 : i32
      %dma_wait3A_167 = tpu.memref_slice %arg7[%run_scoped3A_128, %dma_wait3A] : memref<64x128xi32, #tpu.memory_space<vmem>> -> memref<1x128xi32, #tpu.memory_space<vmem>>
      %dma_wait3A_168 = tpu.memref_squeeze %dma_wait3A_167 : memref<1x128xi32, #tpu.memory_space<vmem>> -> memref<128xi32, #tpu.memory_space<vmem>>
      %dma_wait3A_169 = arith.constant 0 : i32
      %dma_wait3A_170 = tpu.memref_slice %arg4[%dma_wait3A_169] : memref<1441792xf32, #tpu.memory_space<vmem_shared>> -> memref<1441792xf32, #tpu.memory_space<vmem_shared>>
      tpu.wait_indirect_dma semaphore(%run_scoped3A_162 : memref<!tpu.dma_semaphore, #tpu.memory_space<semaphore_mem>>) src(%arg8 : memref<128xf32, #tpu.memory_space<vmem>>) dst(%dma_wait3A_170 : memref<1441792xf32, #tpu.memory_space<vmem_shared>>)
      tpu.yield
    }) : () -> ()
    %run_scoped3A_129 = arith.constant 36 : i32
    "tpu.region"() ({
      %run_scoped3A_162 = tpu.sem_alloc : memref<!tpu.dma_semaphore, #tpu.memory_space<semaphore_mem>>
      %dma_start3A = arith.constant 0 : i32
      %dma_start3A_163 = tpu.memref_slice %arg7[%run_scoped3A_129, %dma_start3A] : memref<64x128xi32, #tpu.memory_space<vmem>> -> memref<1x128xi32, #tpu.memory_space<vmem>>
      %dma_start3A_164 = tpu.memref_squeeze %dma_start3A_163 : memref<1x128xi32, #tpu.memory_space<vmem>> -> memref<128xi32, #tpu.memory_space<vmem>>
      %dma_start3A_165 = arith.constant 0 : i32
      %dma_start3A_166 = tpu.memref_slice %arg4[%dma_start3A_165] : memref<1441792xf32, #tpu.memory_space<vmem_shared>> -> memref<1441792xf32, #tpu.memory_space<vmem_shared>>
      tpu.enqueue_indirect_dma source(%arg8 : memref<128xf32, #tpu.memory_space<vmem>>) target(%dma_start3A_166 : memref<1441792xf32, #tpu.memory_space<vmem_shared>>) offsets(%dma_start3A_164 : memref<128xi32, #tpu.memory_space<vmem>>) semaphore(%run_scoped3A_162 : memref<!tpu.dma_semaphore, #tpu.memory_space<semaphore_mem>>) {add = true}
      %dma_wait3A = arith.constant 0 : i32
      %dma_wait3A_167 = tpu.memref_slice %arg7[%run_scoped3A_129, %dma_wait3A] : memref<64x128xi32, #tpu.memory_space<vmem>> -> memref<1x128xi32, #tpu.memory_space<vmem>>
      %dma_wait3A_168 = tpu.memref_squeeze %dma_wait3A_167 : memref<1x128xi32, #tpu.memory_space<vmem>> -> memref<128xi32, #tpu.memory_space<vmem>>
      %dma_wait3A_169 = arith.constant 0 : i32
      %dma_wait3A_170 = tpu.memref_slice %arg4[%dma_wait3A_169] : memref<1441792xf32, #tpu.memory_space<vmem_shared>> -> memref<1441792xf32, #tpu.memory_space<vmem_shared>>
      tpu.wait_indirect_dma semaphore(%run_scoped3A_162 : memref<!tpu.dma_semaphore, #tpu.memory_space<semaphore_mem>>) src(%arg8 : memref<128xf32, #tpu.memory_space<vmem>>) dst(%dma_wait3A_170 : memref<1441792xf32, #tpu.memory_space<vmem_shared>>)
      tpu.yield
    }) : () -> ()
    %run_scoped3A_130 = arith.constant 37 : i32
    "tpu.region"() ({
      %run_scoped3A_162 = tpu.sem_alloc : memref<!tpu.dma_semaphore, #tpu.memory_space<semaphore_mem>>
      %dma_start3A = arith.constant 0 : i32
      %dma_start3A_163 = tpu.memref_slice %arg7[%run_scoped3A_130, %dma_start3A] : memref<64x128xi32, #tpu.memory_space<vmem>> -> memref<1x128xi32, #tpu.memory_space<vmem>>
      %dma_start3A_164 = tpu.memref_squeeze %dma_start3A_163 : memref<1x128xi32, #tpu.memory_space<vmem>> -> memref<128xi32, #tpu.memory_space<vmem>>
      %dma_start3A_165 = arith.constant 0 : i32
      %dma_start3A_166 = tpu.memref_slice %arg4[%dma_start3A_165] : memref<1441792xf32, #tpu.memory_space<vmem_shared>> -> memref<1441792xf32, #tpu.memory_space<vmem_shared>>
      tpu.enqueue_indirect_dma source(%arg8 : memref<128xf32, #tpu.memory_space<vmem>>) target(%dma_start3A_166 : memref<1441792xf32, #tpu.memory_space<vmem_shared>>) offsets(%dma_start3A_164 : memref<128xi32, #tpu.memory_space<vmem>>) semaphore(%run_scoped3A_162 : memref<!tpu.dma_semaphore, #tpu.memory_space<semaphore_mem>>) {add = true}
      %dma_wait3A = arith.constant 0 : i32
      %dma_wait3A_167 = tpu.memref_slice %arg7[%run_scoped3A_130, %dma_wait3A] : memref<64x128xi32, #tpu.memory_space<vmem>> -> memref<1x128xi32, #tpu.memory_space<vmem>>
      %dma_wait3A_168 = tpu.memref_squeeze %dma_wait3A_167 : memref<1x128xi32, #tpu.memory_space<vmem>> -> memref<128xi32, #tpu.memory_space<vmem>>
      %dma_wait3A_169 = arith.constant 0 : i32
      %dma_wait3A_170 = tpu.memref_slice %arg4[%dma_wait3A_169] : memref<1441792xf32, #tpu.memory_space<vmem_shared>> -> memref<1441792xf32, #tpu.memory_space<vmem_shared>>
      tpu.wait_indirect_dma semaphore(%run_scoped3A_162 : memref<!tpu.dma_semaphore, #tpu.memory_space<semaphore_mem>>) src(%arg8 : memref<128xf32, #tpu.memory_space<vmem>>) dst(%dma_wait3A_170 : memref<1441792xf32, #tpu.memory_space<vmem_shared>>)
      tpu.yield
    }) : () -> ()
    %run_scoped3A_131 = arith.constant 38 : i32
    "tpu.region"() ({
      %run_scoped3A_162 = tpu.sem_alloc : memref<!tpu.dma_semaphore, #tpu.memory_space<semaphore_mem>>
      %dma_start3A = arith.constant 0 : i32
      %dma_start3A_163 = tpu.memref_slice %arg7[%run_scoped3A_131, %dma_start3A] : memref<64x128xi32, #tpu.memory_space<vmem>> -> memref<1x128xi32, #tpu.memory_space<vmem>>
      %dma_start3A_164 = tpu.memref_squeeze %dma_start3A_163 : memref<1x128xi32, #tpu.memory_space<vmem>> -> memref<128xi32, #tpu.memory_space<vmem>>
      %dma_start3A_165 = arith.constant 0 : i32
      %dma_start3A_166 = tpu.memref_slice %arg4[%dma_start3A_165] : memref<1441792xf32, #tpu.memory_space<vmem_shared>> -> memref<1441792xf32, #tpu.memory_space<vmem_shared>>
      tpu.enqueue_indirect_dma source(%arg8 : memref<128xf32, #tpu.memory_space<vmem>>) target(%dma_start3A_166 : memref<1441792xf32, #tpu.memory_space<vmem_shared>>) offsets(%dma_start3A_164 : memref<128xi32, #tpu.memory_space<vmem>>) semaphore(%run_scoped3A_162 : memref<!tpu.dma_semaphore, #tpu.memory_space<semaphore_mem>>) {add = true}
      %dma_wait3A = arith.constant 0 : i32
      %dma_wait3A_167 = tpu.memref_slice %arg7[%run_scoped3A_131, %dma_wait3A] : memref<64x128xi32, #tpu.memory_space<vmem>> -> memref<1x128xi32, #tpu.memory_space<vmem>>
      %dma_wait3A_168 = tpu.memref_squeeze %dma_wait3A_167 : memref<1x128xi32, #tpu.memory_space<vmem>> -> memref<128xi32, #tpu.memory_space<vmem>>
      %dma_wait3A_169 = arith.constant 0 : i32
      %dma_wait3A_170 = tpu.memref_slice %arg4[%dma_wait3A_169] : memref<1441792xf32, #tpu.memory_space<vmem_shared>> -> memref<1441792xf32, #tpu.memory_space<vmem_shared>>
      tpu.wait_indirect_dma semaphore(%run_scoped3A_162 : memref<!tpu.dma_semaphore, #tpu.memory_space<semaphore_mem>>) src(%arg8 : memref<128xf32, #tpu.memory_space<vmem>>) dst(%dma_wait3A_170 : memref<1441792xf32, #tpu.memory_space<vmem_shared>>)
      tpu.yield
    }) : () -> ()
    %run_scoped3A_132 = arith.constant 39 : i32
    "tpu.region"() ({
      %run_scoped3A_162 = tpu.sem_alloc : memref<!tpu.dma_semaphore, #tpu.memory_space<semaphore_mem>>
      %dma_start3A = arith.constant 0 : i32
      %dma_start3A_163 = tpu.memref_slice %arg7[%run_scoped3A_132, %dma_start3A] : memref<64x128xi32, #tpu.memory_space<vmem>> -> memref<1x128xi32, #tpu.memory_space<vmem>>
      %dma_start3A_164 = tpu.memref_squeeze %dma_start3A_163 : memref<1x128xi32, #tpu.memory_space<vmem>> -> memref<128xi32, #tpu.memory_space<vmem>>
      %dma_start3A_165 = arith.constant 0 : i32
      %dma_start3A_166 = tpu.memref_slice %arg4[%dma_start3A_165] : memref<1441792xf32, #tpu.memory_space<vmem_shared>> -> memref<1441792xf32, #tpu.memory_space<vmem_shared>>
      tpu.enqueue_indirect_dma source(%arg8 : memref<128xf32, #tpu.memory_space<vmem>>) target(%dma_start3A_166 : memref<1441792xf32, #tpu.memory_space<vmem_shared>>) offsets(%dma_start3A_164 : memref<128xi32, #tpu.memory_space<vmem>>) semaphore(%run_scoped3A_162 : memref<!tpu.dma_semaphore, #tpu.memory_space<semaphore_mem>>) {add = true}
      %dma_wait3A = arith.constant 0 : i32
      %dma_wait3A_167 = tpu.memref_slice %arg7[%run_scoped3A_132, %dma_wait3A] : memref<64x128xi32, #tpu.memory_space<vmem>> -> memref<1x128xi32, #tpu.memory_space<vmem>>
      %dma_wait3A_168 = tpu.memref_squeeze %dma_wait3A_167 : memref<1x128xi32, #tpu.memory_space<vmem>> -> memref<128xi32, #tpu.memory_space<vmem>>
      %dma_wait3A_169 = arith.constant 0 : i32
      %dma_wait3A_170 = tpu.memref_slice %arg4[%dma_wait3A_169] : memref<1441792xf32, #tpu.memory_space<vmem_shared>> -> memref<1441792xf32, #tpu.memory_space<vmem_shared>>
      tpu.wait_indirect_dma semaphore(%run_scoped3A_162 : memref<!tpu.dma_semaphore, #tpu.memory_space<semaphore_mem>>) src(%arg8 : memref<128xf32, #tpu.memory_space<vmem>>) dst(%dma_wait3A_170 : memref<1441792xf32, #tpu.memory_space<vmem_shared>>)
      tpu.yield
    }) : () -> ()
    %run_scoped3A_133 = arith.constant 40 : i32
    "tpu.region"() ({
      %run_scoped3A_162 = tpu.sem_alloc : memref<!tpu.dma_semaphore, #tpu.memory_space<semaphore_mem>>
      %dma_start3A = arith.constant 0 : i32
      %dma_start3A_163 = tpu.memref_slice %arg7[%run_scoped3A_133, %dma_start3A] : memref<64x128xi32, #tpu.memory_space<vmem>> -> memref<1x128xi32, #tpu.memory_space<vmem>>
      %dma_start3A_164 = tpu.memref_squeeze %dma_start3A_163 : memref<1x128xi32, #tpu.memory_space<vmem>> -> memref<128xi32, #tpu.memory_space<vmem>>
      %dma_start3A_165 = arith.constant 0 : i32
      %dma_start3A_166 = tpu.memref_slice %arg4[%dma_start3A_165] : memref<1441792xf32, #tpu.memory_space<vmem_shared>> -> memref<1441792xf32, #tpu.memory_space<vmem_shared>>
      tpu.enqueue_indirect_dma source(%arg8 : memref<128xf32, #tpu.memory_space<vmem>>) target(%dma_start3A_166 : memref<1441792xf32, #tpu.memory_space<vmem_shared>>) offsets(%dma_start3A_164 : memref<128xi32, #tpu.memory_space<vmem>>) semaphore(%run_scoped3A_162 : memref<!tpu.dma_semaphore, #tpu.memory_space<semaphore_mem>>) {add = true}
      %dma_wait3A = arith.constant 0 : i32
      %dma_wait3A_167 = tpu.memref_slice %arg7[%run_scoped3A_133, %dma_wait3A] : memref<64x128xi32, #tpu.memory_space<vmem>> -> memref<1x128xi32, #tpu.memory_space<vmem>>
      %dma_wait3A_168 = tpu.memref_squeeze %dma_wait3A_167 : memref<1x128xi32, #tpu.memory_space<vmem>> -> memref<128xi32, #tpu.memory_space<vmem>>
      %dma_wait3A_169 = arith.constant 0 : i32
      %dma_wait3A_170 = tpu.memref_slice %arg4[%dma_wait3A_169] : memref<1441792xf32, #tpu.memory_space<vmem_shared>> -> memref<1441792xf32, #tpu.memory_space<vmem_shared>>
      tpu.wait_indirect_dma semaphore(%run_scoped3A_162 : memref<!tpu.dma_semaphore, #tpu.memory_space<semaphore_mem>>) src(%arg8 : memref<128xf32, #tpu.memory_space<vmem>>) dst(%dma_wait3A_170 : memref<1441792xf32, #tpu.memory_space<vmem_shared>>)
      tpu.yield
    }) : () -> ()
    %run_scoped3A_134 = arith.constant 41 : i32
    "tpu.region"() ({
      %run_scoped3A_162 = tpu.sem_alloc : memref<!tpu.dma_semaphore, #tpu.memory_space<semaphore_mem>>
      %dma_start3A = arith.constant 0 : i32
      %dma_start3A_163 = tpu.memref_slice %arg7[%run_scoped3A_134, %dma_start3A] : memref<64x128xi32, #tpu.memory_space<vmem>> -> memref<1x128xi32, #tpu.memory_space<vmem>>
      %dma_start3A_164 = tpu.memref_squeeze %dma_start3A_163 : memref<1x128xi32, #tpu.memory_space<vmem>> -> memref<128xi32, #tpu.memory_space<vmem>>
      %dma_start3A_165 = arith.constant 0 : i32
      %dma_start3A_166 = tpu.memref_slice %arg4[%dma_start3A_165] : memref<1441792xf32, #tpu.memory_space<vmem_shared>> -> memref<1441792xf32, #tpu.memory_space<vmem_shared>>
      tpu.enqueue_indirect_dma source(%arg8 : memref<128xf32, #tpu.memory_space<vmem>>) target(%dma_start3A_166 : memref<1441792xf32, #tpu.memory_space<vmem_shared>>) offsets(%dma_start3A_164 : memref<128xi32, #tpu.memory_space<vmem>>) semaphore(%run_scoped3A_162 : memref<!tpu.dma_semaphore, #tpu.memory_space<semaphore_mem>>) {add = true}
      %dma_wait3A = arith.constant 0 : i32
      %dma_wait3A_167 = tpu.memref_slice %arg7[%run_scoped3A_134, %dma_wait3A] : memref<64x128xi32, #tpu.memory_space<vmem>> -> memref<1x128xi32, #tpu.memory_space<vmem>>
      %dma_wait3A_168 = tpu.memref_squeeze %dma_wait3A_167 : memref<1x128xi32, #tpu.memory_space<vmem>> -> memref<128xi32, #tpu.memory_space<vmem>>
      %dma_wait3A_169 = arith.constant 0 : i32
      %dma_wait3A_170 = tpu.memref_slice %arg4[%dma_wait3A_169] : memref<1441792xf32, #tpu.memory_space<vmem_shared>> -> memref<1441792xf32, #tpu.memory_space<vmem_shared>>
      tpu.wait_indirect_dma semaphore(%run_scoped3A_162 : memref<!tpu.dma_semaphore, #tpu.memory_space<semaphore_mem>>) src(%arg8 : memref<128xf32, #tpu.memory_space<vmem>>) dst(%dma_wait3A_170 : memref<1441792xf32, #tpu.memory_space<vmem_shared>>)
      tpu.yield
    }) : () -> ()
    %run_scoped3A_135 = arith.constant 42 : i32
    "tpu.region"() ({
      %run_scoped3A_162 = tpu.sem_alloc : memref<!tpu.dma_semaphore, #tpu.memory_space<semaphore_mem>>
      %dma_start3A = arith.constant 0 : i32
      %dma_start3A_163 = tpu.memref_slice %arg7[%run_scoped3A_135, %dma_start3A] : memref<64x128xi32, #tpu.memory_space<vmem>> -> memref<1x128xi32, #tpu.memory_space<vmem>>
      %dma_start3A_164 = tpu.memref_squeeze %dma_start3A_163 : memref<1x128xi32, #tpu.memory_space<vmem>> -> memref<128xi32, #tpu.memory_space<vmem>>
      %dma_start3A_165 = arith.constant 0 : i32
      %dma_start3A_166 = tpu.memref_slice %arg4[%dma_start3A_165] : memref<1441792xf32, #tpu.memory_space<vmem_shared>> -> memref<1441792xf32, #tpu.memory_space<vmem_shared>>
      tpu.enqueue_indirect_dma source(%arg8 : memref<128xf32, #tpu.memory_space<vmem>>) target(%dma_start3A_166 : memref<1441792xf32, #tpu.memory_space<vmem_shared>>) offsets(%dma_start3A_164 : memref<128xi32, #tpu.memory_space<vmem>>) semaphore(%run_scoped3A_162 : memref<!tpu.dma_semaphore, #tpu.memory_space<semaphore_mem>>) {add = true}
      %dma_wait3A = arith.constant 0 : i32
      %dma_wait3A_167 = tpu.memref_slice %arg7[%run_scoped3A_135, %dma_wait3A] : memref<64x128xi32, #tpu.memory_space<vmem>> -> memref<1x128xi32, #tpu.memory_space<vmem>>
      %dma_wait3A_168 = tpu.memref_squeeze %dma_wait3A_167 : memref<1x128xi32, #tpu.memory_space<vmem>> -> memref<128xi32, #tpu.memory_space<vmem>>
      %dma_wait3A_169 = arith.constant 0 : i32
      %dma_wait3A_170 = tpu.memref_slice %arg4[%dma_wait3A_169] : memref<1441792xf32, #tpu.memory_space<vmem_shared>> -> memref<1441792xf32, #tpu.memory_space<vmem_shared>>
      tpu.wait_indirect_dma semaphore(%run_scoped3A_162 : memref<!tpu.dma_semaphore, #tpu.memory_space<semaphore_mem>>) src(%arg8 : memref<128xf32, #tpu.memory_space<vmem>>) dst(%dma_wait3A_170 : memref<1441792xf32, #tpu.memory_space<vmem_shared>>)
      tpu.yield
    }) : () -> ()
    %run_scoped3A_136 = arith.constant 43 : i32
    "tpu.region"() ({
      %run_scoped3A_162 = tpu.sem_alloc : memref<!tpu.dma_semaphore, #tpu.memory_space<semaphore_mem>>
      %dma_start3A = arith.constant 0 : i32
      %dma_start3A_163 = tpu.memref_slice %arg7[%run_scoped3A_136, %dma_start3A] : memref<64x128xi32, #tpu.memory_space<vmem>> -> memref<1x128xi32, #tpu.memory_space<vmem>>
      %dma_start3A_164 = tpu.memref_squeeze %dma_start3A_163 : memref<1x128xi32, #tpu.memory_space<vmem>> -> memref<128xi32, #tpu.memory_space<vmem>>
      %dma_start3A_165 = arith.constant 0 : i32
      %dma_start3A_166 = tpu.memref_slice %arg4[%dma_start3A_165] : memref<1441792xf32, #tpu.memory_space<vmem_shared>> -> memref<1441792xf32, #tpu.memory_space<vmem_shared>>
      tpu.enqueue_indirect_dma source(%arg8 : memref<128xf32, #tpu.memory_space<vmem>>) target(%dma_start3A_166 : memref<1441792xf32, #tpu.memory_space<vmem_shared>>) offsets(%dma_start3A_164 : memref<128xi32, #tpu.memory_space<vmem>>) semaphore(%run_scoped3A_162 : memref<!tpu.dma_semaphore, #tpu.memory_space<semaphore_mem>>) {add = true}
      %dma_wait3A = arith.constant 0 : i32
      %dma_wait3A_167 = tpu.memref_slice %arg7[%run_scoped3A_136, %dma_wait3A] : memref<64x128xi32, #tpu.memory_space<vmem>> -> memref<1x128xi32, #tpu.memory_space<vmem>>
      %dma_wait3A_168 = tpu.memref_squeeze %dma_wait3A_167 : memref<1x128xi32, #tpu.memory_space<vmem>> -> memref<128xi32, #tpu.memory_space<vmem>>
      %dma_wait3A_169 = arith.constant 0 : i32
      %dma_wait3A_170 = tpu.memref_slice %arg4[%dma_wait3A_169] : memref<1441792xf32, #tpu.memory_space<vmem_shared>> -> memref<1441792xf32, #tpu.memory_space<vmem_shared>>
      tpu.wait_indirect_dma semaphore(%run_scoped3A_162 : memref<!tpu.dma_semaphore, #tpu.memory_space<semaphore_mem>>) src(%arg8 : memref<128xf32, #tpu.memory_space<vmem>>) dst(%dma_wait3A_170 : memref<1441792xf32, #tpu.memory_space<vmem_shared>>)
      tpu.yield
    }) : () -> ()
    %run_scoped3A_137 = arith.constant 44 : i32
    "tpu.region"() ({
      %run_scoped3A_162 = tpu.sem_alloc : memref<!tpu.dma_semaphore, #tpu.memory_space<semaphore_mem>>
      %dma_start3A = arith.constant 0 : i32
      %dma_start3A_163 = tpu.memref_slice %arg7[%run_scoped3A_137, %dma_start3A] : memref<64x128xi32, #tpu.memory_space<vmem>> -> memref<1x128xi32, #tpu.memory_space<vmem>>
      %dma_start3A_164 = tpu.memref_squeeze %dma_start3A_163 : memref<1x128xi32, #tpu.memory_space<vmem>> -> memref<128xi32, #tpu.memory_space<vmem>>
      %dma_start3A_165 = arith.constant 0 : i32
      %dma_start3A_166 = tpu.memref_slice %arg4[%dma_start3A_165] : memref<1441792xf32, #tpu.memory_space<vmem_shared>> -> memref<1441792xf32, #tpu.memory_space<vmem_shared>>
      tpu.enqueue_indirect_dma source(%arg8 : memref<128xf32, #tpu.memory_space<vmem>>) target(%dma_start3A_166 : memref<1441792xf32, #tpu.memory_space<vmem_shared>>) offsets(%dma_start3A_164 : memref<128xi32, #tpu.memory_space<vmem>>) semaphore(%run_scoped3A_162 : memref<!tpu.dma_semaphore, #tpu.memory_space<semaphore_mem>>) {add = true}
      %dma_wait3A = arith.constant 0 : i32
      %dma_wait3A_167 = tpu.memref_slice %arg7[%run_scoped3A_137, %dma_wait3A] : memref<64x128xi32, #tpu.memory_space<vmem>> -> memref<1x128xi32, #tpu.memory_space<vmem>>
      %dma_wait3A_168 = tpu.memref_squeeze %dma_wait3A_167 : memref<1x128xi32, #tpu.memory_space<vmem>> -> memref<128xi32, #tpu.memory_space<vmem>>
      %dma_wait3A_169 = arith.constant 0 : i32
      %dma_wait3A_170 = tpu.memref_slice %arg4[%dma_wait3A_169] : memref<1441792xf32, #tpu.memory_space<vmem_shared>> -> memref<1441792xf32, #tpu.memory_space<vmem_shared>>
      tpu.wait_indirect_dma semaphore(%run_scoped3A_162 : memref<!tpu.dma_semaphore, #tpu.memory_space<semaphore_mem>>) src(%arg8 : memref<128xf32, #tpu.memory_space<vmem>>) dst(%dma_wait3A_170 : memref<1441792xf32, #tpu.memory_space<vmem_shared>>)
      tpu.yield
    }) : () -> ()
    %run_scoped3A_138 = arith.constant 45 : i32
    "tpu.region"() ({
      %run_scoped3A_162 = tpu.sem_alloc : memref<!tpu.dma_semaphore, #tpu.memory_space<semaphore_mem>>
      %dma_start3A = arith.constant 0 : i32
      %dma_start3A_163 = tpu.memref_slice %arg7[%run_scoped3A_138, %dma_start3A] : memref<64x128xi32, #tpu.memory_space<vmem>> -> memref<1x128xi32, #tpu.memory_space<vmem>>
      %dma_start3A_164 = tpu.memref_squeeze %dma_start3A_163 : memref<1x128xi32, #tpu.memory_space<vmem>> -> memref<128xi32, #tpu.memory_space<vmem>>
      %dma_start3A_165 = arith.constant 0 : i32
      %dma_start3A_166 = tpu.memref_slice %arg4[%dma_start3A_165] : memref<1441792xf32, #tpu.memory_space<vmem_shared>> -> memref<1441792xf32, #tpu.memory_space<vmem_shared>>
      tpu.enqueue_indirect_dma source(%arg8 : memref<128xf32, #tpu.memory_space<vmem>>) target(%dma_start3A_166 : memref<1441792xf32, #tpu.memory_space<vmem_shared>>) offsets(%dma_start3A_164 : memref<128xi32, #tpu.memory_space<vmem>>) semaphore(%run_scoped3A_162 : memref<!tpu.dma_semaphore, #tpu.memory_space<semaphore_mem>>) {add = true}
      %dma_wait3A = arith.constant 0 : i32
      %dma_wait3A_167 = tpu.memref_slice %arg7[%run_scoped3A_138, %dma_wait3A] : memref<64x128xi32, #tpu.memory_space<vmem>> -> memref<1x128xi32, #tpu.memory_space<vmem>>
      %dma_wait3A_168 = tpu.memref_squeeze %dma_wait3A_167 : memref<1x128xi32, #tpu.memory_space<vmem>> -> memref<128xi32, #tpu.memory_space<vmem>>
      %dma_wait3A_169 = arith.constant 0 : i32
      %dma_wait3A_170 = tpu.memref_slice %arg4[%dma_wait3A_169] : memref<1441792xf32, #tpu.memory_space<vmem_shared>> -> memref<1441792xf32, #tpu.memory_space<vmem_shared>>
      tpu.wait_indirect_dma semaphore(%run_scoped3A_162 : memref<!tpu.dma_semaphore, #tpu.memory_space<semaphore_mem>>) src(%arg8 : memref<128xf32, #tpu.memory_space<vmem>>) dst(%dma_wait3A_170 : memref<1441792xf32, #tpu.memory_space<vmem_shared>>)
      tpu.yield
    }) : () -> ()
    %run_scoped3A_139 = arith.constant 46 : i32
    "tpu.region"() ({
      %run_scoped3A_162 = tpu.sem_alloc : memref<!tpu.dma_semaphore, #tpu.memory_space<semaphore_mem>>
      %dma_start3A = arith.constant 0 : i32
      %dma_start3A_163 = tpu.memref_slice %arg7[%run_scoped3A_139, %dma_start3A] : memref<64x128xi32, #tpu.memory_space<vmem>> -> memref<1x128xi32, #tpu.memory_space<vmem>>
      %dma_start3A_164 = tpu.memref_squeeze %dma_start3A_163 : memref<1x128xi32, #tpu.memory_space<vmem>> -> memref<128xi32, #tpu.memory_space<vmem>>
      %dma_start3A_165 = arith.constant 0 : i32
      %dma_start3A_166 = tpu.memref_slice %arg4[%dma_start3A_165] : memref<1441792xf32, #tpu.memory_space<vmem_shared>> -> memref<1441792xf32, #tpu.memory_space<vmem_shared>>
      tpu.enqueue_indirect_dma source(%arg8 : memref<128xf32, #tpu.memory_space<vmem>>) target(%dma_start3A_166 : memref<1441792xf32, #tpu.memory_space<vmem_shared>>) offsets(%dma_start3A_164 : memref<128xi32, #tpu.memory_space<vmem>>) semaphore(%run_scoped3A_162 : memref<!tpu.dma_semaphore, #tpu.memory_space<semaphore_mem>>) {add = true}
      %dma_wait3A = arith.constant 0 : i32
      %dma_wait3A_167 = tpu.memref_slice %arg7[%run_scoped3A_139, %dma_wait3A] : memref<64x128xi32, #tpu.memory_space<vmem>> -> memref<1x128xi32, #tpu.memory_space<vmem>>
      %dma_wait3A_168 = tpu.memref_squeeze %dma_wait3A_167 : memref<1x128xi32, #tpu.memory_space<vmem>> -> memref<128xi32, #tpu.memory_space<vmem>>
      %dma_wait3A_169 = arith.constant 0 : i32
      %dma_wait3A_170 = tpu.memref_slice %arg4[%dma_wait3A_169] : memref<1441792xf32, #tpu.memory_space<vmem_shared>> -> memref<1441792xf32, #tpu.memory_space<vmem_shared>>
      tpu.wait_indirect_dma semaphore(%run_scoped3A_162 : memref<!tpu.dma_semaphore, #tpu.memory_space<semaphore_mem>>) src(%arg8 : memref<128xf32, #tpu.memory_space<vmem>>) dst(%dma_wait3A_170 : memref<1441792xf32, #tpu.memory_space<vmem_shared>>)
      tpu.yield
    }) : () -> ()
    %run_scoped3A_140 = arith.constant 47 : i32
    "tpu.region"() ({
      %run_scoped3A_162 = tpu.sem_alloc : memref<!tpu.dma_semaphore, #tpu.memory_space<semaphore_mem>>
      %dma_start3A = arith.constant 0 : i32
      %dma_start3A_163 = tpu.memref_slice %arg7[%run_scoped3A_140, %dma_start3A] : memref<64x128xi32, #tpu.memory_space<vmem>> -> memref<1x128xi32, #tpu.memory_space<vmem>>
      %dma_start3A_164 = tpu.memref_squeeze %dma_start3A_163 : memref<1x128xi32, #tpu.memory_space<vmem>> -> memref<128xi32, #tpu.memory_space<vmem>>
      %dma_start3A_165 = arith.constant 0 : i32
      %dma_start3A_166 = tpu.memref_slice %arg4[%dma_start3A_165] : memref<1441792xf32, #tpu.memory_space<vmem_shared>> -> memref<1441792xf32, #tpu.memory_space<vmem_shared>>
      tpu.enqueue_indirect_dma source(%arg8 : memref<128xf32, #tpu.memory_space<vmem>>) target(%dma_start3A_166 : memref<1441792xf32, #tpu.memory_space<vmem_shared>>) offsets(%dma_start3A_164 : memref<128xi32, #tpu.memory_space<vmem>>) semaphore(%run_scoped3A_162 : memref<!tpu.dma_semaphore, #tpu.memory_space<semaphore_mem>>) {add = true}
      %dma_wait3A = arith.constant 0 : i32
      %dma_wait3A_167 = tpu.memref_slice %arg7[%run_scoped3A_140, %dma_wait3A] : memref<64x128xi32, #tpu.memory_space<vmem>> -> memref<1x128xi32, #tpu.memory_space<vmem>>
      %dma_wait3A_168 = tpu.memref_squeeze %dma_wait3A_167 : memref<1x128xi32, #tpu.memory_space<vmem>> -> memref<128xi32, #tpu.memory_space<vmem>>
      %dma_wait3A_169 = arith.constant 0 : i32
      %dma_wait3A_170 = tpu.memref_slice %arg4[%dma_wait3A_169] : memref<1441792xf32, #tpu.memory_space<vmem_shared>> -> memref<1441792xf32, #tpu.memory_space<vmem_shared>>
      tpu.wait_indirect_dma semaphore(%run_scoped3A_162 : memref<!tpu.dma_semaphore, #tpu.memory_space<semaphore_mem>>) src(%arg8 : memref<128xf32, #tpu.memory_space<vmem>>) dst(%dma_wait3A_170 : memref<1441792xf32, #tpu.memory_space<vmem_shared>>)
      tpu.yield
    }) : () -> ()
    %run_scoped3A_141 = arith.constant 48 : i32
    "tpu.region"() ({
      %run_scoped3A_162 = tpu.sem_alloc : memref<!tpu.dma_semaphore, #tpu.memory_space<semaphore_mem>>
      %dma_start3A = arith.constant 0 : i32
      %dma_start3A_163 = tpu.memref_slice %arg7[%run_scoped3A_141, %dma_start3A] : memref<64x128xi32, #tpu.memory_space<vmem>> -> memref<1x128xi32, #tpu.memory_space<vmem>>
      %dma_start3A_164 = tpu.memref_squeeze %dma_start3A_163 : memref<1x128xi32, #tpu.memory_space<vmem>> -> memref<128xi32, #tpu.memory_space<vmem>>
      %dma_start3A_165 = arith.constant 0 : i32
      %dma_start3A_166 = tpu.memref_slice %arg4[%dma_start3A_165] : memref<1441792xf32, #tpu.memory_space<vmem_shared>> -> memref<1441792xf32, #tpu.memory_space<vmem_shared>>
      tpu.enqueue_indirect_dma source(%arg8 : memref<128xf32, #tpu.memory_space<vmem>>) target(%dma_start3A_166 : memref<1441792xf32, #tpu.memory_space<vmem_shared>>) offsets(%dma_start3A_164 : memref<128xi32, #tpu.memory_space<vmem>>) semaphore(%run_scoped3A_162 : memref<!tpu.dma_semaphore, #tpu.memory_space<semaphore_mem>>) {add = true}
      %dma_wait3A = arith.constant 0 : i32
      %dma_wait3A_167 = tpu.memref_slice %arg7[%run_scoped3A_141, %dma_wait3A] : memref<64x128xi32, #tpu.memory_space<vmem>> -> memref<1x128xi32, #tpu.memory_space<vmem>>
      %dma_wait3A_168 = tpu.memref_squeeze %dma_wait3A_167 : memref<1x128xi32, #tpu.memory_space<vmem>> -> memref<128xi32, #tpu.memory_space<vmem>>
      %dma_wait3A_169 = arith.constant 0 : i32
      %dma_wait3A_170 = tpu.memref_slice %arg4[%dma_wait3A_169] : memref<1441792xf32, #tpu.memory_space<vmem_shared>> -> memref<1441792xf32, #tpu.memory_space<vmem_shared>>
      tpu.wait_indirect_dma semaphore(%run_scoped3A_162 : memref<!tpu.dma_semaphore, #tpu.memory_space<semaphore_mem>>) src(%arg8 : memref<128xf32, #tpu.memory_space<vmem>>) dst(%dma_wait3A_170 : memref<1441792xf32, #tpu.memory_space<vmem_shared>>)
      tpu.yield
    }) : () -> ()
    %run_scoped3A_142 = arith.constant 49 : i32
    "tpu.region"() ({
      %run_scoped3A_162 = tpu.sem_alloc : memref<!tpu.dma_semaphore, #tpu.memory_space<semaphore_mem>>
      %dma_start3A = arith.constant 0 : i32
      %dma_start3A_163 = tpu.memref_slice %arg7[%run_scoped3A_142, %dma_start3A] : memref<64x128xi32, #tpu.memory_space<vmem>> -> memref<1x128xi32, #tpu.memory_space<vmem>>
      %dma_start3A_164 = tpu.memref_squeeze %dma_start3A_163 : memref<1x128xi32, #tpu.memory_space<vmem>> -> memref<128xi32, #tpu.memory_space<vmem>>
      %dma_start3A_165 = arith.constant 0 : i32
      %dma_start3A_166 = tpu.memref_slice %arg4[%dma_start3A_165] : memref<1441792xf32, #tpu.memory_space<vmem_shared>> -> memref<1441792xf32, #tpu.memory_space<vmem_shared>>
      tpu.enqueue_indirect_dma source(%arg8 : memref<128xf32, #tpu.memory_space<vmem>>) target(%dma_start3A_166 : memref<1441792xf32, #tpu.memory_space<vmem_shared>>) offsets(%dma_start3A_164 : memref<128xi32, #tpu.memory_space<vmem>>) semaphore(%run_scoped3A_162 : memref<!tpu.dma_semaphore, #tpu.memory_space<semaphore_mem>>) {add = true}
      %dma_wait3A = arith.constant 0 : i32
      %dma_wait3A_167 = tpu.memref_slice %arg7[%run_scoped3A_142, %dma_wait3A] : memref<64x128xi32, #tpu.memory_space<vmem>> -> memref<1x128xi32, #tpu.memory_space<vmem>>
      %dma_wait3A_168 = tpu.memref_squeeze %dma_wait3A_167 : memref<1x128xi32, #tpu.memory_space<vmem>> -> memref<128xi32, #tpu.memory_space<vmem>>
      %dma_wait3A_169 = arith.constant 0 : i32
      %dma_wait3A_170 = tpu.memref_slice %arg4[%dma_wait3A_169] : memref<1441792xf32, #tpu.memory_space<vmem_shared>> -> memref<1441792xf32, #tpu.memory_space<vmem_shared>>
      tpu.wait_indirect_dma semaphore(%run_scoped3A_162 : memref<!tpu.dma_semaphore, #tpu.memory_space<semaphore_mem>>) src(%arg8 : memref<128xf32, #tpu.memory_space<vmem>>) dst(%dma_wait3A_170 : memref<1441792xf32, #tpu.memory_space<vmem_shared>>)
      tpu.yield
    }) : () -> ()
    %run_scoped3A_143 = arith.constant 50 : i32
    "tpu.region"() ({
      %run_scoped3A_162 = tpu.sem_alloc : memref<!tpu.dma_semaphore, #tpu.memory_space<semaphore_mem>>
      %dma_start3A = arith.constant 0 : i32
      %dma_start3A_163 = tpu.memref_slice %arg7[%run_scoped3A_143, %dma_start3A] : memref<64x128xi32, #tpu.memory_space<vmem>> -> memref<1x128xi32, #tpu.memory_space<vmem>>
      %dma_start3A_164 = tpu.memref_squeeze %dma_start3A_163 : memref<1x128xi32, #tpu.memory_space<vmem>> -> memref<128xi32, #tpu.memory_space<vmem>>
      %dma_start3A_165 = arith.constant 0 : i32
      %dma_start3A_166 = tpu.memref_slice %arg4[%dma_start3A_165] : memref<1441792xf32, #tpu.memory_space<vmem_shared>> -> memref<1441792xf32, #tpu.memory_space<vmem_shared>>
      tpu.enqueue_indirect_dma source(%arg8 : memref<128xf32, #tpu.memory_space<vmem>>) target(%dma_start3A_166 : memref<1441792xf32, #tpu.memory_space<vmem_shared>>) offsets(%dma_start3A_164 : memref<128xi32, #tpu.memory_space<vmem>>) semaphore(%run_scoped3A_162 : memref<!tpu.dma_semaphore, #tpu.memory_space<semaphore_mem>>) {add = true}
      %dma_wait3A = arith.constant 0 : i32
      %dma_wait3A_167 = tpu.memref_slice %arg7[%run_scoped3A_143, %dma_wait3A] : memref<64x128xi32, #tpu.memory_space<vmem>> -> memref<1x128xi32, #tpu.memory_space<vmem>>
      %dma_wait3A_168 = tpu.memref_squeeze %dma_wait3A_167 : memref<1x128xi32, #tpu.memory_space<vmem>> -> memref<128xi32, #tpu.memory_space<vmem>>
      %dma_wait3A_169 = arith.constant 0 : i32
      %dma_wait3A_170 = tpu.memref_slice %arg4[%dma_wait3A_169] : memref<1441792xf32, #tpu.memory_space<vmem_shared>> -> memref<1441792xf32, #tpu.memory_space<vmem_shared>>
      tpu.wait_indirect_dma semaphore(%run_scoped3A_162 : memref<!tpu.dma_semaphore, #tpu.memory_space<semaphore_mem>>) src(%arg8 : memref<128xf32, #tpu.memory_space<vmem>>) dst(%dma_wait3A_170 : memref<1441792xf32, #tpu.memory_space<vmem_shared>>)
      tpu.yield
    }) : () -> ()
    %run_scoped3A_144 = arith.constant 51 : i32
    "tpu.region"() ({
      %run_scoped3A_162 = tpu.sem_alloc : memref<!tpu.dma_semaphore, #tpu.memory_space<semaphore_mem>>
      %dma_start3A = arith.constant 0 : i32
      %dma_start3A_163 = tpu.memref_slice %arg7[%run_scoped3A_144, %dma_start3A] : memref<64x128xi32, #tpu.memory_space<vmem>> -> memref<1x128xi32, #tpu.memory_space<vmem>>
      %dma_start3A_164 = tpu.memref_squeeze %dma_start3A_163 : memref<1x128xi32, #tpu.memory_space<vmem>> -> memref<128xi32, #tpu.memory_space<vmem>>
      %dma_start3A_165 = arith.constant 0 : i32
      %dma_start3A_166 = tpu.memref_slice %arg4[%dma_start3A_165] : memref<1441792xf32, #tpu.memory_space<vmem_shared>> -> memref<1441792xf32, #tpu.memory_space<vmem_shared>>
      tpu.enqueue_indirect_dma source(%arg8 : memref<128xf32, #tpu.memory_space<vmem>>) target(%dma_start3A_166 : memref<1441792xf32, #tpu.memory_space<vmem_shared>>) offsets(%dma_start3A_164 : memref<128xi32, #tpu.memory_space<vmem>>) semaphore(%run_scoped3A_162 : memref<!tpu.dma_semaphore, #tpu.memory_space<semaphore_mem>>) {add = true}
      %dma_wait3A = arith.constant 0 : i32
      %dma_wait3A_167 = tpu.memref_slice %arg7[%run_scoped3A_144, %dma_wait3A] : memref<64x128xi32, #tpu.memory_space<vmem>> -> memref<1x128xi32, #tpu.memory_space<vmem>>
      %dma_wait3A_168 = tpu.memref_squeeze %dma_wait3A_167 : memref<1x128xi32, #tpu.memory_space<vmem>> -> memref<128xi32, #tpu.memory_space<vmem>>
      %dma_wait3A_169 = arith.constant 0 : i32
      %dma_wait3A_170 = tpu.memref_slice %arg4[%dma_wait3A_169] : memref<1441792xf32, #tpu.memory_space<vmem_shared>> -> memref<1441792xf32, #tpu.memory_space<vmem_shared>>
      tpu.wait_indirect_dma semaphore(%run_scoped3A_162 : memref<!tpu.dma_semaphore, #tpu.memory_space<semaphore_mem>>) src(%arg8 : memref<128xf32, #tpu.memory_space<vmem>>) dst(%dma_wait3A_170 : memref<1441792xf32, #tpu.memory_space<vmem_shared>>)
      tpu.yield
    }) : () -> ()
    %run_scoped3A_145 = arith.constant 52 : i32
    "tpu.region"() ({
      %run_scoped3A_162 = tpu.sem_alloc : memref<!tpu.dma_semaphore, #tpu.memory_space<semaphore_mem>>
      %dma_start3A = arith.constant 0 : i32
      %dma_start3A_163 = tpu.memref_slice %arg7[%run_scoped3A_145, %dma_start3A] : memref<64x128xi32, #tpu.memory_space<vmem>> -> memref<1x128xi32, #tpu.memory_space<vmem>>
      %dma_start3A_164 = tpu.memref_squeeze %dma_start3A_163 : memref<1x128xi32, #tpu.memory_space<vmem>> -> memref<128xi32, #tpu.memory_space<vmem>>
      %dma_start3A_165 = arith.constant 0 : i32
      %dma_start3A_166 = tpu.memref_slice %arg4[%dma_start3A_165] : memref<1441792xf32, #tpu.memory_space<vmem_shared>> -> memref<1441792xf32, #tpu.memory_space<vmem_shared>>
      tpu.enqueue_indirect_dma source(%arg8 : memref<128xf32, #tpu.memory_space<vmem>>) target(%dma_start3A_166 : memref<1441792xf32, #tpu.memory_space<vmem_shared>>) offsets(%dma_start3A_164 : memref<128xi32, #tpu.memory_space<vmem>>) semaphore(%run_scoped3A_162 : memref<!tpu.dma_semaphore, #tpu.memory_space<semaphore_mem>>) {add = true}
      %dma_wait3A = arith.constant 0 : i32
      %dma_wait3A_167 = tpu.memref_slice %arg7[%run_scoped3A_145, %dma_wait3A] : memref<64x128xi32, #tpu.memory_space<vmem>> -> memref<1x128xi32, #tpu.memory_space<vmem>>
      %dma_wait3A_168 = tpu.memref_squeeze %dma_wait3A_167 : memref<1x128xi32, #tpu.memory_space<vmem>> -> memref<128xi32, #tpu.memory_space<vmem>>
      %dma_wait3A_169 = arith.constant 0 : i32
      %dma_wait3A_170 = tpu.memref_slice %arg4[%dma_wait3A_169] : memref<1441792xf32, #tpu.memory_space<vmem_shared>> -> memref<1441792xf32, #tpu.memory_space<vmem_shared>>
      tpu.wait_indirect_dma semaphore(%run_scoped3A_162 : memref<!tpu.dma_semaphore, #tpu.memory_space<semaphore_mem>>) src(%arg8 : memref<128xf32, #tpu.memory_space<vmem>>) dst(%dma_wait3A_170 : memref<1441792xf32, #tpu.memory_space<vmem_shared>>)
      tpu.yield
    }) : () -> ()
    %run_scoped3A_146 = arith.constant 53 : i32
    "tpu.region"() ({
      %run_scoped3A_162 = tpu.sem_alloc : memref<!tpu.dma_semaphore, #tpu.memory_space<semaphore_mem>>
      %dma_start3A = arith.constant 0 : i32
      %dma_start3A_163 = tpu.memref_slice %arg7[%run_scoped3A_146, %dma_start3A] : memref<64x128xi32, #tpu.memory_space<vmem>> -> memref<1x128xi32, #tpu.memory_space<vmem>>
      %dma_start3A_164 = tpu.memref_squeeze %dma_start3A_163 : memref<1x128xi32, #tpu.memory_space<vmem>> -> memref<128xi32, #tpu.memory_space<vmem>>
      %dma_start3A_165 = arith.constant 0 : i32
      %dma_start3A_166 = tpu.memref_slice %arg4[%dma_start3A_165] : memref<1441792xf32, #tpu.memory_space<vmem_shared>> -> memref<1441792xf32, #tpu.memory_space<vmem_shared>>
      tpu.enqueue_indirect_dma source(%arg8 : memref<128xf32, #tpu.memory_space<vmem>>) target(%dma_start3A_166 : memref<1441792xf32, #tpu.memory_space<vmem_shared>>) offsets(%dma_start3A_164 : memref<128xi32, #tpu.memory_space<vmem>>) semaphore(%run_scoped3A_162 : memref<!tpu.dma_semaphore, #tpu.memory_space<semaphore_mem>>) {add = true}
      %dma_wait3A = arith.constant 0 : i32
      %dma_wait3A_167 = tpu.memref_slice %arg7[%run_scoped3A_146, %dma_wait3A] : memref<64x128xi32, #tpu.memory_space<vmem>> -> memref<1x128xi32, #tpu.memory_space<vmem>>
      %dma_wait3A_168 = tpu.memref_squeeze %dma_wait3A_167 : memref<1x128xi32, #tpu.memory_space<vmem>> -> memref<128xi32, #tpu.memory_space<vmem>>
      %dma_wait3A_169 = arith.constant 0 : i32
      %dma_wait3A_170 = tpu.memref_slice %arg4[%dma_wait3A_169] : memref<1441792xf32, #tpu.memory_space<vmem_shared>> -> memref<1441792xf32, #tpu.memory_space<vmem_shared>>
      tpu.wait_indirect_dma semaphore(%run_scoped3A_162 : memref<!tpu.dma_semaphore, #tpu.memory_space<semaphore_mem>>) src(%arg8 : memref<128xf32, #tpu.memory_space<vmem>>) dst(%dma_wait3A_170 : memref<1441792xf32, #tpu.memory_space<vmem_shared>>)
      tpu.yield
    }) : () -> ()
    %run_scoped3A_147 = arith.constant 54 : i32
    "tpu.region"() ({
      %run_scoped3A_162 = tpu.sem_alloc : memref<!tpu.dma_semaphore, #tpu.memory_space<semaphore_mem>>
      %dma_start3A = arith.constant 0 : i32
      %dma_start3A_163 = tpu.memref_slice %arg7[%run_scoped3A_147, %dma_start3A] : memref<64x128xi32, #tpu.memory_space<vmem>> -> memref<1x128xi32, #tpu.memory_space<vmem>>
      %dma_start3A_164 = tpu.memref_squeeze %dma_start3A_163 : memref<1x128xi32, #tpu.memory_space<vmem>> -> memref<128xi32, #tpu.memory_space<vmem>>
      %dma_start3A_165 = arith.constant 0 : i32
      %dma_start3A_166 = tpu.memref_slice %arg4[%dma_start3A_165] : memref<1441792xf32, #tpu.memory_space<vmem_shared>> -> memref<1441792xf32, #tpu.memory_space<vmem_shared>>
      tpu.enqueue_indirect_dma source(%arg8 : memref<128xf32, #tpu.memory_space<vmem>>) target(%dma_start3A_166 : memref<1441792xf32, #tpu.memory_space<vmem_shared>>) offsets(%dma_start3A_164 : memref<128xi32, #tpu.memory_space<vmem>>) semaphore(%run_scoped3A_162 : memref<!tpu.dma_semaphore, #tpu.memory_space<semaphore_mem>>) {add = true}
      %dma_wait3A = arith.constant 0 : i32
      %dma_wait3A_167 = tpu.memref_slice %arg7[%run_scoped3A_147, %dma_wait3A] : memref<64x128xi32, #tpu.memory_space<vmem>> -> memref<1x128xi32, #tpu.memory_space<vmem>>
      %dma_wait3A_168 = tpu.memref_squeeze %dma_wait3A_167 : memref<1x128xi32, #tpu.memory_space<vmem>> -> memref<128xi32, #tpu.memory_space<vmem>>
      %dma_wait3A_169 = arith.constant 0 : i32
      %dma_wait3A_170 = tpu.memref_slice %arg4[%dma_wait3A_169] : memref<1441792xf32, #tpu.memory_space<vmem_shared>> -> memref<1441792xf32, #tpu.memory_space<vmem_shared>>
      tpu.wait_indirect_dma semaphore(%run_scoped3A_162 : memref<!tpu.dma_semaphore, #tpu.memory_space<semaphore_mem>>) src(%arg8 : memref<128xf32, #tpu.memory_space<vmem>>) dst(%dma_wait3A_170 : memref<1441792xf32, #tpu.memory_space<vmem_shared>>)
      tpu.yield
    }) : () -> ()
    %run_scoped3A_148 = arith.constant 55 : i32
    "tpu.region"() ({
      %run_scoped3A_162 = tpu.sem_alloc : memref<!tpu.dma_semaphore, #tpu.memory_space<semaphore_mem>>
      %dma_start3A = arith.constant 0 : i32
      %dma_start3A_163 = tpu.memref_slice %arg7[%run_scoped3A_148, %dma_start3A] : memref<64x128xi32, #tpu.memory_space<vmem>> -> memref<1x128xi32, #tpu.memory_space<vmem>>
      %dma_start3A_164 = tpu.memref_squeeze %dma_start3A_163 : memref<1x128xi32, #tpu.memory_space<vmem>> -> memref<128xi32, #tpu.memory_space<vmem>>
      %dma_start3A_165 = arith.constant 0 : i32
      %dma_start3A_166 = tpu.memref_slice %arg4[%dma_start3A_165] : memref<1441792xf32, #tpu.memory_space<vmem_shared>> -> memref<1441792xf32, #tpu.memory_space<vmem_shared>>
      tpu.enqueue_indirect_dma source(%arg8 : memref<128xf32, #tpu.memory_space<vmem>>) target(%dma_start3A_166 : memref<1441792xf32, #tpu.memory_space<vmem_shared>>) offsets(%dma_start3A_164 : memref<128xi32, #tpu.memory_space<vmem>>) semaphore(%run_scoped3A_162 : memref<!tpu.dma_semaphore, #tpu.memory_space<semaphore_mem>>) {add = true}
      %dma_wait3A = arith.constant 0 : i32
      %dma_wait3A_167 = tpu.memref_slice %arg7[%run_scoped3A_148, %dma_wait3A] : memref<64x128xi32, #tpu.memory_space<vmem>> -> memref<1x128xi32, #tpu.memory_space<vmem>>
      %dma_wait3A_168 = tpu.memref_squeeze %dma_wait3A_167 : memref<1x128xi32, #tpu.memory_space<vmem>> -> memref<128xi32, #tpu.memory_space<vmem>>
      %dma_wait3A_169 = arith.constant 0 : i32
      %dma_wait3A_170 = tpu.memref_slice %arg4[%dma_wait3A_169] : memref<1441792xf32, #tpu.memory_space<vmem_shared>> -> memref<1441792xf32, #tpu.memory_space<vmem_shared>>
      tpu.wait_indirect_dma semaphore(%run_scoped3A_162 : memref<!tpu.dma_semaphore, #tpu.memory_space<semaphore_mem>>) src(%arg8 : memref<128xf32, #tpu.memory_space<vmem>>) dst(%dma_wait3A_170 : memref<1441792xf32, #tpu.memory_space<vmem_shared>>)
      tpu.yield
    }) : () -> ()
    %run_scoped3A_149 = arith.constant 56 : i32
    "tpu.region"() ({
      %run_scoped3A_162 = tpu.sem_alloc : memref<!tpu.dma_semaphore, #tpu.memory_space<semaphore_mem>>
      %dma_start3A = arith.constant 0 : i32
      %dma_start3A_163 = tpu.memref_slice %arg7[%run_scoped3A_149, %dma_start3A] : memref<64x128xi32, #tpu.memory_space<vmem>> -> memref<1x128xi32, #tpu.memory_space<vmem>>
      %dma_start3A_164 = tpu.memref_squeeze %dma_start3A_163 : memref<1x128xi32, #tpu.memory_space<vmem>> -> memref<128xi32, #tpu.memory_space<vmem>>
      %dma_start3A_165 = arith.constant 0 : i32
      %dma_start3A_166 = tpu.memref_slice %arg4[%dma_start3A_165] : memref<1441792xf32, #tpu.memory_space<vmem_shared>> -> memref<1441792xf32, #tpu.memory_space<vmem_shared>>
      tpu.enqueue_indirect_dma source(%arg8 : memref<128xf32, #tpu.memory_space<vmem>>) target(%dma_start3A_166 : memref<1441792xf32, #tpu.memory_space<vmem_shared>>) offsets(%dma_start3A_164 : memref<128xi32, #tpu.memory_space<vmem>>) semaphore(%run_scoped3A_162 : memref<!tpu.dma_semaphore, #tpu.memory_space<semaphore_mem>>) {add = true}
      %dma_wait3A = arith.constant 0 : i32
      %dma_wait3A_167 = tpu.memref_slice %arg7[%run_scoped3A_149, %dma_wait3A] : memref<64x128xi32, #tpu.memory_space<vmem>> -> memref<1x128xi32, #tpu.memory_space<vmem>>
      %dma_wait3A_168 = tpu.memref_squeeze %dma_wait3A_167 : memref<1x128xi32, #tpu.memory_space<vmem>> -> memref<128xi32, #tpu.memory_space<vmem>>
      %dma_wait3A_169 = arith.constant 0 : i32
      %dma_wait3A_170 = tpu.memref_slice %arg4[%dma_wait3A_169] : memref<1441792xf32, #tpu.memory_space<vmem_shared>> -> memref<1441792xf32, #tpu.memory_space<vmem_shared>>
      tpu.wait_indirect_dma semaphore(%run_scoped3A_162 : memref<!tpu.dma_semaphore, #tpu.memory_space<semaphore_mem>>) src(%arg8 : memref<128xf32, #tpu.memory_space<vmem>>) dst(%dma_wait3A_170 : memref<1441792xf32, #tpu.memory_space<vmem_shared>>)
      tpu.yield
    }) : () -> ()
    %run_scoped3A_150 = arith.constant 57 : i32
    "tpu.region"() ({
      %run_scoped3A_162 = tpu.sem_alloc : memref<!tpu.dma_semaphore, #tpu.memory_space<semaphore_mem>>
      %dma_start3A = arith.constant 0 : i32
      %dma_start3A_163 = tpu.memref_slice %arg7[%run_scoped3A_150, %dma_start3A] : memref<64x128xi32, #tpu.memory_space<vmem>> -> memref<1x128xi32, #tpu.memory_space<vmem>>
      %dma_start3A_164 = tpu.memref_squeeze %dma_start3A_163 : memref<1x128xi32, #tpu.memory_space<vmem>> -> memref<128xi32, #tpu.memory_space<vmem>>
      %dma_start3A_165 = arith.constant 0 : i32
      %dma_start3A_166 = tpu.memref_slice %arg4[%dma_start3A_165] : memref<1441792xf32, #tpu.memory_space<vmem_shared>> -> memref<1441792xf32, #tpu.memory_space<vmem_shared>>
      tpu.enqueue_indirect_dma source(%arg8 : memref<128xf32, #tpu.memory_space<vmem>>) target(%dma_start3A_166 : memref<1441792xf32, #tpu.memory_space<vmem_shared>>) offsets(%dma_start3A_164 : memref<128xi32, #tpu.memory_space<vmem>>) semaphore(%run_scoped3A_162 : memref<!tpu.dma_semaphore, #tpu.memory_space<semaphore_mem>>) {add = true}
      %dma_wait3A = arith.constant 0 : i32
      %dma_wait3A_167 = tpu.memref_slice %arg7[%run_scoped3A_150, %dma_wait3A] : memref<64x128xi32, #tpu.memory_space<vmem>> -> memref<1x128xi32, #tpu.memory_space<vmem>>
      %dma_wait3A_168 = tpu.memref_squeeze %dma_wait3A_167 : memref<1x128xi32, #tpu.memory_space<vmem>> -> memref<128xi32, #tpu.memory_space<vmem>>
      %dma_wait3A_169 = arith.constant 0 : i32
      %dma_wait3A_170 = tpu.memref_slice %arg4[%dma_wait3A_169] : memref<1441792xf32, #tpu.memory_space<vmem_shared>> -> memref<1441792xf32, #tpu.memory_space<vmem_shared>>
      tpu.wait_indirect_dma semaphore(%run_scoped3A_162 : memref<!tpu.dma_semaphore, #tpu.memory_space<semaphore_mem>>) src(%arg8 : memref<128xf32, #tpu.memory_space<vmem>>) dst(%dma_wait3A_170 : memref<1441792xf32, #tpu.memory_space<vmem_shared>>)
      tpu.yield
    }) : () -> ()
    %run_scoped3A_151 = arith.constant 58 : i32
    "tpu.region"() ({
      %run_scoped3A_162 = tpu.sem_alloc : memref<!tpu.dma_semaphore, #tpu.memory_space<semaphore_mem>>
      %dma_start3A = arith.constant 0 : i32
      %dma_start3A_163 = tpu.memref_slice %arg7[%run_scoped3A_151, %dma_start3A] : memref<64x128xi32, #tpu.memory_space<vmem>> -> memref<1x128xi32, #tpu.memory_space<vmem>>
      %dma_start3A_164 = tpu.memref_squeeze %dma_start3A_163 : memref<1x128xi32, #tpu.memory_space<vmem>> -> memref<128xi32, #tpu.memory_space<vmem>>
      %dma_start3A_165 = arith.constant 0 : i32
      %dma_start3A_166 = tpu.memref_slice %arg4[%dma_start3A_165] : memref<1441792xf32, #tpu.memory_space<vmem_shared>> -> memref<1441792xf32, #tpu.memory_space<vmem_shared>>
      tpu.enqueue_indirect_dma source(%arg8 : memref<128xf32, #tpu.memory_space<vmem>>) target(%dma_start3A_166 : memref<1441792xf32, #tpu.memory_space<vmem_shared>>) offsets(%dma_start3A_164 : memref<128xi32, #tpu.memory_space<vmem>>) semaphore(%run_scoped3A_162 : memref<!tpu.dma_semaphore, #tpu.memory_space<semaphore_mem>>) {add = true}
      %dma_wait3A = arith.constant 0 : i32
      %dma_wait3A_167 = tpu.memref_slice %arg7[%run_scoped3A_151, %dma_wait3A] : memref<64x128xi32, #tpu.memory_space<vmem>> -> memref<1x128xi32, #tpu.memory_space<vmem>>
      %dma_wait3A_168 = tpu.memref_squeeze %dma_wait3A_167 : memref<1x128xi32, #tpu.memory_space<vmem>> -> memref<128xi32, #tpu.memory_space<vmem>>
      %dma_wait3A_169 = arith.constant 0 : i32
      %dma_wait3A_170 = tpu.memref_slice %arg4[%dma_wait3A_169] : memref<1441792xf32, #tpu.memory_space<vmem_shared>> -> memref<1441792xf32, #tpu.memory_space<vmem_shared>>
      tpu.wait_indirect_dma semaphore(%run_scoped3A_162 : memref<!tpu.dma_semaphore, #tpu.memory_space<semaphore_mem>>) src(%arg8 : memref<128xf32, #tpu.memory_space<vmem>>) dst(%dma_wait3A_170 : memref<1441792xf32, #tpu.memory_space<vmem_shared>>)
      tpu.yield
    }) : () -> ()
    %run_scoped3A_152 = arith.constant 59 : i32
    "tpu.region"() ({
      %run_scoped3A_162 = tpu.sem_alloc : memref<!tpu.dma_semaphore, #tpu.memory_space<semaphore_mem>>
      %dma_start3A = arith.constant 0 : i32
      %dma_start3A_163 = tpu.memref_slice %arg7[%run_scoped3A_152, %dma_start3A] : memref<64x128xi32, #tpu.memory_space<vmem>> -> memref<1x128xi32, #tpu.memory_space<vmem>>
      %dma_start3A_164 = tpu.memref_squeeze %dma_start3A_163 : memref<1x128xi32, #tpu.memory_space<vmem>> -> memref<128xi32, #tpu.memory_space<vmem>>
      %dma_start3A_165 = arith.constant 0 : i32
      %dma_start3A_166 = tpu.memref_slice %arg4[%dma_start3A_165] : memref<1441792xf32, #tpu.memory_space<vmem_shared>> -> memref<1441792xf32, #tpu.memory_space<vmem_shared>>
      tpu.enqueue_indirect_dma source(%arg8 : memref<128xf32, #tpu.memory_space<vmem>>) target(%dma_start3A_166 : memref<1441792xf32, #tpu.memory_space<vmem_shared>>) offsets(%dma_start3A_164 : memref<128xi32, #tpu.memory_space<vmem>>) semaphore(%run_scoped3A_162 : memref<!tpu.dma_semaphore, #tpu.memory_space<semaphore_mem>>) {add = true}
      %dma_wait3A = arith.constant 0 : i32
      %dma_wait3A_167 = tpu.memref_slice %arg7[%run_scoped3A_152, %dma_wait3A] : memref<64x128xi32, #tpu.memory_space<vmem>> -> memref<1x128xi32, #tpu.memory_space<vmem>>
      %dma_wait3A_168 = tpu.memref_squeeze %dma_wait3A_167 : memref<1x128xi32, #tpu.memory_space<vmem>> -> memref<128xi32, #tpu.memory_space<vmem>>
      %dma_wait3A_169 = arith.constant 0 : i32
      %dma_wait3A_170 = tpu.memref_slice %arg4[%dma_wait3A_169] : memref<1441792xf32, #tpu.memory_space<vmem_shared>> -> memref<1441792xf32, #tpu.memory_space<vmem_shared>>
      tpu.wait_indirect_dma semaphore(%run_scoped3A_162 : memref<!tpu.dma_semaphore, #tpu.memory_space<semaphore_mem>>) src(%arg8 : memref<128xf32, #tpu.memory_space<vmem>>) dst(%dma_wait3A_170 : memref<1441792xf32, #tpu.memory_space<vmem_shared>>)
      tpu.yield
    }) : () -> ()
    %run_scoped3A_153 = arith.constant 60 : i32
    "tpu.region"() ({
      %run_scoped3A_162 = tpu.sem_alloc : memref<!tpu.dma_semaphore, #tpu.memory_space<semaphore_mem>>
      %dma_start3A = arith.constant 0 : i32
      %dma_start3A_163 = tpu.memref_slice %arg7[%run_scoped3A_153, %dma_start3A] : memref<64x128xi32, #tpu.memory_space<vmem>> -> memref<1x128xi32, #tpu.memory_space<vmem>>
      %dma_start3A_164 = tpu.memref_squeeze %dma_start3A_163 : memref<1x128xi32, #tpu.memory_space<vmem>> -> memref<128xi32, #tpu.memory_space<vmem>>
      %dma_start3A_165 = arith.constant 0 : i32
      %dma_start3A_166 = tpu.memref_slice %arg4[%dma_start3A_165] : memref<1441792xf32, #tpu.memory_space<vmem_shared>> -> memref<1441792xf32, #tpu.memory_space<vmem_shared>>
      tpu.enqueue_indirect_dma source(%arg8 : memref<128xf32, #tpu.memory_space<vmem>>) target(%dma_start3A_166 : memref<1441792xf32, #tpu.memory_space<vmem_shared>>) offsets(%dma_start3A_164 : memref<128xi32, #tpu.memory_space<vmem>>) semaphore(%run_scoped3A_162 : memref<!tpu.dma_semaphore, #tpu.memory_space<semaphore_mem>>) {add = true}
      %dma_wait3A = arith.constant 0 : i32
      %dma_wait3A_167 = tpu.memref_slice %arg7[%run_scoped3A_153, %dma_wait3A] : memref<64x128xi32, #tpu.memory_space<vmem>> -> memref<1x128xi32, #tpu.memory_space<vmem>>
      %dma_wait3A_168 = tpu.memref_squeeze %dma_wait3A_167 : memref<1x128xi32, #tpu.memory_space<vmem>> -> memref<128xi32, #tpu.memory_space<vmem>>
      %dma_wait3A_169 = arith.constant 0 : i32
      %dma_wait3A_170 = tpu.memref_slice %arg4[%dma_wait3A_169] : memref<1441792xf32, #tpu.memory_space<vmem_shared>> -> memref<1441792xf32, #tpu.memory_space<vmem_shared>>
      tpu.wait_indirect_dma semaphore(%run_scoped3A_162 : memref<!tpu.dma_semaphore, #tpu.memory_space<semaphore_mem>>) src(%arg8 : memref<128xf32, #tpu.memory_space<vmem>>) dst(%dma_wait3A_170 : memref<1441792xf32, #tpu.memory_space<vmem_shared>>)
      tpu.yield
    }) : () -> ()
    %run_scoped3A_154 = arith.constant 61 : i32
    "tpu.region"() ({
      %run_scoped3A_162 = tpu.sem_alloc : memref<!tpu.dma_semaphore, #tpu.memory_space<semaphore_mem>>
      %dma_start3A = arith.constant 0 : i32
      %dma_start3A_163 = tpu.memref_slice %arg7[%run_scoped3A_154, %dma_start3A] : memref<64x128xi32, #tpu.memory_space<vmem>> -> memref<1x128xi32, #tpu.memory_space<vmem>>
      %dma_start3A_164 = tpu.memref_squeeze %dma_start3A_163 : memref<1x128xi32, #tpu.memory_space<vmem>> -> memref<128xi32, #tpu.memory_space<vmem>>
      %dma_start3A_165 = arith.constant 0 : i32
      %dma_start3A_166 = tpu.memref_slice %arg4[%dma_start3A_165] : memref<1441792xf32, #tpu.memory_space<vmem_shared>> -> memref<1441792xf32, #tpu.memory_space<vmem_shared>>
      tpu.enqueue_indirect_dma source(%arg8 : memref<128xf32, #tpu.memory_space<vmem>>) target(%dma_start3A_166 : memref<1441792xf32, #tpu.memory_space<vmem_shared>>) offsets(%dma_start3A_164 : memref<128xi32, #tpu.memory_space<vmem>>) semaphore(%run_scoped3A_162 : memref<!tpu.dma_semaphore, #tpu.memory_space<semaphore_mem>>) {add = true}
      %dma_wait3A = arith.constant 0 : i32
      %dma_wait3A_167 = tpu.memref_slice %arg7[%run_scoped3A_154, %dma_wait3A] : memref<64x128xi32, #tpu.memory_space<vmem>> -> memref<1x128xi32, #tpu.memory_space<vmem>>
      %dma_wait3A_168 = tpu.memref_squeeze %dma_wait3A_167 : memref<1x128xi32, #tpu.memory_space<vmem>> -> memref<128xi32, #tpu.memory_space<vmem>>
      %dma_wait3A_169 = arith.constant 0 : i32
      %dma_wait3A_170 = tpu.memref_slice %arg4[%dma_wait3A_169] : memref<1441792xf32, #tpu.memory_space<vmem_shared>> -> memref<1441792xf32, #tpu.memory_space<vmem_shared>>
      tpu.wait_indirect_dma semaphore(%run_scoped3A_162 : memref<!tpu.dma_semaphore, #tpu.memory_space<semaphore_mem>>) src(%arg8 : memref<128xf32, #tpu.memory_space<vmem>>) dst(%dma_wait3A_170 : memref<1441792xf32, #tpu.memory_space<vmem_shared>>)
      tpu.yield
    }) : () -> ()
    %run_scoped3A_155 = arith.constant 62 : i32
    "tpu.region"() ({
      %run_scoped3A_162 = tpu.sem_alloc : memref<!tpu.dma_semaphore, #tpu.memory_space<semaphore_mem>>
      %dma_start3A = arith.constant 0 : i32
      %dma_start3A_163 = tpu.memref_slice %arg7[%run_scoped3A_155, %dma_start3A] : memref<64x128xi32, #tpu.memory_space<vmem>> -> memref<1x128xi32, #tpu.memory_space<vmem>>
      %dma_start3A_164 = tpu.memref_squeeze %dma_start3A_163 : memref<1x128xi32, #tpu.memory_space<vmem>> -> memref<128xi32, #tpu.memory_space<vmem>>
      %dma_start3A_165 = arith.constant 0 : i32
      %dma_start3A_166 = tpu.memref_slice %arg4[%dma_start3A_165] : memref<1441792xf32, #tpu.memory_space<vmem_shared>> -> memref<1441792xf32, #tpu.memory_space<vmem_shared>>
      tpu.enqueue_indirect_dma source(%arg8 : memref<128xf32, #tpu.memory_space<vmem>>) target(%dma_start3A_166 : memref<1441792xf32, #tpu.memory_space<vmem_shared>>) offsets(%dma_start3A_164 : memref<128xi32, #tpu.memory_space<vmem>>) semaphore(%run_scoped3A_162 : memref<!tpu.dma_semaphore, #tpu.memory_space<semaphore_mem>>) {add = true}
      %dma_wait3A = arith.constant 0 : i32
      %dma_wait3A_167 = tpu.memref_slice %arg7[%run_scoped3A_155, %dma_wait3A] : memref<64x128xi32, #tpu.memory_space<vmem>> -> memref<1x128xi32, #tpu.memory_space<vmem>>
      %dma_wait3A_168 = tpu.memref_squeeze %dma_wait3A_167 : memref<1x128xi32, #tpu.memory_space<vmem>> -> memref<128xi32, #tpu.memory_space<vmem>>
      %dma_wait3A_169 = arith.constant 0 : i32
      %dma_wait3A_170 = tpu.memref_slice %arg4[%dma_wait3A_169] : memref<1441792xf32, #tpu.memory_space<vmem_shared>> -> memref<1441792xf32, #tpu.memory_space<vmem_shared>>
      tpu.wait_indirect_dma semaphore(%run_scoped3A_162 : memref<!tpu.dma_semaphore, #tpu.memory_space<semaphore_mem>>) src(%arg8 : memref<128xf32, #tpu.memory_space<vmem>>) dst(%dma_wait3A_170 : memref<1441792xf32, #tpu.memory_space<vmem_shared>>)
      tpu.yield
    }) : () -> ()
    %run_scoped3A_156 = arith.constant 63 : i32
    "tpu.region"() ({
      %run_scoped3A_162 = tpu.sem_alloc : memref<!tpu.dma_semaphore, #tpu.memory_space<semaphore_mem>>
      %dma_start3A = arith.constant 0 : i32
      %dma_start3A_163 = tpu.memref_slice %arg7[%run_scoped3A_156, %dma_start3A] : memref<64x128xi32, #tpu.memory_space<vmem>> -> memref<1x128xi32, #tpu.memory_space<vmem>>
      %dma_start3A_164 = tpu.memref_squeeze %dma_start3A_163 : memref<1x128xi32, #tpu.memory_space<vmem>> -> memref<128xi32, #tpu.memory_space<vmem>>
      %dma_start3A_165 = arith.constant 0 : i32
      %dma_start3A_166 = tpu.memref_slice %arg4[%dma_start3A_165] : memref<1441792xf32, #tpu.memory_space<vmem_shared>> -> memref<1441792xf32, #tpu.memory_space<vmem_shared>>
      tpu.enqueue_indirect_dma source(%arg8 : memref<128xf32, #tpu.memory_space<vmem>>) target(%dma_start3A_166 : memref<1441792xf32, #tpu.memory_space<vmem_shared>>) offsets(%dma_start3A_164 : memref<128xi32, #tpu.memory_space<vmem>>) semaphore(%run_scoped3A_162 : memref<!tpu.dma_semaphore, #tpu.memory_space<semaphore_mem>>) {add = true}
      %dma_wait3A = arith.constant 0 : i32
      %dma_wait3A_167 = tpu.memref_slice %arg7[%run_scoped3A_156, %dma_wait3A] : memref<64x128xi32, #tpu.memory_space<vmem>> -> memref<1x128xi32, #tpu.memory_space<vmem>>
      %dma_wait3A_168 = tpu.memref_squeeze %dma_wait3A_167 : memref<1x128xi32, #tpu.memory_space<vmem>> -> memref<128xi32, #tpu.memory_space<vmem>>
      %dma_wait3A_169 = arith.constant 0 : i32
      %dma_wait3A_170 = tpu.memref_slice %arg4[%dma_wait3A_169] : memref<1441792xf32, #tpu.memory_space<vmem_shared>> -> memref<1441792xf32, #tpu.memory_space<vmem_shared>>
      tpu.wait_indirect_dma semaphore(%run_scoped3A_162 : memref<!tpu.dma_semaphore, #tpu.memory_space<semaphore_mem>>) src(%arg8 : memref<128xf32, #tpu.memory_space<vmem>>) dst(%dma_wait3A_170 : memref<1441792xf32, #tpu.memory_space<vmem_shared>>)
      tpu.yield
    }) : () -> ()
    %barrier3A_157 = arith.constant 0 : index
    tpu.barrier barrier_id(%barrier3A_157)
    %mul3A_158 = arith.constant 90112 : i32
    %mul3A_159 = arith.muli %arg1, %mul3A_158 : i32
    %mul3A_160 = arith.constant 90112 : i32
    %mul3A_161 = arith.muli %arg1, %mul3A_160 : i32
    "tpu.region"() ({
      %run_scoped3A_162 = tpu.sem_alloc : memref<!tpu.dma_semaphore, #tpu.memory_space<semaphore_mem>>
      %dma_start3A = tpu.memref_slice %arg3[%arg0, %mul3A_161] : memref<2x1441792xf32, #tpu.memory_space<hbm>> -> memref<1x90112xf32, #tpu.memory_space<hbm>>
      %dma_start3A_163 = tpu.memref_squeeze %dma_start3A : memref<1x90112xf32, #tpu.memory_space<hbm>> -> memref<90112xf32, #tpu.memory_space<hbm>>
      %dma_start3A_164 = tpu.memref_slice %arg4[%mul3A_159] : memref<1441792xf32, #tpu.memory_space<vmem_shared>> -> memref<90112xf32, #tpu.memory_space<vmem_shared>>
      tpu.enqueue_dma source(%dma_start3A_164 : memref<90112xf32, #tpu.memory_space<vmem_shared>>) target(%dma_start3A_163 : memref<90112xf32, #tpu.memory_space<hbm>>) target_semaphore(%run_scoped3A_162 : memref<!tpu.dma_semaphore, #tpu.memory_space<semaphore_mem>>)
      %dma_wait3A = tpu.memref_slice %arg3[%arg0, %mul3A_161] : memref<2x1441792xf32, #tpu.memory_space<hbm>> -> memref<1x90112xf32, #tpu.memory_space<hbm>>
      %dma_wait3A_165 = tpu.memref_squeeze %dma_wait3A : memref<1x90112xf32, #tpu.memory_space<hbm>> -> memref<90112xf32, #tpu.memory_space<hbm>>
      %dma_wait3A_166 = tpu.memref_slice %arg4[%mul3A_159] : memref<1441792xf32, #tpu.memory_space<vmem_shared>> -> memref<90112xf32, #tpu.memory_space<vmem_shared>>
      tpu.wait_dma2 semaphore(%run_scoped3A_162 : memref<!tpu.dma_semaphore, #tpu.memory_space<semaphore_mem>>) src(%dma_wait3A_166 : memref<90112xf32, #tpu.memory_space<vmem_shared>>) dst(%dma_wait3A_165 : memref<90112xf32, #tpu.memory_space<hbm>>)
      tpu.yield
    }) : () -> ()
    return
  }
}

module attributes {stable_mosaic.version = 14 : i64} {
  func.func @_tc_body(%arg0: memref<1195x1195xf32, #tpu.memory_space<vmem>>, %arg1: memref<1195x1195xf32, #tpu.memory_space<vmem>>, %arg2: memref<1195x64xf32, #tpu.memory_space<vmem>>, %arg3: memref<64x64xf32, #tpu.memory_space<vmem>>, %arg4: memref<1x64xf32, #tpu.memory_space<vmem>>, %arg5: memref<64x64xf32, #tpu.memory_space<vmem>>, %arg6: memref<1x64xf32, #tpu.memory_space<vmem>>, %arg7: memref<390x64xf32, #tpu.memory_space<vmem>>, %arg8: memref<805x64xf32, #tpu.memory_space<vmem>>) attributes {dimension_semantics = [], scalar_prefetch = 0 : i64, scratch_operands = 0 : i64, tpu.core_type = #tpu.core_type<tc>} {
    %get3A = arith.constant 0 : index
    %get3A_0 = arith.constant 0 : index
    %get3A_1 = vector.load %arg0[%get3A, %get3A_0] : memref<1195x1195xf32, #tpu.memory_space<vmem>>, vector<1195x1195xf32>
    %get3A_2 = arith.constant 0 : index
    %get3A_3 = arith.constant 0 : index
    %get3A_4 = vector.load %arg1[%get3A_2, %get3A_3] : memref<1195x1195xf32, #tpu.memory_space<vmem>>, vector<1195x1195xf32>
    %add3A = arith.addf %get3A_1, %get3A_4 : vector<1195x1195xf32>
    %reduce_sum3A = arith.constant dense<0.000000e+00> : vector<1195xf32>
    %reduce_sum3A_5 = vector.multi_reduction <add>, %add3A, %reduce_sum3A [1] : vector<1195x1195xf32> to vector<1195xf32>
    %broadcast_in_dim3A = vector.shape_cast %reduce_sum3A_5 : vector<1195xf32> to vector<1195x1xf32>
    %max3A = arith.constant 1.000000e+00 : f32
    %max3A_6 = vector.broadcast %max3A : f32 to vector<1195x1xf32>
    %max3A_7 = arith.maximumf %broadcast_in_dim3A, %max3A_6 : vector<1195x1xf32>
    %div3A = arith.constant 1.000000e+00 : f32
    %div3A_8 = vector.broadcast %div3A : f32 to vector<1195x1xf32>
    %div3A_9 = arith.divf %div3A_8, %max3A_7 : vector<1195x1xf32>
    %get3A_10 = arith.constant 0 : index
    %get3A_11 = arith.constant 0 : index
    %get3A_12 = vector.load %arg2[%get3A_10, %get3A_11] : memref<1195x64xf32, #tpu.memory_space<vmem>>, vector<1195x64xf32>
    %get3A_13 = arith.constant 0 : index
    %get3A_14 = arith.constant 0 : index
    %get3A_15 = vector.load %arg3[%get3A_13, %get3A_14] : memref<64x64xf32, #tpu.memory_space<vmem>>, vector<64x64xf32>
    %dot_general3A = arith.constant dense<0.000000e+00> : vector<1195x64xf32>
    %dot_general3A_16 = tpu.matmul %get3A_12, %get3A_15, %dot_general3A {dimension_numbers = #tpu.dot_dimension_numbers<[1], [1], [0], [0], [0, 0, 1, 0], [], []>, transpose_lhs_hint = false} : vector<1195x64xf32>, vector<64x64xf32>, vector<1195x64xf32> -> vector<1195x64xf32>
    %dot_general3A_17 = arith.constant dense<0.000000e+00> : vector<1195x64xf32>
    %dot_general3A_18 = tpu.matmul %add3A, %dot_general3A_16, %dot_general3A_17 {dimension_numbers = #tpu.dot_dimension_numbers<[1], [0], [0], [1], [0, 0, 1, 1], [], []>, precision = #tpu.contract_precision<fp32>, transpose_lhs_hint = false} : vector<1195x1195xf32>, vector<1195x64xf32>, vector<1195x64xf32> -> vector<1195x64xf32>
    %get3A_19 = arith.constant 0 : index
    %get3A_20 = arith.constant 0 : index
    %get3A_21 = vector.load %arg4[%get3A_19, %get3A_20] : memref<1x64xf32, #tpu.memory_space<vmem>>, vector<1x64xf32>
    %mul3A = vector.broadcast %broadcast_in_dim3A : vector<1195x1xf32> to vector<1195x64xf32>
    %mul3A_22 = vector.broadcast %get3A_21 : vector<1x64xf32> to vector<1195x64xf32>
    %mul3A_23 = arith.mulf %mul3A, %mul3A_22 : vector<1195x64xf32>
    %add3A_24 = arith.addf %dot_general3A_18, %mul3A_23 : vector<1195x64xf32>
    %mul3A_25 = vector.broadcast %div3A_9 : vector<1195x1xf32> to vector<1195x64xf32>
    %mul3A_26 = arith.mulf %add3A_24, %mul3A_25 : vector<1195x64xf32>
    %tanh3A = math.tanh %mul3A_26 : vector<1195x64xf32>
    %get3A_27 = arith.constant 0 : index
    %get3A_28 = arith.constant 0 : index
    %get3A_29 = vector.load %arg5[%get3A_27, %get3A_28] : memref<64x64xf32, #tpu.memory_space<vmem>>, vector<64x64xf32>
    %dot_general3A_30 = arith.constant dense<0.000000e+00> : vector<1195x64xf32>
    %dot_general3A_31 = tpu.matmul %tanh3A, %get3A_29, %dot_general3A_30 {dimension_numbers = #tpu.dot_dimension_numbers<[1], [1], [0], [0], [0, 0, 1, 0], [], []>, transpose_lhs_hint = false} : vector<1195x64xf32>, vector<64x64xf32>, vector<1195x64xf32> -> vector<1195x64xf32>
    %dot_general3A_32 = arith.constant dense<0.000000e+00> : vector<1195x64xf32>
    %dot_general3A_33 = tpu.matmul %add3A, %dot_general3A_31, %dot_general3A_32 {dimension_numbers = #tpu.dot_dimension_numbers<[1], [0], [0], [1], [0, 0, 1, 1], [], []>, precision = #tpu.contract_precision<fp32>, transpose_lhs_hint = false} : vector<1195x1195xf32>, vector<1195x64xf32>, vector<1195x64xf32> -> vector<1195x64xf32>
    %get3A_34 = arith.constant 0 : index
    %get3A_35 = arith.constant 0 : index
    %get3A_36 = vector.load %arg6[%get3A_34, %get3A_35] : memref<1x64xf32, #tpu.memory_space<vmem>>, vector<1x64xf32>
    %mul3A_37 = vector.broadcast %broadcast_in_dim3A : vector<1195x1xf32> to vector<1195x64xf32>
    %mul3A_38 = vector.broadcast %get3A_36 : vector<1x64xf32> to vector<1195x64xf32>
    %mul3A_39 = arith.mulf %mul3A_37, %mul3A_38 : vector<1195x64xf32>
    %add3A_40 = arith.addf %dot_general3A_33, %mul3A_39 : vector<1195x64xf32>
    %mul3A_41 = vector.broadcast %div3A_9 : vector<1195x1xf32> to vector<1195x64xf32>
    %mul3A_42 = arith.mulf %add3A_40, %mul3A_41 : vector<1195x64xf32>
    %tanh3A_43 = math.tanh %mul3A_42 : vector<1195x64xf32>
    %slice3A = vector.extract_strided_slice %tanh3A_43 {offsets = [0, 0], sizes = [805, 64], strides = [1, 1]} : vector<1195x64xf32> to vector<805x64xf32>
    %slice3A_44 = vector.extract_strided_slice %tanh3A_43 {offsets = [805, 0], sizes = [390, 64], strides = [1, 1]} : vector<1195x64xf32> to vector<390x64xf32>
    %mul3A_45 = arith.mulf %slice3A_44, %slice3A_44 : vector<390x64xf32>
    %reduce_sum3A_46 = arith.constant dense<0.000000e+00> : vector<390xf32>
    %reduce_sum3A_47 = vector.multi_reduction <add>, %mul3A_45, %reduce_sum3A_46 [1] : vector<390x64xf32> to vector<390xf32>
    %broadcast_in_dim3A_48 = vector.shape_cast %reduce_sum3A_47 : vector<390xf32> to vector<390x1xf32>
    %sqrt3A = math.sqrt %broadcast_in_dim3A_48 : vector<390x1xf32>
    %max3A_49 = arith.constant 9.99999996E-13 : f32
    %max3A_50 = vector.broadcast %max3A_49 : f32 to vector<390x1xf32>
    %max3A_51 = arith.maximumf %sqrt3A, %max3A_50 : vector<390x1xf32>
    %div3A_52 = vector.broadcast %max3A_51 : vector<390x1xf32> to vector<390x64xf32>
    %div3A_53 = arith.divf %slice3A_44, %div3A_52 : vector<390x64xf32>
    %swap3A = arith.constant 0 : index
    %swap3A_54 = arith.constant 0 : index
    %swap3A_55 = vector.load %arg7[%swap3A, %swap3A_54] : memref<390x64xf32, #tpu.memory_space<vmem>>, vector<390x64xf32>
    tpu.vector_store %arg7[%swap3A, %swap3A_54], %div3A_53 {strides = array<i32>} : memref<390x64xf32, #tpu.memory_space<vmem>>, vector<390x64xf32>,
    %mul3A_56 = arith.mulf %slice3A, %slice3A : vector<805x64xf32>
    %reduce_sum3A_57 = arith.constant dense<0.000000e+00> : vector<805xf32>
    %reduce_sum3A_58 = vector.multi_reduction <add>, %mul3A_56, %reduce_sum3A_57 [1] : vector<805x64xf32> to vector<805xf32>
    %broadcast_in_dim3A_59 = vector.shape_cast %reduce_sum3A_58 : vector<805xf32> to vector<805x1xf32>
    %sqrt3A_60 = math.sqrt %broadcast_in_dim3A_59 : vector<805x1xf32>
    %max3A_61 = arith.constant 9.99999996E-13 : f32
    %max3A_62 = vector.broadcast %max3A_61 : f32 to vector<805x1xf32>
    %max3A_63 = arith.maximumf %sqrt3A_60, %max3A_62 : vector<805x1xf32>
    %div3A_64 = vector.broadcast %max3A_63 : vector<805x1xf32> to vector<805x64xf32>
    %div3A_65 = arith.divf %slice3A, %div3A_64 : vector<805x64xf32>
    %swap3A_66 = arith.constant 0 : index
    %swap3A_67 = arith.constant 0 : index
    %swap3A_68 = vector.load %arg8[%swap3A_66, %swap3A_67] : memref<805x64xf32, #tpu.memory_space<vmem>>, vector<805x64xf32>
    tpu.vector_store %arg8[%swap3A_66, %swap3A_67], %div3A_65 {strides = array<i32>} : memref<805x64xf32, #tpu.memory_space<vmem>>, vector<805x64xf32>,
    return
  }
}

module attributes {stable_mosaic.version = 14 : i64} {
  func.func @_tc_final_body(%arg0: memref<1024x64xf32, #tpu.memory_space<vmem>>, %arg1: memref<805x64xf32, #tpu.memory_space<vmem>>, %arg2: memref<1024x805xf32, #tpu.memory_space<vmem>>) attributes {dimension_semantics = [], scalar_prefetch = 0 : i64, scratch_operands = 0 : i64, tpu.core_type = #tpu.core_type<tc>} {
    %get3A = arith.constant 0 : index
    %get3A_0 = arith.constant 0 : index
    %get3A_1 = vector.load %arg0[%get3A, %get3A_0] : memref<1024x64xf32, #tpu.memory_space<vmem>>, vector<1024x64xf32>
    %get3A_2 = arith.constant 0 : index
    %get3A_3 = arith.constant 0 : index
    %get3A_4 = vector.load %arg1[%get3A_2, %get3A_3] : memref<805x64xf32, #tpu.memory_space<vmem>>, vector<805x64xf32>
    %dot_general3A = arith.constant dense<0.000000e+00> : vector<1024x805xf32>
    %dot_general3A_5 = tpu.matmul %get3A_1, %get3A_4, %dot_general3A {dimension_numbers = #tpu.dot_dimension_numbers<[1], [1], [0], [0], [0, 0, 1, 0], [], []>, transpose_lhs_hint = false} : vector<1024x64xf32>, vector<805x64xf32>, vector<1024x805xf32> -> vector<1024x805xf32>
    %swap3A = arith.constant 0 : index
    %swap3A_6 = arith.constant 0 : index
    %swap3A_7 = vector.load %arg2[%swap3A, %swap3A_6] : memref<1024x805xf32, #tpu.memory_space<vmem>>, vector<1024x805xf32>
    tpu.vector_store %arg2[%swap3A, %swap3A_6], %dot_general3A_5 {strides = array<i32>} : memref<1024x805xf32, #tpu.memory_space<vmem>>, vector<1024x805xf32>,
    return
  }
}

</mosaic_0001>

<sc_bundles>
// kernel: kernel.5.cloned.1.call-start
scs
__scs_entry_jumppad:
0x0: {  	(pc) =	sbr.rel $0x88, $3  }
0x1: {  	(tag) =	ssettag $0x0;
	lr =	simm.s32 $0x1  }
0x2: {  	[smem:$0x3F96] =	sst lr;
	_ =	strace $0xD0000000  }
0x3: {  	_ = 	snop  }
0x4: {  	_ = 	snop  }
0x5: {  	_ = 	snop  }
0x6: {  	_ = 	snop  }
0x7: {  	_ = 	snop  }
__scs_overlays_trampoline_lowered:
0x8: {  	[smem:$0x3FA5] =	sst s0  }
0x9: {  	[smem:$0x3FA6] =	sst s1  }
0xa: {  	[smem:$0x3FA7] =	sst s2  }
0xb: {  	[smem:$0x3FA8] =	sst s3  }
0xc: {  	[smem:$0x3FA9] =	sst s4  }
0xd: {  	[smem:$0x3FAA] =	sst s5  }
0xe: {  	[smem:$0x3FAB] =	sst s6  }
0xf: {  	[smem:$0x3FAC] =	sst s7  }
0x10: {  	[smem:$0x3FAD] =	sst s8  }
0x11: {  	[smem:$0x3FAE] =	sst s9;
	s0 =	simm.s32 @!p0 $0x0  }
0x12: {  	s1 =	sld [smem:$0x3F94];
	s0 =	simm.s32 @p0 $0x1  }
0x13: {  	[smem:$0x3FAF] =	sst s0;
	s0 =	simm.s32 @!p1 $0x0  }
0x14: {  	s2 =	sld [smem:$0x3F93];
	s0 =	simm.s32 @p1 $0x1  }
0x15: {  	[smem:$0x3FB0] =	sst s0;
	s0 =	simm.s32 @!p2 $0x0  }
0x16: {  	s3 =	sld [smem:$0x3FDB];
	s0 =	simm.s32 @p2 $0x1  }
0x17: {  	s4 =	simm.s32 $0x1BF5;
	[smem:$0x3FB2] =	sst s0  }
0x18: {  	s0 =	sld [smem:$0x3F95];
	_ =	swait.ge [sflag:s4], $0x0  }
0x19: {  	s7 =	sld [smem:$0x3F96]  }
0x1a: {  	s8 =	sadd.s32 $0xFFFFE003, lr  }
0x1b: {  	s9 =	sadd.s32 $0xFFFFFEF7, lr;
	s5 =	simm.s32 $0xFFFFFFFF;
	p2 =	slt.u32 s8, $0xFFFFF086  }
0x1c: {  	p1 =	slt.u32 s9, $0xF7A;
	s5 =	simm.s32 @!p2 $0x0  }
0x1d: {  	s5 =	simm.s32 @p1 $0x1;
	p0 =	seq.s32 s7, s2  }
0x1e: {  	s7 =	smul.u32 @!p0 $0xF7A, s2;
	p2 =	seq.s32 @!p0 s5, $0x0  }
0x1f: {  	s9 =	smul.u32 $0xF7A, s1;
	s8 =	simm.s32 @!p0 $0x1BF5;
	p2 =	por !p2, p0  }
0x20: {  	[sflag:s8] =	ssyncset.s32 @!p0 $0xFFFFF086;
	s6 =	sadd.s32 @!p0 s3, s7;
	s7 =	simm.s32 @!p0 $0x108  }
0x21: {  	s3 =	sadd.s32 s3, s9;
	s6 =	sadd.s32 @!p0 $0x88, s6;
	s7 =	simm.s32 @p2 $0x1082  }
0x22: {  	[simem:s7], [sflag:s8] =	dma.local @!p0 [hbm:s6], $0xF7A  }
0x23: {  	s9 =	sor.u32 $0xD0000000, s2;
	s6 =	simm.s32 $0x108;
	_ =	swait.ge @!p0 [sflag:s8], $0x0  }
0x24: {  	s3 =	sadd.s32 $0x88, s3;
	s6 =	simm.s32 @!p1 $0x1082;
	[sflag:s4] =	ssyncset.s32 $0xFFFFF086  }
0x25: {  	[simem:s6], [sflag:s4] =	dma.local [hbm:s3], $0xF7A  }
0x26: {  	[smem:$0x3F96] =	sst s1;
	(tag) =	ssettag s2;
	_ =	strace s9  }
0x27: {  	s1 =	sld [smem:$0x3FA6]  }
0x28: {  	s2 =	sld [smem:$0x3FA7]  }
0x29: {  	s4 =	sld [smem:$0x3FA9]  }
0x2a: {  	p0 =	seq.s32 s5, $0x0;
	s5 =	sld [smem:$0x3FAA]  }
0x2b: {  	s6 =	sld [smem:$0x3FAB]  }
0x2c: {  	s7 =	sld [smem:$0x3FAC]  }
0x2d: {  	s3 =	simm.s32 $0x108;
	s8 =	sld [smem:$0x3FAD]  }
0x2e: {  	s3 =	simm.s32 @!p0 $0x1082;
	s9 =	sld [smem:$0x3FAE]  }
0x2f: {  	lr =	sadd.s32 s0, s3;
	s0 =	sld [smem:$0x3FA5]  }
0x30: {  	s3 =	sld [smem:$0x3FA8]  }
0x31: {  	[smem:$0x3FB1] =	sst s10  }
0x32: {  	s10 =	sld [smem:$0x3FAF];
	_ =	sdelay $0x3  }
0x33: {  	p0 =	seq.s32 s10, $0x1;
	s10 =	sld [smem:$0x3FB1];
	_ =	sdelay $0x3  }
0x34: {  	[smem:$0x3FB1] =	sst s10  }
0x35: {  	s10 =	sld [smem:$0x3FB0];
	_ =	sdelay $0x3  }
0x36: {  	p1 =	seq.s32 s10, $0x1;
	s10 =	sld [smem:$0x3FB1];
	_ =	sdelay $0x3  }
0x37: {  	[smem:$0x3FB1] =	sst s10  }
0x38: {  	s10 =	sld [smem:$0x3FB2]  }
0x39: {  	_ = 	snop;
	(pc) =	sbr.ind lr, $3  }
0x3a: {  	_ = 	snop  }
0x3b: {  	_ = 	snop  }
0x3c: {  	p2 =	seq.s32 s10, $0x1;
	s10 =	sld [smem:$0x3FB1]  }
0x3d: {  	_ =	shalt  }
0x3e: {  	_ =	shalt  }
0x3f: {  	_ =	shalt  }
0x40: {  	_ =	shalt  }
0x41: {  	_ =	shalt  }
0x42: {  	_ =	shalt  }
0x43: {  	_ =	shalt  }
0x44: {  	_ =	shalt  }
0x45: {  	_ =	shalt  }
0x46: {  	_ =	shalt  }
0x47: {  	_ =	shalt  }
0x48: {  	_ =	shalt  }
0x49: {  	_ =	shalt  }
0x4a: {  	_ =	shalt  }
0x4b: {  	_ =	shalt  }
0x4c: {  	_ =	shalt  }
0x4d: {  	_ =	shalt  }
0x4e: {  	_ =	shalt  }
0x4f: {  	_ =	shalt  }
0x50: {  	_ =	shalt  }
0x51: {  	_ =	shalt  }
0x52: {  	_ =	shalt  }
0x53: {  	_ =	shalt  }
0x54: {  	_ =	shalt  }
0x55: {  	_ =	shalt  }
0x56: {  	_ =	shalt  }
0x57: {  	_ =	shalt  }
0x58: {  	_ =	shalt  }
0x59: {  	_ =	shalt  }
0x5a: {  	_ =	shalt  }
0x5b: {  	_ =	shalt  }
0x5c: {  	_ =	shalt  }
0x5d: {  	_ =	shalt  }
0x5e: {  	_ =	shalt  }
0x5f: {  	_ =	shalt  }
0x60: {  	_ =	shalt  }
0x61: {  	_ =	shalt  }
0x62: {  	_ =	shalt  }
0x63: {  	_ =	shalt  }
0x64: {  	_ =	shalt  }
0x65: {  	_ =	shalt  }
0x66: {  	_ =	shalt  }
0x67: {  	_ =	shalt  }
0x68: {  	_ =	shalt  }
0x69: {  	_ =	shalt  }
0x6a: {  	_ =	shalt  }
0x6b: {  	_ =	shalt  }
0x6c: {  	_ =	shalt  }
0x6d: {  	_ =	shalt  }
0x6e: {  	_ =	shalt  }
0x6f: {  	_ =	shalt  }
0x70: {  	_ =	shalt  }
0x71: {  	_ =	shalt  }
0x72: {  	_ =	shalt  }
0x73: {  	_ =	shalt  }
0x74: {  	_ =	shalt  }
0x75: {  	_ =	shalt  }
0x76: {  	_ =	shalt  }
0x77: {  	_ =	shalt  }
0x78: {  	_ =	shalt  }
0x79: {  	_ =	shalt  }
0x7a: {  	_ =	shalt  }
0x7b: {  	_ =	shalt  }
0x7c: {  	_ =	shalt  }
0x7d: {  	_ =	shalt  }
0x7e: {  	_ =	shalt  }
0x7f: {  	_ =	shalt  }
0x80: {  	_ =	shalt  }
0x81: {  	_ =	shalt  }
0x82: {  	_ =	shalt  }
0x83: {  	_ =	shalt  }
0x84: {  	_ =	shalt  }
0x85: {  	_ =	shalt  }
0x86: {  	_ =	shalt  }
0x87: {  	_ =	shalt  }
.Lfunc_end0:
.L_simem_size_0:
called_computation_lowered:
.L_overlay_start_0:
0x88: {  	s2 =	sld [smem:$0x3FD9]  }
0x89: {  	s3 =	sld [smem:$0x3FFE];
	_ =	sdelay $0x1  }
0x8a: {  	s1 =	srdreg.scid  }
0x8b: {  	s0 =	sand.u32 $0x1, s1  }
0x8c: {  	s17 =	sshll.u32 s0, $0xA;
	s2 =	sadd.s32 s3, s2  }
0x8d: {  	s2 =	sadd.s32 s2, s17  }
0x8e: {  	[smem:$0x3FBD] =	sst s2  }
0x8f: {  	_ = 	snop  }
0x90: {  	s2 =	sld [smem:$0x3FC9];
	(tm) =	ssettm $0x1  }
0x91: {  	s18 =	sld [smem:$0x3FFB];
	_ =	sdelay $0x3  }
0x92: {  	_ =	strace s18  }
0x93: {  	s3 =	sld [smem:$0x3FFC];
	_ =	sdelay $0x3  }
0x94: {  	_ =	strace s3  }
0x95: {  	s3 =	sld [smem:$0x3FFD];
	_ =	sdelay $0x3  }
0x96: {  	_ =	strace s3  }
0x97: {  	_ =	strace $0x8FFFFFFF  }
0x98: {  	s19 =	sld [smem:$0x3FDB];
	_ =	sdelay $0x1  }
0x99: {  	s4 =	simm.s32 $_scs_section_size  }
0x9a: {  	s5 =	simm.s32 $_size__tile_overlayer_lowered;
	s6 =	simm.s32 $_tile_overlayer_lowered  }
0x9b: {  	s22 =	simm.s32 $0x1BFF;
	s21 =	sshll.u32 s6, $0x1;
	s3 =	sadd.s32 s4, s19  }
0x9c: {  	s7 =	simm.s32 $0x0;
	s20 =	sshll.u32 s5, $0x1;
	s5 =	sadd.s32 s21, s3  }
0x9d: {  	[timem:s7], [sflag:s22] =	dma.local [hbm:s5], s20  }
0x9e: {  	_ =	swait.ge [sflag:s22], s20  }
0x9f: {  	s4 =	ssub.s32 $0x0, s20;
	[sflag:s22] =	ssyncset.done $0x0  }
0xa0: {  	[sflag:s22] =	ssyncadd.s32 s4;
	_ =	sdelay $0x1  }
0xa1: {  	s23 =	simm.s32 $0x1B8B  }
0xa2: {  	_ =	swait.ge [sflag:s23], $0x1  }
0xa3: {  	[sflag:s23] =	ssyncset.done $0x0  }
0xa4: {  	s25 =	simm.s32 $0x1B8E;
	s24 =	sld [smem:$0x3FFE];
	[sflag:s23] =	ssyncadd.s32 $0xFFFFFFFF  }
0xa5: {  	s26 =	simm.s32 $execute0_lowered;
	[smem:$0x3FD2] =	sst s25  }
0xa6: {  	s5 =	sshll.u32 s26, $0x1;
	_ =	strace $0x80000046;
	[dreg:$0x1] =	wrdreg $0xFFFFFFFF  }
0xa7: {  	s28 =	simm.s32 $_size_execute0_lowered;
	s3 =	sadd.s32 s3, s5;
	[dreg:$0x0] =	wrdreg $0x0  }
0xa8: {  	s5 =	sshll.u32 s28, $0x1;
	[dreg:$0x2] =	wrdreg s3  }
0xa9: {  	[dreg:$0x3] =	wrdreg s5  }
0xaa: {  	[dreg:$0x4] =	wrdreg $0xC0  }
0xab: {  	_ =	task [dreg:s7], $0x5FFFF  }
0xac: {  	[dreg:$0x1] =	wrdreg $0xFFFFFFFF  }
0xad: {  	[dreg:$0x0] =	wrdreg $0x60  }
0xae: {  	[dreg:$0x2] =	wrdreg s2  }
0xaf: {  	[dreg:$0x3] =	wrdreg s24  }
0xb0: {  	[dreg:$0x4] =	wrdreg $0x0  }
0xb1: {  	[dreg:$0x5] =	wrdreg $0x9  }
0xb2: {  	_ =	task.clear_ibuf [dreg:s7], $0x6FFFF;
	_ =	strace $0x90000046  }
0xb3: {  	s29 =	simm.s32 $0x9;
	_ =	strace $0x80000048  }
0xb4: {  	_ =	swait.ge [sflag:s29], $0x1  }
0xb5: {  	[sflag:s29] =	ssyncadd.s32 $0xFFFFFFFF  }
0xb6: {  	_ =	strace $0x90000048  }
0xb7: {  	_ =	sfence  }
0xb8: {  	s30 =	sld [smem:$0x0];
	_ =	sdelay $0x2  }
0xb9: {  	s31 =	sshll.u32 s1, $0xD;
	s1 =	sshrl.u32 s1, $0x2  }
0xba: {  	s3 =	sand.u32 $0x4000, s31;
	s1 =	sadd.s32 s1, s30  }
0xbb: {  	s0 =	sor.u32 s3, s0;
	s1 =	sshll.u32 s1, $0x11  }
0xbc: {  	s0 =	sor.u32 s1, s0  }
0xbd: {  	s0 =	sadd.s32 $0x8F2B, s0  }
0xbe: {  	[sflag:s0] =	ssyncadd.remote.s32 $0x1  }
0xbf: {  	_ =	sfence.sel $0xFFFF  }
0xc0: {  	[dreg:$0x0] =	wrdreg $0xFFFFFFFF;
	(pc) =	sbr.abs _section_cstart, $3  }
0xc1: {  	[dreg:$0x1] =	wrdreg $0xFFFFFFFF  }
0xc2: {  	_ =	task.clear_ibuf [dreg:s7], $0x2FFFF;
	_ =	strace $0x9FFFFFFF  }
0xc3: {  	(tm) =	ssettm $0x7FFFFFFF  }
tec
execute0_lowered:
.L_overlay_start_1:
0x0: {  	(tag) =	ssettag $0x1  }
0x1: {  	s0 =	rddreg [dreg:$0x0]  }
0x2: {  	s1 =	rddreg [dreg:$0x1]  }
0x3: {  	s3 =	srdreg.scid;
	s8 =	stileid.u32  }
0x4: {  	s2 =	rddreg [dreg:$0x2];
	s19 =	simm.s32 $0x1C080;
	s20 =	simm.s32 $0x1  }
0x5: {  	s21 =	simm.s32 $0x80;
	s22 =	simm.s32 $0x100;
	s28 =	simm.s32 $0x1BF00  }
0x6: {  	s29 =	simm.s32 $0x1BF80;
	s30 =	simm.s32 $0x20;
	s31 =	simm.s32 $0x10  }
0x7: {  	s4 =	sand.u32 $0x1, s3;
	s5 =	smul.u32 $0x2C000, s8;
	s3 =	simm.s32 $0x0  }
0x8: {  	s7 =	smul.u32 $0x58000, s8;
	s8 =	sshll.u32 s8, $0xC;
	s6 =	sshll.u32 s4, $0x7  }
0x9: {  	[smem:$0x7FF] =	sst s3;
	s25 =	ssub.s32 $0x2, s4;
	s4 =	sshll.u32 s4, $0xB  }
0xa: {  	s5 =	sor.u32 s6, s5;
	_ =	strace $0x80000047;
	s26 =	sshrl.u32 s25, $0x1  }
0xb: {  	s7 =	sshrl.u32 s7, $0x2;
	s13 =	sor.u32 s4, s8;
	s5 =	sshrl.u32 s5, $0x3  }
0xc: {  	s18 =	ssub.s32 s25, s26;
	s4 =	sadd.s32 s7, s2;
	s13 =	sadd.s32 s0, s13  }
0xd: {  	s26 =	simm.s32 $0x1C000;
	s1 =	sadd.s32 s5, s1;
	s5 =	sadd.s32 $0x2000, s4  }
0xe: {  	s6 =	sadd.s32 $0x4000, s4;
	s7 =	sadd.s32 $0x6000, s4;
	s8 =	sadd.s32 $0x8000, s4  }
0xf: {  	s9 =	sadd.s32 $0xA000, s4;
	s10 =	sadd.s32 $0xC000, s4;
	s11 =	sadd.s32 $0xE000, s4  }
0x10: {  	s12 =	sadd.s32 $0x10000, s4;
	s14 =	sadd.s32 $0x12000, s4;
	s15 =	sadd.s32 $0x14000, s4  }
0x11: {  	v0 =	vimm.f32 $0.0e+00;
	v1 =	vimm.f32 $1.000000000e+00;
	s16 =	sadd.s32 $0x10, s13;
	s18 =	smax.u32 s18, $0x1;
	s17 =	sadd.s32 $0x200, s1  }
.LBB2_1:
0x12: {  	s0 =	simm.s32 $0x40;
	s1 =	simm.s32 $0x0  }
.LBB2_2:
0x13: {  	p0 =	sne.s32 s0, $0x7FC0;
	[tilespmem:s1+$0x1C080] =	vst v0;
	s1 =	smov.u32 s0;
	s0 =	sadd.s32 $0x40, s0  }
.Ltmp0:
0x14: {  	(pc) =	sbr.rel @p0 .LBB2_2-.Ltmp0, $2  }
0x15: {  	_ =	sdelay $0x2  }
0x16: {  	s1 =	sshra.s32 s1, $0x2  }
0x17: {  	[tilespmem:s1+$0x1C080] =	vst v0  }
0x18: {  	[tilespmem:$0x1C000] =	vst v1  }
0x19: {  	[tilespmem:$0x1C010] =	vst v1  }
0x1a: {  	[tilespmem:$0x1C020] =	vst v1  }
0x1b: {  	[tilespmem:$0x1C030] =	vst v1  }
0x1c: {  	[tilespmem:$0x1C040] =	vst v1  }
0x1d: {  	[tilespmem:$0x1C050] =	vst v1  }
0x1e: {  	[tilespmem:$0x1C060] =	vst v1  }
0x1f: {  	[tilespmem:$0x1C070] =	vst v1  }
0x20: {  	[spmem:s4] =	stream.linear.scatter [tilespmem:s19], [sflag:$0x1], $0x2000, $0x38;
	[tilespmem:$0x1E080] =	vst v63  }
0x21: {  	_ =	swait.ge [sflag:s20], $0x2000  }
0x22: {  	[sflag:s20] =	ssyncset.done $0x0  }
0x23: {  	[sflag:s20] =	ssyncadd.s32 $0xFFFFE000  }
0x24: {  	[spmem:s5] =	stream.linear.scatter [tilespmem:s19], [sflag:$0x1], $0x2000, $0x38;
	[tilespmem:$0x1E080] =	vst v63  }
0x25: {  	_ =	swait.ge [sflag:s20], $0x2000  }
0x26: {  	[sflag:s20] =	ssyncset.done $0x0  }
0x27: {  	[sflag:s20] =	ssyncadd.s32 $0xFFFFE000  }
0x28: {  	[spmem:s6] =	stream.linear.scatter [tilespmem:s19], [sflag:$0x1], $0x2000, $0x38;
	[tilespmem:$0x1E080] =	vst v63  }
0x29: {  	_ =	swait.ge [sflag:s20], $0x2000  }
0x2a: {  	[sflag:s20] =	ssyncset.done $0x0  }
0x2b: {  	[sflag:s20] =	ssyncadd.s32 $0xFFFFE000  }
0x2c: {  	[spmem:s7] =	stream.linear.scatter [tilespmem:s19], [sflag:$0x1], $0x2000, $0x38;
	[tilespmem:$0x1E080] =	vst v63  }
0x2d: {  	_ =	swait.ge [sflag:s20], $0x2000  }
0x2e: {  	[sflag:s20] =	ssyncset.done $0x0  }
0x2f: {  	[sflag:s20] =	ssyncadd.s32 $0xFFFFE000  }
0x30: {  	[spmem:s8] =	stream.linear.scatter [tilespmem:s19], [sflag:$0x1], $0x2000, $0x38;
	[tilespmem:$0x1E080] =	vst v63  }
0x31: {  	_ =	swait.ge [sflag:s20], $0x2000  }
0x32: {  	[sflag:s20] =	ssyncset.done $0x0  }
0x33: {  	[sflag:s20] =	ssyncadd.s32 $0xFFFFE000  }
0x34: {  	[spmem:s9] =	stream.linear.scatter [tilespmem:s19], [sflag:$0x1], $0x2000, $0x38;
	[tilespmem:$0x1E080] =	vst v63  }
0x35: {  	_ =	swait.ge [sflag:s20], $0x2000  }
0x36: {  	[sflag:s20] =	ssyncset.done $0x0  }
0x37: {  	[sflag:s20] =	ssyncadd.s32 $0xFFFFE000  }
0x38: {  	[spmem:s10] =	stream.linear.scatter [tilespmem:s19], [sflag:$0x1], $0x2000, $0x38;
	[tilespmem:$0x1E080] =	vst v63  }
0x39: {  	_ =	swait.ge [sflag:s20], $0x2000  }
0x3a: {  	[sflag:s20] =	ssyncset.done $0x0  }
0x3b: {  	[sflag:s20] =	ssyncadd.s32 $0xFFFFE000  }
0x3c: {  	[spmem:s11] =	stream.linear.scatter [tilespmem:s19], [sflag:$0x1], $0x2000, $0x38;
	[tilespmem:$0x1E080] =	vst v63  }
0x3d: {  	_ =	swait.ge [sflag:s20], $0x2000  }
0x3e: {  	[sflag:s20] =	ssyncset.done $0x0  }
0x3f: {  	[sflag:s20] =	ssyncadd.s32 $0xFFFFE000  }
0x40: {  	[spmem:s12] =	stream.linear.scatter [tilespmem:s19], [sflag:$0x1], $0x2000, $0x38;
	[tilespmem:$0x1E080] =	vst v63  }
0x41: {  	_ =	swait.ge [sflag:s20], $0x2000  }
0x42: {  	[sflag:s20] =	ssyncset.done $0x0  }
0x43: {  	[sflag:s20] =	ssyncadd.s32 $0xFFFFE000  }
0x44: {  	[spmem:s14] =	stream.linear.scatter [tilespmem:s19], [sflag:$0x1], $0x2000, $0x38;
	[tilespmem:$0x1E080] =	vst v63  }
0x45: {  	_ =	swait.ge [sflag:s20], $0x2000  }
0x46: {  	[sflag:s20] =	ssyncset.done $0x0  }
0x47: {  	[sflag:s20] =	ssyncadd.s32 $0xFFFFE000  }
0x48: {  	[spmem:s15] =	stream.linear.scatter [tilespmem:s19], [sflag:$0x1], $0x2000, $0x38;
	[tilespmem:$0x1E080] =	vst v63  }
0x49: {  	_ =	swait.ge [sflag:s20], $0x2000  }
0x4a: {  	[sflag:s20] =	ssyncset.done $0x0  }
0x4b: {  	s0 =	simm.s32 $0x16000;
	[sflag:s20] =	ssyncadd.s32 $0xFFFFE000  }
0x4c: {  	[tilespmem:s0], [sflag:$0x1] =	stream.strided.gather [hbm4b:s13+s21], $0x2000, s22, s21, $0x38;
	[tilespmem:$0x1E080] =	vst v63  }
0x4d: {  	_ =	swait.ge [sflag:s20], $0x2000  }
0x4e: {  	[sflag:s20] =	ssyncset.done $0x0  }
0x4f: {  	s23 =	simm.s32 $0x18000;
	[sflag:s20] =	ssyncadd.s32 $0xFFFFE000  }
0x50: {  	[tilespmem:s23], [sflag:$0x1] =	stream.strided.gather [hbm4b:s16+s21], $0x2000, s22, s21, $0x38;
	[tilespmem:$0x1E080] =	vst v63  }
0x51: {  	_ =	swait.ge [sflag:s20], $0x2000  }
0x52: {  	[sflag:s20] =	ssyncset.done $0x0  }
0x53: {  	s24 =	simm.s32 $0x0;
	[sflag:s20] =	ssyncadd.s32 $0xFFFFE000  }
0x54: {  	v2 =	vld [tilespmem:s24+$0x18000];
	_ =	sdelay $0x1  }
0x55: {  	v3 =	vld [tilespmem:s24+$0x16000];
	_ =	sdelay $0x1  }
0x56: {  	s0 =	simm.s32 $0x0  }
0x57: {  	s25 =	sand.u32 $0x7E00, s0;
	v2 =	vmul.u32 $0x4AB, v2  }
0x58: {  	s1 =	sshrl.u32 s25, $0x2;
	s23 =	sand.u32 $0x70, s0  }
0x59: {  	s25 =	sor.u32 s23, s1;
	v2 =	vadd.s32 v3, v2  }
0x5a: {  	s1 =	simm.s32 $0x40;
	s23 =	simm.s32 $0x80;
	s24 =	simm.s32 $0x10;
	[tilespmem:s25+$0x1A000] =	vst v2  }
.LBB2_4:
0x5b: {  	p0 =	sne.s32 s23, $0x7FC0;
	v2 =	vld [tilespmem:s24+$0x18000];
	_ =	sdelay $0x1  }
0x5c: {  	v3 =	vld [tilespmem:s24+$0x16000];
	_ =	sdelay $0x1  }
.Ltmp1:
0x5d: {  	(pc) =	sbr.rel @p0 .LBB2_4-.Ltmp1, $4  }
0x5e: {  	s0 =	sadd.s32 $0x10, s0;
	s24 =	sand.u32 $0x7E00, s1;
	s1 =	smov.u32 s23;
	v2 =	vmul.u32 $0x4AB, v2  }
0x5f: {  	s25 =	sand.u32 $0x70, s0;
	s24 =	sshrl.u32 s24, $0x2  }
0x60: {  	s25 =	sor.u32 s25, s24;
	v2 =	vadd.s32 v3, v2  }
0x61: {  	s23 =	sadd.s32 $0x40, s23;
	s24 =	sshra.s32 s1, $0x2;
	[tilespmem:s25+$0x1A000] =	vst v2  }
0x62: {  	v2 =	vld [tilespmem:s24+$0x18000];
	_ =	sdelay $0x1  }
0x63: {  	v3 =	vld [tilespmem:s24+$0x16000];
	_ =	sdelay $0x2  }
0x64: {  	s1 =	sand.u32 $0x7E00, s1;
	s0 =	sadd.s32 $0x10, s0;
	v2 =	vmul.u32 $0x4AB, v2  }
0x65: {  	s0 =	sand.u32 $0x70, s0;
	s1 =	sshrl.u32 s1, $0x2  }
0x66: {  	s0 =	sor.u32 s0, s1;
	v2 =	vadd.s32 v3, v2  }
0x67: {  	[tilespmem:s0+$0x1A000] =	vst v2  }
0x68: {  	s1 =	simm.s32 $0x1A000;
	[bflag:$0x0] =	sbarrier.arrive $0xFFFF  }
0x69: {  	[spmem:s2] =	stream.indirect.scatter.add.f32 [tilespmem:s26], [sflag:$0x1], $0x1, s1, s21, $0xb8;
	[tilespmem:$0x1E080] =	vst v63  }
0x6a: {  	_ =	swait.ge [sflag:s20], $0x80  }
0x6b: {  	[sflag:s20] =	ssyncset.done $0x0  }
0x6c: {  	s23 =	simm.s32 $0x1A080;
	[sflag:s20] =	ssyncadd.s32 $0xFFFFFF80  }
0x6d: {  	[spmem:s2] =	stream.indirect.scatter.add.f32 [tilespmem:s26], [sflag:$0x1], $0x1, s23, s21, $0xb8;
	[tilespmem:$0x1E080] =	vst v63  }
0x6e: {  	_ =	swait.ge [sflag:s20], $0x80  }
0x6f: {  	[sflag:s20] =	ssyncset.done $0x0  }
0x70: {  	s24 =	simm.s32 $0x1A100;
	[sflag:s20] =	ssyncadd.s32 $0xFFFFFF80  }
0x71: {  	[spmem:s2] =	stream.indirect.scatter.add.f32 [tilespmem:s26], [sflag:$0x1], $0x1, s24, s21, $0xb8;
	[tilespmem:$0x1E080] =	vst v63  }
0x72: {  	_ =	swait.ge [sflag:s20], $0x80  }
0x73: {  	[sflag:s20] =	ssyncset.done $0x0  }
0x74: {  	s25 =	simm.s32 $0x1A180;
	[sflag:s20] =	ssyncadd.s32 $0xFFFFFF80  }
0x75: {  	[spmem:s2] =	stream.indirect.scatter.add.f32 [tilespmem:s26], [sflag:$0x1], $0x1, s25, s21, $0xb8;
	[tilespmem:$0x1E080] =	vst v63  }
0x76: {  	_ =	swait.ge [sflag:s20], $0x80  }
0x77: {  	[sflag:s20] =	ssyncset.done $0x0  }
0x78: {  	s1 =	simm.s32 $0x1A200;
	[sflag:s20] =	ssyncadd.s32 $0xFFFFFF80  }
0x79: {  	[spmem:s2] =	stream.indirect.scatter.add.f32 [tilespmem:s26], [sflag:$0x1], $0x1, s1, s21, $0xb8;
	[tilespmem:$0x1E080] =	vst v63  }
0x7a: {  	_ =	swait.ge [sflag:s20], $0x80  }
0x7b: {  	[sflag:s20] =	ssyncset.done $0x0  }
0x7c: {  	s23 =	simm.s32 $0x1A280;
	[sflag:s20] =	ssyncadd.s32 $0xFFFFFF80  }
0x7d: {  	[spmem:s2] =	stream.indirect.scatter.add.f32 [tilespmem:s26], [sflag:$0x1], $0x1, s23, s21, $0xb8;
	[tilespmem:$0x1E080] =	vst v63  }
0x7e: {  	_ =	swait.ge [sflag:s20], $0x80  }
0x7f: {  	[sflag:s20] =	ssyncset.done $0x0  }
0x80: {  	s24 =	simm.s32 $0x1A300;
	[sflag:s20] =	ssyncadd.s32 $0xFFFFFF80  }
0x81: {  	[spmem:s2] =	stream.indirect.scatter.add.f32 [tilespmem:s26], [sflag:$0x1], $0x1, s24, s21, $0xb8;
	[tilespmem:$0x1E080] =	vst v63  }
0x82: {  	_ =	swait.ge [sflag:s20], $0x80  }
0x83: {  	[sflag:s20] =	ssyncset.done $0x0  }
0x84: {  	s25 =	simm.s32 $0x1A380;
	[sflag:s20] =	ssyncadd.s32 $0xFFFFFF80  }
0x85: {  	[spmem:s2] =	stream.indirect.scatter.add.f32 [tilespmem:s26], [sflag:$0x1], $0x1, s25, s21, $0xb8;
	[tilespmem:$0x1E080] =	vst v63  }
0x86: {  	_ =	swait.ge [sflag:s20], $0x80  }
0x87: {  	[sflag:s20] =	ssyncset.done $0x0  }
0x88: {  	s1 =	simm.s32 $0x1A400;
	[sflag:s20] =	ssyncadd.s32 $0xFFFFFF80  }
0x89: {  	[spmem:s2] =	stream.indirect.scatter.add.f32 [tilespmem:s26], [sflag:$0x1], $0x1, s1, s21, $0xb8;
	[tilespmem:$0x1E080] =	vst v63  }
0x8a: {  	_ =	swait.ge [sflag:s20], $0x80  }
0x8b: {  	[sflag:s20] =	ssyncset.done $0x0  }
0x8c: {  	s23 =	simm.s32 $0x1A480;
	[sflag:s20] =	ssyncadd.s32 $0xFFFFFF80  }
0x8d: {  	[spmem:s2] =	stream.indirect.scatter.add.f32 [tilespmem:s26], [sflag:$0x1], $0x1, s23, s21, $0xb8;
	[tilespmem:$0x1E080] =	vst v63  }
0x8e: {  	_ =	swait.ge [sflag:s20], $0x80  }
0x8f: {  	[sflag:s20] =	ssyncset.done $0x0  }
0x90: {  	s24 =	simm.s32 $0x1A500;
	[sflag:s20] =	ssyncadd.s32 $0xFFFFFF80  }
0x91: {  	[spmem:s2] =	stream.indirect.scatter.add.f32 [tilespmem:s26], [sflag:$0x1], $0x1, s24, s21, $0xb8;
	[tilespmem:$0x1E080] =	vst v63  }
0x92: {  	_ =	swait.ge [sflag:s20], $0x80  }
0x93: {  	[sflag:s20] =	ssyncset.done $0x0  }
0x94: {  	s25 =	simm.s32 $0x1A580;
	[sflag:s20] =	ssyncadd.s32 $0xFFFFFF80  }
0x95: {  	[spmem:s2] =	stream.indirect.scatter.add.f32 [tilespmem:s26], [sflag:$0x1], $0x1, s25, s21, $0xb8;
	[tilespmem:$0x1E080] =	vst v63  }
0x96: {  	_ =	swait.ge [sflag:s20], $0x80  }
0x97: {  	[sflag:s20] =	ssyncset.done $0x0  }
0x98: {  	s1 =	simm.s32 $0x1A600;
	[sflag:s20] =	ssyncadd.s32 $0xFFFFFF80  }
0x99: {  	[spmem:s2] =	stream.indirect.scatter.add.f32 [tilespmem:s26], [sflag:$0x1], $0x1, s1, s21, $0xb8;
	[tilespmem:$0x1E080] =	vst v63  }
0x9a: {  	_ =	swait.ge [sflag:s20], $0x80  }
0x9b: {  	[sflag:s20] =	ssyncset.done $0x0  }
0x9c: {  	s23 =	simm.s32 $0x1A680;
	[sflag:s20] =	ssyncadd.s32 $0xFFFFFF80  }
0x9d: {  	[spmem:s2] =	stream.indirect.scatter.add.f32 [tilespmem:s26], [sflag:$0x1], $0x1, s23, s21, $0xb8;
	[tilespmem:$0x1E080] =	vst v63  }
0x9e: {  	_ =	swait.ge [sflag:s20], $0x80  }
0x9f: {  	[sflag:s20] =	ssyncset.done $0x0  }
0xa0: {  	s24 =	simm.s32 $0x1A700;
	[sflag:s20] =	ssyncadd.s32 $0xFFFFFF80  }
0xa1: {  	[spmem:s2] =	stream.indirect.scatter.add.f32 [tilespmem:s26], [sflag:$0x1], $0x1, s24, s21, $0xb8;
	[tilespmem:$0x1E080] =	vst v63  }
0xa2: {  	_ =	swait.ge [sflag:s20], $0x80  }
0xa3: {  	[sflag:s20] =	ssyncset.done $0x0  }
0xa4: {  	s25 =	simm.s32 $0x1A780;
	[sflag:s20] =	ssyncadd.s32 $0xFFFFFF80  }
0xa5: {  	[spmem:s2] =	stream.indirect.scatter.add.f32 [tilespmem:s26], [sflag:$0x1], $0x1, s25, s21, $0xb8;
	[tilespmem:$0x1E080] =	vst v63  }
0xa6: {  	_ =	swait.ge [sflag:s20], $0x80  }
0xa7: {  	[sflag:s20] =	ssyncset.done $0x0  }
0xa8: {  	s1 =	simm.s32 $0x1A800;
	[sflag:s20] =	ssyncadd.s32 $0xFFFFFF80  }
0xa9: {  	[spmem:s2] =	stream.indirect.scatter.add.f32 [tilespmem:s26], [sflag:$0x1], $0x1, s1, s21, $0xb8;
	[tilespmem:$0x1E080] =	vst v63  }
0xaa: {  	_ =	swait.ge [sflag:s20], $0x80  }
0xab: {  	[sflag:s20] =	ssyncset.done $0x0  }
0xac: {  	s23 =	simm.s32 $0x1A880;
	[sflag:s20] =	ssyncadd.s32 $0xFFFFFF80  }
0xad: {  	[spmem:s2] =	stream.indirect.scatter.add.f32 [tilespmem:s26], [sflag:$0x1], $0x1, s23, s21, $0xb8;
	[tilespmem:$0x1E080] =	vst v63  }
0xae: {  	_ =	swait.ge [sflag:s20], $0x80  }
0xaf: {  	[sflag:s20] =	ssyncset.done $0x0  }
0xb0: {  	s24 =	simm.s32 $0x1A900;
	[sflag:s20] =	ssyncadd.s32 $0xFFFFFF80  }
0xb1: {  	[spmem:s2] =	stream.indirect.scatter.add.f32 [tilespmem:s26], [sflag:$0x1], $0x1, s24, s21, $0xb8;
	[tilespmem:$0x1E080] =	vst v63  }
0xb2: {  	_ =	swait.ge [sflag:s20], $0x80  }
0xb3: {  	[sflag:s20] =	ssyncset.done $0x0  }
0xb4: {  	s25 =	simm.s32 $0x1A980;
	[sflag:s20] =	ssyncadd.s32 $0xFFFFFF80  }
0xb5: {  	[spmem:s2] =	stream.indirect.scatter.add.f32 [tilespmem:s26], [sflag:$0x1], $0x1, s25, s21, $0xb8;
	[tilespmem:$0x1E080] =	vst v63  }
0xb6: {  	_ =	swait.ge [sflag:s20], $0x80  }
0xb7: {  	[sflag:s20] =	ssyncset.done $0x0  }
0xb8: {  	s1 =	simm.s32 $0x1AA00;
	[sflag:s20] =	ssyncadd.s32 $0xFFFFFF80  }
0xb9: {  	[spmem:s2] =	stream.indirect.scatter.add.f32 [tilespmem:s26], [sflag:$0x1], $0x1, s1, s21, $0xb8;
	[tilespmem:$0x1E080] =	vst v63  }
0xba: {  	_ =	swait.ge [sflag:s20], $0x80  }
0xbb: {  	[sflag:s20] =	ssyncset.done $0x0  }
0xbc: {  	s23 =	simm.s32 $0x1AA80;
	[sflag:s20] =	ssyncadd.s32 $0xFFFFFF80  }
0xbd: {  	[spmem:s2] =	stream.indirect.scatter.add.f32 [tilespmem:s26], [sflag:$0x1], $0x1, s23, s21, $0xb8;
	[tilespmem:$0x1E080] =	vst v63  }
0xbe: {  	_ =	swait.ge [sflag:s20], $0x80  }
0xbf: {  	[sflag:s20] =	ssyncset.done $0x0  }
0xc0: {  	s24 =	simm.s32 $0x1AB00;
	[sflag:s20] =	ssyncadd.s32 $0xFFFFFF80  }
0xc1: {  	[spmem:s2] =	stream.indirect.scatter.add.f32 [tilespmem:s26], [sflag:$0x1], $0x1, s24, s21, $0xb8;
	[tilespmem:$0x1E080] =	vst v63  }
0xc2: {  	_ =	swait.ge [sflag:s20], $0x80  }
0xc3: {  	[sflag:s20] =	ssyncset.done $0x0  }
0xc4: {  	s25 =	simm.s32 $0x1AB80;
	[sflag:s20] =	ssyncadd.s32 $0xFFFFFF80  }
0xc5: {  	[spmem:s2] =	stream.indirect.scatter.add.f32 [tilespmem:s26], [sflag:$0x1], $0x1, s25, s21, $0xb8;
	[tilespmem:$0x1E080] =	vst v63  }
0xc6: {  	_ =	swait.ge [sflag:s20], $0x80  }
0xc7: {  	[sflag:s20] =	ssyncset.done $0x0  }
0xc8: {  	s1 =	simm.s32 $0x1AC00;
	[sflag:s20] =	ssyncadd.s32 $0xFFFFFF80  }
0xc9: {  	[spmem:s2] =	stream.indirect.scatter.add.f32 [tilespmem:s26], [sflag:$0x1], $0x1, s1, s21, $0xb8;
	[tilespmem:$0x1E080] =	vst v63  }
0xca: {  	_ =	swait.ge [sflag:s20], $0x80  }
0xcb: {  	[sflag:s20] =	ssyncset.done $0x0  }
0xcc: {  	s23 =	simm.s32 $0x1AC80;
	[sflag:s20] =	ssyncadd.s32 $0xFFFFFF80  }
0xcd: {  	[spmem:s2] =	stream.indirect.scatter.add.f32 [tilespmem:s26], [sflag:$0x1], $0x1, s23, s21, $0xb8;
	[tilespmem:$0x1E080] =	vst v63  }
0xce: {  	_ =	swait.ge [sflag:s20], $0x80  }
0xcf: {  	[sflag:s20] =	ssyncset.done $0x0  }
0xd0: {  	s24 =	simm.s32 $0x1AD00;
	[sflag:s20] =	ssyncadd.s32 $0xFFFFFF80  }
0xd1: {  	[spmem:s2] =	stream.indirect.scatter.add.f32 [tilespmem:s26], [sflag:$0x1], $0x1, s24, s21, $0xb8;
	[tilespmem:$0x1E080] =	vst v63  }
0xd2: {  	_ =	swait.ge [sflag:s20], $0x80  }
0xd3: {  	[sflag:s20] =	ssyncset.done $0x0  }
0xd4: {  	s25 =	simm.s32 $0x1AD80;
	[sflag:s20] =	ssyncadd.s32 $0xFFFFFF80  }
0xd5: {  	[spmem:s2] =	stream.indirect.scatter.add.f32 [tilespmem:s26], [sflag:$0x1], $0x1, s25, s21, $0xb8;
	[tilespmem:$0x1E080] =	vst v63  }
0xd6: {  	_ =	swait.ge [sflag:s20], $0x80  }
0xd7: {  	[sflag:s20] =	ssyncset.done $0x0  }
0xd8: {  	s1 =	simm.s32 $0x1AE00;
	[sflag:s20] =	ssyncadd.s32 $0xFFFFFF80  }
0xd9: {  	[spmem:s2] =	stream.indirect.scatter.add.f32 [tilespmem:s26], [sflag:$0x1], $0x1, s1, s21, $0xb8;
	[tilespmem:$0x1E080] =	vst v63  }
0xda: {  	_ =	swait.ge [sflag:s20], $0x80  }
0xdb: {  	[sflag:s20] =	ssyncset.done $0x0  }
0xdc: {  	s23 =	simm.s32 $0x1AE80;
	[sflag:s20] =	ssyncadd.s32 $0xFFFFFF80  }
0xdd: {  	[spmem:s2] =	stream.indirect.scatter.add.f32 [tilespmem:s26], [sflag:$0x1], $0x1, s23, s21, $0xb8;
	[tilespmem:$0x1E080] =	vst v63  }
0xde: {  	_ =	swait.ge [sflag:s20], $0x80  }
0xdf: {  	[sflag:s20] =	ssyncset.done $0x0  }
0xe0: {  	s24 =	simm.s32 $0x1AF00;
	[sflag:s20] =	ssyncadd.s32 $0xFFFFFF80  }
0xe1: {  	[spmem:s2] =	stream.indirect.scatter.add.f32 [tilespmem:s26], [sflag:$0x1], $0x1, s24, s21, $0xb8;
	[tilespmem:$0x1E080] =	vst v63  }
0xe2: {  	_ =	swait.ge [sflag:s20], $0x80  }
0xe3: {  	[sflag:s20] =	ssyncset.done $0x0  }
0xe4: {  	s25 =	simm.s32 $0x1AF80;
	[sflag:s20] =	ssyncadd.s32 $0xFFFFFF80  }
0xe5: {  	[spmem:s2] =	stream.indirect.scatter.add.f32 [tilespmem:s26], [sflag:$0x1], $0x1, s25, s21, $0xb8;
	[tilespmem:$0x1E080] =	vst v63  }
0xe6: {  	_ =	swait.ge [sflag:s20], $0x80  }
0xe7: {  	[sflag:s20] =	ssyncset.done $0x0  }
0xe8: {  	s1 =	simm.s32 $0x1B000;
	[sflag:s20] =	ssyncadd.s32 $0xFFFFFF80  }
0xe9: {  	[spmem:s2] =	stream.indirect.scatter.add.f32 [tilespmem:s26], [sflag:$0x1], $0x1, s1, s21, $0xb8;
	[tilespmem:$0x1E080] =	vst v63  }
0xea: {  	_ =	swait.ge [sflag:s20], $0x80  }
0xeb: {  	[sflag:s20] =	ssyncset.done $0x0  }
0xec: {  	s23 =	simm.s32 $0x1B080;
	[sflag:s20] =	ssyncadd.s32 $0xFFFFFF80  }
0xed: {  	[spmem:s2] =	stream.indirect.scatter.add.f32 [tilespmem:s26], [sflag:$0x1], $0x1, s23, s21, $0xb8;
	[tilespmem:$0x1E080] =	vst v63  }
0xee: {  	_ =	swait.ge [sflag:s20], $0x80  }
0xef: {  	[sflag:s20] =	ssyncset.done $0x0  }
0xf0: {  	s24 =	simm.s32 $0x1B100;
	[sflag:s20] =	ssyncadd.s32 $0xFFFFFF80  }
0xf1: {  	[spmem:s2] =	stream.indirect.scatter.add.f32 [tilespmem:s26], [sflag:$0x1], $0x1, s24, s21, $0xb8;
	[tilespmem:$0x1E080] =	vst v63  }
0xf2: {  	_ =	swait.ge [sflag:s20], $0x80  }
0xf3: {  	[sflag:s20] =	ssyncset.done $0x0  }
0xf4: {  	s25 =	simm.s32 $0x1B180;
	[sflag:s20] =	ssyncadd.s32 $0xFFFFFF80  }
0xf5: {  	[spmem:s2] =	stream.indirect.scatter.add.f32 [tilespmem:s26], [sflag:$0x1], $0x1, s25, s21, $0xb8;
	[tilespmem:$0x1E080] =	vst v63  }
0xf6: {  	_ =	swait.ge [sflag:s20], $0x80  }
0xf7: {  	[sflag:s20] =	ssyncset.done $0x0  }
0xf8: {  	s1 =	simm.s32 $0x1B200;
	[sflag:s20] =	ssyncadd.s32 $0xFFFFFF80  }
0xf9: {  	[spmem:s2] =	stream.indirect.scatter.add.f32 [tilespmem:s26], [sflag:$0x1], $0x1, s1, s21, $0xb8;
	[tilespmem:$0x1E080] =	vst v63  }
0xfa: {  	_ =	swait.ge [sflag:s20], $0x80  }
0xfb: {  	[sflag:s20] =	ssyncset.done $0x0  }
0xfc: {  	s23 =	simm.s32 $0x1B280;
	[sflag:s20] =	ssyncadd.s32 $0xFFFFFF80  }
0xfd: {  	[spmem:s2] =	stream.indirect.scatter.add.f32 [tilespmem:s26], [sflag:$0x1], $0x1, s23, s21, $0xb8;
	[tilespmem:$0x1E080] =	vst v63  }
0xfe: {  	_ =	swait.ge [sflag:s20], $0x80  }
0xff: {  	[sflag:s20] =	ssyncset.done $0x0  }
0x100: {  	s24 =	simm.s32 $0x1B300;
	[sflag:s20] =	ssyncadd.s32 $0xFFFFFF80  }
0x101: {  	[spmem:s2] =	stream.indirect.scatter.add.f32 [tilespmem:s26], [sflag:$0x1], $0x1, s24, s21, $0xb8;
	[tilespmem:$0x1E080] =	vst v63  }
0x102: {  	_ =	swait.ge [sflag:s20], $0x80  }
0x103: {  	[sflag:s20] =	ssyncset.done $0x0  }
0x104: {  	s25 =	simm.s32 $0x1B380;
	[sflag:s20] =	ssyncadd.s32 $0xFFFFFF80  }
0x105: {  	[spmem:s2] =	stream.indirect.scatter.add.f32 [tilespmem:s26], [sflag:$0x1], $0x1, s25, s21, $0xb8;
	[tilespmem:$0x1E080] =	vst v63  }
0x106: {  	_ =	swait.ge [sflag:s20], $0x80  }
0x107: {  	[sflag:s20] =	ssyncset.done $0x0  }
0x108: {  	s1 =	simm.s32 $0x1B400;
	[sflag:s20] =	ssyncadd.s32 $0xFFFFFF80  }
0x109: {  	[spmem:s2] =	stream.indirect.scatter.add.f32 [tilespmem:s26], [sflag:$0x1], $0x1, s1, s21, $0xb8;
	[tilespmem:$0x1E080] =	vst v63  }
0x10a: {  	_ =	swait.ge [sflag:s20], $0x80  }
0x10b: {  	[sflag:s20] =	ssyncset.done $0x0  }
0x10c: {  	s23 =	simm.s32 $0x1B480;
	[sflag:s20] =	ssyncadd.s32 $0xFFFFFF80  }
0x10d: {  	[spmem:s2] =	stream.indirect.scatter.add.f32 [tilespmem:s26], [sflag:$0x1], $0x1, s23, s21, $0xb8;
	[tilespmem:$0x1E080] =	vst v63  }
0x10e: {  	_ =	swait.ge [sflag:s20], $0x80  }
0x10f: {  	[sflag:s20] =	ssyncset.done $0x0  }
0x110: {  	s24 =	simm.s32 $0x1B500;
	[sflag:s20] =	ssyncadd.s32 $0xFFFFFF80  }
0x111: {  	[spmem:s2] =	stream.indirect.scatter.add.f32 [tilespmem:s26], [sflag:$0x1], $0x1, s24, s21, $0xb8;
	[tilespmem:$0x1E080] =	vst v63  }
0x112: {  	_ =	swait.ge [sflag:s20], $0x80  }
0x113: {  	[sflag:s20] =	ssyncset.done $0x0  }
0x114: {  	s25 =	simm.s32 $0x1B580;
	[sflag:s20] =	ssyncadd.s32 $0xFFFFFF80  }
0x115: {  	[spmem:s2] =	stream.indirect.scatter.add.f32 [tilespmem:s26], [sflag:$0x1], $0x1, s25, s21, $0xb8;
	[tilespmem:$0x1E080] =	vst v63  }
0x116: {  	_ =	swait.ge [sflag:s20], $0x80  }
0x117: {  	[sflag:s20] =	ssyncset.done $0x0  }
0x118: {  	s1 =	simm.s32 $0x1B600;
	[sflag:s20] =	ssyncadd.s32 $0xFFFFFF80  }
0x119: {  	[spmem:s2] =	stream.indirect.scatter.add.f32 [tilespmem:s26], [sflag:$0x1], $0x1, s1, s21, $0xb8;
	[tilespmem:$0x1E080] =	vst v63  }
0x11a: {  	_ =	swait.ge [sflag:s20], $0x80  }
0x11b: {  	[sflag:s20] =	ssyncset.done $0x0  }
0x11c: {  	s23 =	simm.s32 $0x1B680;
	[sflag:s20] =	ssyncadd.s32 $0xFFFFFF80  }
0x11d: {  	[spmem:s2] =	stream.indirect.scatter.add.f32 [tilespmem:s26], [sflag:$0x1], $0x1, s23, s21, $0xb8;
	[tilespmem:$0x1E080] =	vst v63  }
0x11e: {  	_ =	swait.ge [sflag:s20], $0x80  }
0x11f: {  	[sflag:s20] =	ssyncset.done $0x0  }
0x120: {  	s24 =	simm.s32 $0x1B700;
	[sflag:s20] =	ssyncadd.s32 $0xFFFFFF80  }
0x121: {  	[spmem:s2] =	stream.indirect.scatter.add.f32 [tilespmem:s26], [sflag:$0x1], $0x1, s24, s21, $0xb8;
	[tilespmem:$0x1E080] =	vst v63  }
0x122: {  	_ =	swait.ge [sflag:s20], $0x80  }
0x123: {  	[sflag:s20] =	ssyncset.done $0x0  }
0x124: {  	s25 =	simm.s32 $0x1B780;
	[sflag:s20] =	ssyncadd.s32 $0xFFFFFF80  }
0x125: {  	[spmem:s2] =	stream.indirect.scatter.add.f32 [tilespmem:s26], [sflag:$0x1], $0x1, s25, s21, $0xb8;
	[tilespmem:$0x1E080] =	vst v63  }
0x126: {  	_ =	swait.ge [sflag:s20], $0x80  }
0x127: {  	[sflag:s20] =	ssyncset.done $0x0  }
0x128: {  	s1 =	simm.s32 $0x1B800;
	[sflag:s20] =	ssyncadd.s32 $0xFFFFFF80  }
0x129: {  	[spmem:s2] =	stream.indirect.scatter.add.f32 [tilespmem:s26], [sflag:$0x1], $0x1, s1, s21, $0xb8;
	[tilespmem:$0x1E080] =	vst v63  }
0x12a: {  	_ =	swait.ge [sflag:s20], $0x80  }
0x12b: {  	[sflag:s20] =	ssyncset.done $0x0  }
0x12c: {  	s23 =	simm.s32 $0x1B880;
	[sflag:s20] =	ssyncadd.s32 $0xFFFFFF80  }
0x12d: {  	[spmem:s2] =	stream.indirect.scatter.add.f32 [tilespmem:s26], [sflag:$0x1], $0x1, s23, s21, $0xb8;
	[tilespmem:$0x1E080] =	vst v63  }
0x12e: {  	_ =	swait.ge [sflag:s20], $0x80  }
0x12f: {  	[sflag:s20] =	ssyncset.done $0x0  }
0x130: {  	s24 =	simm.s32 $0x1B900;
	[sflag:s20] =	ssyncadd.s32 $0xFFFFFF80  }
0x131: {  	[spmem:s2] =	stream.indirect.scatter.add.f32 [tilespmem:s26], [sflag:$0x1], $0x1, s24, s21, $0xb8;
	[tilespmem:$0x1E080] =	vst v63  }
0x132: {  	_ =	swait.ge [sflag:s20], $0x80  }
0x133: {  	[sflag:s20] =	ssyncset.done $0x0  }
0x134: {  	s25 =	simm.s32 $0x1B980;
	[sflag:s20] =	ssyncadd.s32 $0xFFFFFF80  }
0x135: {  	[spmem:s2] =	stream.indirect.scatter.add.f32 [tilespmem:s26], [sflag:$0x1], $0x1, s25, s21, $0xb8;
	[tilespmem:$0x1E080] =	vst v63  }
0x136: {  	_ =	swait.ge [sflag:s20], $0x80  }
0x137: {  	[sflag:s20] =	ssyncset.done $0x0  }
0x138: {  	s1 =	simm.s32 $0x1BA00;
	[sflag:s20] =	ssyncadd.s32 $0xFFFFFF80  }
0x139: {  	[spmem:s2] =	stream.indirect.scatter.add.f32 [tilespmem:s26], [sflag:$0x1], $0x1, s1, s21, $0xb8;
	[tilespmem:$0x1E080] =	vst v63  }
0x13a: {  	_ =	swait.ge [sflag:s20], $0x80  }
0x13b: {  	[sflag:s20] =	ssyncset.done $0x0  }
0x13c: {  	s23 =	simm.s32 $0x1BA80;
	[sflag:s20] =	ssyncadd.s32 $0xFFFFFF80  }
0x13d: {  	[spmem:s2] =	stream.indirect.scatter.add.f32 [tilespmem:s26], [sflag:$0x1], $0x1, s23, s21, $0xb8;
	[tilespmem:$0x1E080] =	vst v63  }
0x13e: {  	_ =	swait.ge [sflag:s20], $0x80  }
0x13f: {  	[sflag:s20] =	ssyncset.done $0x0  }
0x140: {  	s24 =	simm.s32 $0x1BB00;
	[sflag:s20] =	ssyncadd.s32 $0xFFFFFF80  }
0x141: {  	[spmem:s2] =	stream.indirect.scatter.add.f32 [tilespmem:s26], [sflag:$0x1], $0x1, s24, s21, $0xb8;
	[tilespmem:$0x1E080] =	vst v63  }
0x142: {  	_ =	swait.ge [sflag:s20], $0x80  }
0x143: {  	[sflag:s20] =	ssyncset.done $0x0  }
0x144: {  	s25 =	simm.s32 $0x1BB80;
	[sflag:s20] =	ssyncadd.s32 $0xFFFFFF80  }
0x145: {  	[spmem:s2] =	stream.indirect.scatter.add.f32 [tilespmem:s26], [sflag:$0x1], $0x1, s25, s21, $0xb8;
	[tilespmem:$0x1E080] =	vst v63  }
0x146: {  	_ =	swait.ge [sflag:s20], $0x80  }
0x147: {  	[sflag:s20] =	ssyncset.done $0x0  }
0x148: {  	s1 =	simm.s32 $0x1BC00;
	[sflag:s20] =	ssyncadd.s32 $0xFFFFFF80  }
0x149: {  	[spmem:s2] =	stream.indirect.scatter.add.f32 [tilespmem:s26], [sflag:$0x1], $0x1, s1, s21, $0xb8;
	[tilespmem:$0x1E080] =	vst v63  }
0x14a: {  	_ =	swait.ge [sflag:s20], $0x80  }
0x14b: {  	[sflag:s20] =	ssyncset.done $0x0  }
0x14c: {  	s23 =	simm.s32 $0x1BC80;
	[sflag:s20] =	ssyncadd.s32 $0xFFFFFF80  }
0x14d: {  	[spmem:s2] =	stream.indirect.scatter.add.f32 [tilespmem:s26], [sflag:$0x1], $0x1, s23, s21, $0xb8;
	[tilespmem:$0x1E080] =	vst v63  }
0x14e: {  	_ =	swait.ge [sflag:s20], $0x80  }
0x14f: {  	[sflag:s20] =	ssyncset.done $0x0  }
0x150: {  	s24 =	simm.s32 $0x1BD00;
	[sflag:s20] =	ssyncadd.s32 $0xFFFFFF80  }
0x151: {  	[spmem:s2] =	stream.indirect.scatter.add.f32 [tilespmem:s26], [sflag:$0x1], $0x1, s24, s21, $0xb8;
	[tilespmem:$0x1E080] =	vst v63  }
0x152: {  	_ =	swait.ge [sflag:s20], $0x80  }
0x153: {  	[sflag:s20] =	ssyncset.done $0x0  }
0x154: {  	s25 =	simm.s32 $0x1BD80;
	[sflag:s20] =	ssyncadd.s32 $0xFFFFFF80  }
0x155: {  	[spmem:s2] =	stream.indirect.scatter.add.f32 [tilespmem:s26], [sflag:$0x1], $0x1, s25, s21, $0xb8;
	[tilespmem:$0x1E080] =	vst v63  }
0x156: {  	_ =	swait.ge [sflag:s20], $0x80  }
0x157: {  	[sflag:s20] =	ssyncset.done $0x0  }
0x158: {  	s1 =	simm.s32 $0x1BE00;
	[sflag:s20] =	ssyncadd.s32 $0xFFFFFF80  }
0x159: {  	[spmem:s2] =	stream.indirect.scatter.add.f32 [tilespmem:s26], [sflag:$0x1], $0x1, s1, s21, $0xb8;
	[tilespmem:$0x1E080] =	vst v63  }
0x15a: {  	_ =	swait.ge [sflag:s20], $0x80  }
0x15b: {  	[sflag:s20] =	ssyncset.done $0x0  }
0x15c: {  	s23 =	simm.s32 $0x1BE80;
	[sflag:s20] =	ssyncadd.s32 $0xFFFFFF80  }
0x15d: {  	[spmem:s2] =	stream.indirect.scatter.add.f32 [tilespmem:s26], [sflag:$0x1], $0x1, s23, s21, $0xb8;
	[tilespmem:$0x1E080] =	vst v63  }
0x15e: {  	_ =	swait.ge [sflag:s20], $0x80  }
0x15f: {  	[sflag:s20] =	ssyncset.done $0x0  }
0x160: {  	[sflag:s20] =	ssyncadd.s32 $0xFFFFFF80  }
0x161: {  	[spmem:s2] =	stream.indirect.scatter.add.f32 [tilespmem:s26], [sflag:$0x1], $0x1, s28, s21, $0xb8;
	[tilespmem:$0x1E080] =	vst v63  }
0x162: {  	_ =	swait.ge [sflag:s20], $0x80  }
0x163: {  	[sflag:s20] =	ssyncset.done $0x0  }
0x164: {  	[sflag:s20] =	ssyncadd.s32 $0xFFFFFF80  }
0x165: {  	[spmem:s2] =	stream.indirect.scatter.add.f32 [tilespmem:s26], [sflag:$0x1], $0x1, s29, s21, $0xb8;
	[tilespmem:$0x1E080] =	vst v63  }
0x166: {  	s24 =	stileid.u32;
	_ =	swait.ge [sflag:s20], $0x80  }
0x167: {  	s3 =	sadd.s32 $0x1, s3;
	s0 =	sshll.u32 s24, $0x6;
	[sflag:s20] =	ssyncset.done $0x0  }
0x168: {  	p0 =	sne.s32 s3, s18;
	s0 =	sor.u32 $0x1C01, s0;
	[sflag:s20] =	ssyncadd.s32 $0xFFFFFF80  }
.Ltmp2:
0x169: {  	s25 =	sshrl.u32 s4, $0x3;
	[bflag:$0x0] =	sbarrier.arrive $0xFFFF;
	(pc) =	sbr.rel @p0 .LBB2_1-.Ltmp2, $4  }
0x16a: {  	[hbm:s17@s30], [sflag:s0] =	dma.strided [spmem:s25@s31], $0x2C00, s20, $0x10   }
0x16b: {  	_ =	swait.ge [sflag:s20], $0x2C00  }
0x16c: {  	[sflag:s20] =	ssyncset.done $0x0  }
0x16d: {  	[sflag:s20] =	ssyncadd.s32 $0xFFFFD400  }
0x16e: {  	_ =	sfence.sel $0x180000  }
0x16f: {  	[bflag:$0x0] =	sbarrier.arrive $0xFFFF  }
0x170: {  	_ =	strace $0x90000047  }
0x171: {  	s0 =	stileid.u32;
	[bflag:$0x2] =	sbarrier.arrive $0xFFFF  }
0x172: {  	p0 =	sne.s32 s0, $0x0;
	s0 =	rddreg [dreg:$0x3]  }
0x173: {  	s0 =	sadd.s32 @!p0 $0x100000, s0  }
0x174: {  	[sflag:s0] =	ssyncadd.tile.s32 @!p0 $0x1;
	_ =	shalt  }
.Lfunc_end2:
_tile_overlayer_lowered:
.L_overlay_start_2:
0x175: {  	(tag) =	ssettag $0x2  }
0x176: {  	s0 =	rddreg [dreg:$0x0];
	s2 =	stileid.u32  }
0x177: {  	s1 =	rddreg [dreg:$0x1];
	p0 =	sne.s32 s2, $0x0  }
0x178: {  	s3 =	rddreg [dreg:$0x2];
	[bflag:$0x3] =	sbarrier.arrive $0xFFFF;
	s2 =	simm.s32 @!p0 $0x1C01  }
0x179: {  	[timem:s3], [sflag:s2] =	dma.local @!p0 [hbm:s0], s1  }
0x17a: {  	s0 =	simm.s32 @!p0 $0x1  }
0x17b: {  	_ =	swait.ge @!p0 [sflag:s0], s1  }
0x17c: {  	s1 =	ssub.s32 @!p0 $0x0, s1;
	[sflag:s0] =	ssyncset.done @!p0 $0x0  }
0x17d: {  	[sflag:s0] =	ssyncadd.s32 @!p0 s1  }
0x17e: {  	[bflag:$0x3] =	sbarrier.arrive $0xFFFF  }
0x17f: {  	_ =	shalt  }

</sc_bundles>
